<compile_context>
chip_gen: v7x
topology: tpu7x:2x2x1
jax: 0.10.2.dev20260603
libtpu: 0.0.44.dev20260713+nightly
codegen_flags: <defaults>
</compile_context>

<pallas_src>
import functools

import jax
import jax.numpy as jnp
from jax import lax
from jax.experimental import pallas as pl
from jax.experimental.pallas import tpu as pltpu
from jax.experimental.pallas import tpu_sc as plsc

NUM_CORES = 2
NUM_SUBCORES = 16
NUM_WORKERS = NUM_CORES * NUM_SUBCORES
LANES = 16
CHUNK = 128
NBUF = 4


def _sc_embed(x2d, token_table, pos_table, *, n_rows, maxlen, embed):
    n_chunks_total = x2d.shape[0]
    n_chunks = n_chunks_total // NUM_WORKERS
    n_sub = embed // LANES

    mesh = plsc.VectorSubcoreMesh(core_axis_name="c", subcore_axis_name="s")

    @functools.partial(
        pl.kernel,
        mesh=mesh,
        out_type=jax.ShapeDtypeStruct((n_rows, embed), jnp.float32),
        scratch_types=(
            [pltpu.VMEM((n_chunks, CHUNK), jnp.int32),
             pltpu.VMEM((maxlen, embed), jnp.float32)]
            + [pltpu.VMEM((CHUNK, embed), jnp.float32) for _ in range(NBUF)]
            + [pltpu.SemaphoreType.DMA for _ in range(2 * NBUF)]
        ),
    )
    def run(*refs):
        x_hbm, tok_hbm, pos_hbm, out_hbm = refs[:4]
        idx_v, pos_v = refs[4:6]
        bufs = refs[6:6 + NBUF]
        sg = refs[6 + NBUF:6 + 2 * NBUF]
        sw = refs[6 + 2 * NBUF:6 + 3 * NBUF]

        wid = lax.axis_index("s") * NUM_CORES + lax.axis_index("c")
        cbase = wid * n_chunks
        pltpu.sync_copy(x_hbm.at[pl.ds(cbase, n_chunks)], idx_v)
        pltpu.sync_copy(pos_hbm, pos_v)

        def gather_start(k, j):
            pltpu.async_copy(tok_hbm.at[idx_v.at[k]], bufs[j], sg[j])

        def gather_wait(k, j):
            pltpu.make_async_copy(tok_hbm.at[idx_v.at[k]], bufs[j], sg[j]).wait()

        def wb_start(k, j):
            pltpu.async_copy(
                bufs[j], out_hbm.at[pl.ds((cbase + k) * CHUNK, CHUNK)], sw[j])

        def wb_wait(j):
            pltpu.make_async_copy(
                bufs[j], out_hbm.at[pl.ds(0, CHUNK)], sw[j]).wait()

        def add_pos(k, j):
            buf = bufs[j]
            phase = lax.rem(k * CHUNK, maxlen)
            w1 = jnp.minimum(maxlen - phase, CHUNK)

            def seg(off, lo, hi):
                @plsc.parallel_loop(lo, hi, unroll=4)
                def _(t):
                    pt = phase + t + off
                    for d in range(n_sub):
                        sl = pl.ds(d * LANES, LANES)
                        buf[t, sl] = buf[t, sl] + pos_v[pt, sl]

            seg(0, 0, w1)
            seg(-maxlen, w1, CHUNK)

        gather_start(0, 0)
        gather_start(1, 1)

        def outer_body(k0, _):
            for j in range(NBUF):
                k = k0 * NBUF + j
                jm = (j + 2) % NBUF
                gather_wait(k, j)

                @pl.when(jnp.logical_and(k >= 2, k + 2 < n_chunks))
                def _():
                    wb_wait(jm)

                @pl.when(k + 2 < n_chunks)
                def _():
                    gather_start(k + 2, jm)

                add_pos(k, j)
                wb_start(k, j)
            return 0

        lax.fori_loop(0, n_chunks // NBUF, outer_body, 0)
        for j in range(NBUF):
            wb_wait(j)

    return run(x2d, token_table, pos_table)


def kernel(x, token_table, pos_table):
    batch, maxlen = x.shape
    vocab, embed = token_table.shape
    n_rows = batch * maxlen
    x2d = x.reshape(n_rows // CHUNK, CHUNK).astype(jnp.int32)
    out = _sc_embed(x2d, token_table, pos_table,
                    n_rows=n_rows, maxlen=maxlen, embed=embed)
    return out.reshape(batch, maxlen, embed)

# --- scband reference (transcript-rebuilt; emitter-appended) ---
"""Pipeline reference for scband-token-and-position-embedding-13743895347620 (READ-ONLY COPY).

The authoritative reference and input builder live on the scoring server;
editing this copy changes nothing except your own understanding.
"""

import jax, jax.numpy as jnp
import numpy as np

MAXLEN = 200
VOCAB = 100000
EMBED = 128
BATCH = 4096


def setup_inputs(seed: int = 0) -> dict:
    key = jax.random.key(seed)
    k_x, k_tok, k_pos = jax.random.split(key, 3)
    x = jax.random.randint(k_x, (BATCH, MAXLEN), 0, VOCAB, dtype=jnp.int64 if jax.config.jax_enable_x64 else jnp.int32)
    token_table = jax.random.uniform(k_tok, (VOCAB, EMBED), dtype=jnp.float32, minval=-0.05, maxval=0.05)
    pos_table = jax.random.uniform(k_pos, (MAXLEN, EMBED), dtype=jnp.float32, minval=-0.05, maxval=0.05)
    return {"x": x, "token_table": token_table, "pos_table": pos_table}


def reference(x, token_table, pos_table):
    maxlen = x.shape[-1]
    positions = jnp.arange(0, maxlen)
    pos_emb = jnp.take(pos_table, positions, axis=0)  # [maxlen, embed]
    tok_emb = jnp.take(token_table, x, axis=0)        # [batch, maxlen, embed]
    return tok_emb + pos_emb[None, :, :]

if __name__ == "__main__":
    import jax
    _d = setup_inputs()
    print(jax.jit(kernel)(*tuple(_d.values())))

</pallas_src>

<mosaic_0001>
#map = affine_map<(d0, d1) -> (0, 0)>
module attributes {stable_mosaic.version = 14 : i64} {
  func.func @run(%arg0: i32, %arg1: i32, %arg2: memref<6400x128xi32, #tpu.memory_space<hbm>>, %arg3: memref<100000x128xf32, #tpu.memory_space<hbm>>, %arg4: memref<200x128xf32, #tpu.memory_space<hbm>>, %arg5: memref<819200x128xf32, #tpu.memory_space<hbm>>, %arg6: memref<200x128xi32, #tpu.memory_space<vmem>>, %arg7: memref<200x128xf32, #tpu.memory_space<vmem>>, %arg8: memref<128x128xf32, #tpu.memory_space<vmem>>, %arg9: memref<128x128xf32, #tpu.memory_space<vmem>>, %arg10: memref<128x128xf32, #tpu.memory_space<vmem>>, %arg11: memref<128x128xf32, #tpu.memory_space<vmem>>, %arg12: memref<!tpu.dma_semaphore, #tpu.memory_space<semaphore_mem>>, %arg13: memref<!tpu.dma_semaphore, #tpu.memory_space<semaphore_mem>>, %arg14: memref<!tpu.dma_semaphore, #tpu.memory_space<semaphore_mem>>, %arg15: memref<!tpu.dma_semaphore, #tpu.memory_space<semaphore_mem>>, %arg16: memref<!tpu.dma_semaphore, #tpu.memory_space<semaphore_mem>>, %arg17: memref<!tpu.dma_semaphore, #tpu.memory_space<semaphore_mem>>, %arg18: memref<!tpu.dma_semaphore, #tpu.memory_space<semaphore_mem>>, %arg19: memref<!tpu.dma_semaphore, #tpu.memory_space<semaphore_mem>>) attributes {dimension_semantics = [#tpu.dimension_semantics<core_parallel>, #tpu.dimension_semantics<subcore_parallel>], iteration_bounds = array<i64: 2, 16>, scalar_prefetch = 0 : i64, scratch_operands = 14 : i64, tpu.core_type = #tpu.core_type<sc_vector_subcore>, window_params = [{transform_indices = #map}, {transform_indices = #map}, {transform_indices = #map}, {transform_indices = #map}]} {
    %mul3A = arith.constant 2 : i32
    %mul3A_0 = arith.muli %arg1, %mul3A : i32
    %add3A = arith.addi %mul3A_0, %arg0 : i32
    %mul3A_1 = arith.constant 200 : i32
    %mul3A_2 = arith.muli %add3A, %mul3A_1 : i32
    "tpu.region"() ({
      %run_scoped3A = tpu.sem_alloc : memref<!tpu.dma_semaphore, #tpu.memory_space<semaphore_mem>>
      %dma_start3A_45 = arith.constant 0 : i32
      %dma_start3A_46 = tpu.memref_slice %arg2[%mul3A_2, %dma_start3A_45] : memref<6400x128xi32, #tpu.memory_space<hbm>> -> memref<200x128xi32, #tpu.memory_space<hbm>>
      %dma_start3A_47 = arith.constant 0 : i32
      %dma_start3A_48 = tpu.memref_slice %arg2[%mul3A_2, %dma_start3A_47] : memref<6400x128xi32, #tpu.memory_space<hbm>> -> memref<200x128xi32, #tpu.memory_space<hbm>>
      tpu.enqueue_dma source(%dma_start3A_48 : memref<200x128xi32, #tpu.memory_space<hbm>>) target(%arg6 : memref<200x128xi32, #tpu.memory_space<vmem>>) target_semaphore(%run_scoped3A : memref<!tpu.dma_semaphore, #tpu.memory_space<semaphore_mem>>)
      %dma_wait3A_49 = arith.constant 0 : i32
      %dma_wait3A_50 = tpu.memref_slice %arg2[%mul3A_2, %dma_wait3A_49] : memref<6400x128xi32, #tpu.memory_space<hbm>> -> memref<200x128xi32, #tpu.memory_space<hbm>>
      %dma_wait3A_51 = arith.constant 0 : i32
      %dma_wait3A_52 = tpu.memref_slice %arg2[%mul3A_2, %dma_wait3A_51] : memref<6400x128xi32, #tpu.memory_space<hbm>> -> memref<200x128xi32, #tpu.memory_space<hbm>>
      tpu.wait_dma2 semaphore(%run_scoped3A : memref<!tpu.dma_semaphore, #tpu.memory_space<semaphore_mem>>) src(%dma_wait3A_52 : memref<200x128xi32, #tpu.memory_space<hbm>>) dst(%arg6 : memref<200x128xi32, #tpu.memory_space<vmem>>)
      tpu.yield
    }) : () -> ()
    "tpu.region"() ({
      %run_scoped3A = tpu.sem_alloc : memref<!tpu.dma_semaphore, #tpu.memory_space<semaphore_mem>>
      tpu.enqueue_dma source(%arg4 : memref<200x128xf32, #tpu.memory_space<hbm>>) target(%arg7 : memref<200x128xf32, #tpu.memory_space<vmem>>) target_semaphore(%run_scoped3A : memref<!tpu.dma_semaphore, #tpu.memory_space<semaphore_mem>>)
      tpu.wait_dma2 semaphore(%run_scoped3A : memref<!tpu.dma_semaphore, #tpu.memory_space<semaphore_mem>>) src(%arg4 : memref<200x128xf32, #tpu.memory_space<hbm>>) dst(%arg7 : memref<200x128xf32, #tpu.memory_space<vmem>>)
      tpu.yield
    }) : () -> ()
    %dma_start3A = arith.constant 0 : i32
    %dma_start3A_3 = arith.constant 0 : i32
    %dma_start3A_4 = tpu.memref_slice %arg6[%dma_start3A, %dma_start3A_3] : memref<200x128xi32, #tpu.memory_space<vmem>> -> memref<1x128xi32, #tpu.memory_space<vmem>>
    %dma_start3A_5 = tpu.memref_squeeze %dma_start3A_4 : memref<1x128xi32, #tpu.memory_space<vmem>> -> memref<128xi32, #tpu.memory_space<vmem>>
    %dma_start3A_6 = arith.constant 0 : i32
    %dma_start3A_7 = arith.constant 0 : i32
    %dma_start3A_8 = tpu.memref_slice %arg3[%dma_start3A_6, %dma_start3A_7] : memref<100000x128xf32, #tpu.memory_space<hbm>> -> memref<100000x128xf32, #tpu.memory_space<hbm>>
    tpu.enqueue_indirect_dma source(%dma_start3A_8 : memref<100000x128xf32, #tpu.memory_space<hbm>>) target(%arg8 : memref<128x128xf32, #tpu.memory_space<vmem>>) offsets(%dma_start3A_5 : memref<128xi32, #tpu.memory_space<vmem>>) semaphore(%arg12 : memref<!tpu.dma_semaphore, #tpu.memory_space<semaphore_mem>>)
    %dma_start3A_9 = arith.constant 1 : i32
    %dma_start3A_10 = arith.constant 0 : i32
    %dma_start3A_11 = tpu.memref_slice %arg6[%dma_start3A_9, %dma_start3A_10] : memref<200x128xi32, #tpu.memory_space<vmem>> -> memref<1x128xi32, #tpu.memory_space<vmem>>
    %dma_start3A_12 = tpu.memref_squeeze %dma_start3A_11 : memref<1x128xi32, #tpu.memory_space<vmem>> -> memref<128xi32, #tpu.memory_space<vmem>>
    %dma_start3A_13 = arith.constant 0 : i32
    %dma_start3A_14 = arith.constant 0 : i32
    %dma_start3A_15 = tpu.memref_slice %arg3[%dma_start3A_13, %dma_start3A_14] : memref<100000x128xf32, #tpu.memory_space<hbm>> -> memref<100000x128xf32, #tpu.memory_space<hbm>>
    tpu.enqueue_indirect_dma source(%dma_start3A_15 : memref<100000x128xf32, #tpu.memory_space<hbm>>) target(%arg9 : memref<128x128xf32, #tpu.memory_space<vmem>>) offsets(%dma_start3A_12 : memref<128xi32, #tpu.memory_space<vmem>>) semaphore(%arg13 : memref<!tpu.dma_semaphore, #tpu.memory_space<semaphore_mem>>)
    %scan3A = arith.constant 0 : i32
    %scan3A_16 = arith.constant 0 : i32
    %scan3A_17 = arith.constant 50 : i32
    %scan3A_18 = arith.addi %scan3A_16, %scan3A_17 : i32
    %scan3A_19 = arith.constant 1 : i32
    %scan3A_20 = scf.for %scan3A_45 = %scan3A_16 to %scan3A_18 step %scan3A_19 iter_args(%scan3A_46 = %scan3A) -> (i32)  : i32 {
      %mul3A_47 = arith.constant 4 : i32
      %mul3A_48 = arith.muli %scan3A_45, %mul3A_47 : i32
      %add3A_49 = arith.constant 0 : i32
      %add3A_50 = arith.addi %mul3A_48, %add3A_49 : i32
      %dma_wait3A_51 = arith.constant 0 : i32
      %dma_wait3A_52 = tpu.memref_slice %arg6[%add3A_50, %dma_wait3A_51] : memref<200x128xi32, #tpu.memory_space<vmem>> -> memref<1x128xi32, #tpu.memory_space<vmem>>
      %dma_wait3A_53 = tpu.memref_squeeze %dma_wait3A_52 : memref<1x128xi32, #tpu.memory_space<vmem>> -> memref<128xi32, #tpu.memory_space<vmem>>
      %dma_wait3A_54 = arith.constant 0 : i32
      %dma_wait3A_55 = arith.constant 0 : i32
      %dma_wait3A_56 = tpu.memref_slice %arg3[%dma_wait3A_54, %dma_wait3A_55] : memref<100000x128xf32, #tpu.memory_space<hbm>> -> memref<100000x128xf32, #tpu.memory_space<hbm>>
      tpu.wait_indirect_dma semaphore(%arg12 : memref<!tpu.dma_semaphore, #tpu.memory_space<semaphore_mem>>) src(%dma_wait3A_56 : memref<100000x128xf32, #tpu.memory_space<hbm>>) dst(%arg8 : memref<128x128xf32, #tpu.memory_space<vmem>>)
      %ge3A = arith.constant 2 : i32
      %ge3A_57 = arith.cmpi sge, %add3A_50, %ge3A : i32
      %add3A_58 = arith.constant 2 : i32
      %add3A_59 = arith.addi %add3A_50, %add3A_58 : i32
      %lt3A = arith.constant 200 : i32
      %lt3A_60 = arith.cmpi slt, %add3A_59, %lt3A : i32
      %and3A = arith.andi %ge3A_57, %lt3A_60 : i1
      %convert_element_type3A = arith.extui %and3A : i1 to i32
      %cond3A = arith.constant 0 : i32
      %cond3A_61 = arith.cmpi ne, %convert_element_type3A, %cond3A : i32
      scf.if %cond3A_61 {
        %dma_wait3A_223 = arith.constant 0 : i32
        %dma_wait3A_224 = arith.constant 0 : i32
        %dma_wait3A_225 = tpu.memref_slice %arg5[%dma_wait3A_223, %dma_wait3A_224] : memref<819200x128xf32, #tpu.memory_space<hbm>> -> memref<128x128xf32, #tpu.memory_space<hbm>>
        %dma_wait3A_226 = arith.constant 0 : i32
        %dma_wait3A_227 = arith.constant 0 : i32
        %dma_wait3A_228 = tpu.memref_slice %arg5[%dma_wait3A_226, %dma_wait3A_227] : memref<819200x128xf32, #tpu.memory_space<hbm>> -> memref<128x128xf32, #tpu.memory_space<hbm>>
        tpu.wait_dma2 semaphore(%arg18 : memref<!tpu.dma_semaphore, #tpu.memory_space<semaphore_mem>>) src(%arg10 : memref<128x128xf32, #tpu.memory_space<vmem>>) dst(%dma_wait3A_228 : memref<128x128xf32, #tpu.memory_space<hbm>>)
      } else {
      }
      %add3A_62 = arith.constant 2 : i32
      %add3A_63 = arith.addi %add3A_50, %add3A_62 : i32
      %lt3A_64 = arith.constant 200 : i32
      %lt3A_65 = arith.cmpi slt, %add3A_63, %lt3A_64 : i32
      %convert_element_type3A_66 = arith.extui %lt3A_65 : i1 to i32
      %cond3A_67 = arith.constant 0 : i32
      %cond3A_68 = arith.cmpi ne, %convert_element_type3A_66, %cond3A_67 : i32
      scf.if %cond3A_68 {
        %add3A_223 = arith.constant 2 : i32
        %add3A_224 = arith.addi %add3A_50, %add3A_223 : i32
        %dma_start3A_225 = arith.constant 0 : i32
        %dma_start3A_226 = tpu.memref_slice %arg6[%add3A_224, %dma_start3A_225] : memref<200x128xi32, #tpu.memory_space<vmem>> -> memref<1x128xi32, #tpu.memory_space<vmem>>
        %dma_start3A_227 = tpu.memref_squeeze %dma_start3A_226 : memref<1x128xi32, #tpu.memory_space<vmem>> -> memref<128xi32, #tpu.memory_space<vmem>>
        %dma_start3A_228 = arith.constant 0 : i32
        %dma_start3A_229 = arith.constant 0 : i32
        %dma_start3A_230 = tpu.memref_slice %arg3[%dma_start3A_228, %dma_start3A_229] : memref<100000x128xf32, #tpu.memory_space<hbm>> -> memref<100000x128xf32, #tpu.memory_space<hbm>>
        tpu.enqueue_indirect_dma source(%dma_start3A_230 : memref<100000x128xf32, #tpu.memory_space<hbm>>) target(%arg10 : memref<128x128xf32, #tpu.memory_space<vmem>>) offsets(%dma_start3A_227 : memref<128xi32, #tpu.memory_space<vmem>>) semaphore(%arg14 : memref<!tpu.dma_semaphore, #tpu.memory_space<semaphore_mem>>)
      } else {
      }
      %mul3A_69 = arith.constant 128 : i32
      %mul3A_70 = arith.muli %add3A_50, %mul3A_69 : i32
      %rem3A = arith.constant 200 : i32
      %rem3A_71 = arith.remsi %mul3A_70, %rem3A : i32
      %sub3A = arith.constant 200 : i32
      %sub3A_72 = arith.subi %sub3A, %rem3A_71 : i32
      %min3A = arith.constant 128 : i32
      %min3A_73 = arith.minsi %sub3A_72, %min3A : i32
      %parallel_loop3A = arith.constant 0 : i32
      %parallel_loop3A_74 = arith.constant 1 : i32
      scf.for %parallel_loop3A_223 = %parallel_loop3A to %min3A_73 step %parallel_loop3A_74  : i32 {
        %parallel_loop3A_224 = arith.addi %rem3A_71, %parallel_loop3A_223 : i32
        %parallel_loop3A_225 = arith.constant 0 : i32
        %parallel_loop3A_226 = arith.addi %parallel_loop3A_224, %parallel_loop3A_225 : i32
        %parallel_loop3A_227 = arith.index_cast %parallel_loop3A_223 : i32 to index
        %parallel_loop3A_228 = arith.constant 0 : index
        %parallel_loop3A_229 = tpu.vector_load %arg8[%parallel_loop3A_227, %parallel_loop3A_228] {strides = array<i32>} : memref<128x128xf32, #tpu.memory_space<vmem>>, vector<1x16xf32>,
        %parallel_loop3A_230 = vector.shape_cast %parallel_loop3A_229 : vector<1x16xf32> to vector<16xf32>
        %parallel_loop3A_231 = arith.index_cast %parallel_loop3A_226 : i32 to index
        %parallel_loop3A_232 = arith.constant 0 : index
        %parallel_loop3A_233 = tpu.vector_load %arg7[%parallel_loop3A_231, %parallel_loop3A_232] {strides = array<i32>} : memref<200x128xf32, #tpu.memory_space<vmem>>, vector<1x16xf32>,
        %parallel_loop3A_234 = vector.shape_cast %parallel_loop3A_233 : vector<1x16xf32> to vector<16xf32>
        %parallel_loop3A_235 = arith.addf %parallel_loop3A_230, %parallel_loop3A_234 : vector<16xf32>
        %parallel_loop3A_236 = arith.index_cast %parallel_loop3A_223 : i32 to index
        %parallel_loop3A_237 = arith.constant 0 : index
        %parallel_loop3A_238 = tpu.vector_load %arg8[%parallel_loop3A_236, %parallel_loop3A_237] {strides = array<i32>} : memref<128x128xf32, #tpu.memory_space<vmem>>, vector<1x16xf32>,
        %parallel_loop3A_239 = vector.shape_cast %parallel_loop3A_238 : vector<1x16xf32> to vector<16xf32>
        %parallel_loop3A_240 = vector.shape_cast %parallel_loop3A_235 : vector<16xf32> to vector<1x16xf32>
        tpu.vector_store %arg8[%parallel_loop3A_236, %parallel_loop3A_237], %parallel_loop3A_240 {strides = array<i32>} : memref<128x128xf32, #tpu.memory_space<vmem>>, vector<1x16xf32>,
        %parallel_loop3A_241 = arith.index_cast %parallel_loop3A_223 : i32 to index
        %parallel_loop3A_242 = arith.constant 16 : index
        %parallel_loop3A_243 = tpu.vector_load %arg8[%parallel_loop3A_241, %parallel_loop3A_242] {strides = array<i32>} : memref<128x128xf32, #tpu.memory_space<vmem>>, vector<1x16xf32>,
        %parallel_loop3A_244 = vector.shape_cast %parallel_loop3A_243 : vector<1x16xf32> to vector<16xf32>
        %parallel_loop3A_245 = arith.index_cast %parallel_loop3A_226 : i32 to index
        %parallel_loop3A_246 = arith.constant 16 : index
        %parallel_loop3A_247 = tpu.vector_load %arg7[%parallel_loop3A_245, %parallel_loop3A_246] {strides = array<i32>} : memref<200x128xf32, #tpu.memory_space<vmem>>, vector<1x16xf32>,
        %parallel_loop3A_248 = vector.shape_cast %parallel_loop3A_247 : vector<1x16xf32> to vector<16xf32>
        %parallel_loop3A_249 = arith.addf %parallel_loop3A_244, %parallel_loop3A_248 : vector<16xf32>
        %parallel_loop3A_250 = arith.index_cast %parallel_loop3A_223 : i32 to index
        %parallel_loop3A_251 = arith.constant 16 : index
        %parallel_loop3A_252 = tpu.vector_load %arg8[%parallel_loop3A_250, %parallel_loop3A_251] {strides = array<i32>} : memref<128x128xf32, #tpu.memory_space<vmem>>, vector<1x16xf32>,
        %parallel_loop3A_253 = vector.shape_cast %parallel_loop3A_252 : vector<1x16xf32> to vector<16xf32>
        %parallel_loop3A_254 = vector.shape_cast %parallel_loop3A_249 : vector<16xf32> to vector<1x16xf32>
        tpu.vector_store %arg8[%parallel_loop3A_250, %parallel_loop3A_251], %parallel_loop3A_254 {strides = array<i32>} : memref<128x128xf32, #tpu.memory_space<vmem>>, vector<1x16xf32>,
        %parallel_loop3A_255 = arith.index_cast %parallel_loop3A_223 : i32 to index
        %parallel_loop3A_256 = arith.constant 32 : index
        %parallel_loop3A_257 = tpu.vector_load %arg8[%parallel_loop3A_255, %parallel_loop3A_256] {strides = array<i32>} : memref<128x128xf32, #tpu.memory_space<vmem>>, vector<1x16xf32>,
        %parallel_loop3A_258 = vector.shape_cast %parallel_loop3A_257 : vector<1x16xf32> to vector<16xf32>
        %parallel_loop3A_259 = arith.index_cast %parallel_loop3A_226 : i32 to index
        %parallel_loop3A_260 = arith.constant 32 : index
        %parallel_loop3A_261 = tpu.vector_load %arg7[%parallel_loop3A_259, %parallel_loop3A_260] {strides = array<i32>} : memref<200x128xf32, #tpu.memory_space<vmem>>, vector<1x16xf32>,
        %parallel_loop3A_262 = vector.shape_cast %parallel_loop3A_261 : vector<1x16xf32> to vector<16xf32>
        %parallel_loop3A_263 = arith.addf %parallel_loop3A_258, %parallel_loop3A_262 : vector<16xf32>
        %parallel_loop3A_264 = arith.index_cast %parallel_loop3A_223 : i32 to index
        %parallel_loop3A_265 = arith.constant 32 : index
        %parallel_loop3A_266 = tpu.vector_load %arg8[%parallel_loop3A_264, %parallel_loop3A_265] {strides = array<i32>} : memref<128x128xf32, #tpu.memory_space<vmem>>, vector<1x16xf32>,
        %parallel_loop3A_267 = vector.shape_cast %parallel_loop3A_266 : vector<1x16xf32> to vector<16xf32>
        %parallel_loop3A_268 = vector.shape_cast %parallel_loop3A_263 : vector<16xf32> to vector<1x16xf32>
        tpu.vector_store %arg8[%parallel_loop3A_264, %parallel_loop3A_265], %parallel_loop3A_268 {strides = array<i32>} : memref<128x128xf32, #tpu.memory_space<vmem>>, vector<1x16xf32>,
        %parallel_loop3A_269 = arith.index_cast %parallel_loop3A_223 : i32 to index
        %parallel_loop3A_270 = arith.constant 48 : index
        %parallel_loop3A_271 = tpu.vector_load %arg8[%parallel_loop3A_269, %parallel_loop3A_270] {strides = array<i32>} : memref<128x128xf32, #tpu.memory_space<vmem>>, vector<1x16xf32>,
        %parallel_loop3A_272 = vector.shape_cast %parallel_loop3A_271 : vector<1x16xf32> to vector<16xf32>
        %parallel_loop3A_273 = arith.index_cast %parallel_loop3A_226 : i32 to index
        %parallel_loop3A_274 = arith.constant 48 : index
        %parallel_loop3A_275 = tpu.vector_load %arg7[%parallel_loop3A_273, %parallel_loop3A_274] {strides = array<i32>} : memref<200x128xf32, #tpu.memory_space<vmem>>, vector<1x16xf32>,
        %parallel_loop3A_276 = vector.shape_cast %parallel_loop3A_275 : vector<1x16xf32> to vector<16xf32>
        %parallel_loop3A_277 = arith.addf %parallel_loop3A_272, %parallel_loop3A_276 : vector<16xf32>
        %parallel_loop3A_278 = arith.index_cast %parallel_loop3A_223 : i32 to index
        %parallel_loop3A_279 = arith.constant 48 : index
        %parallel_loop3A_280 = tpu.vector_load %arg8[%parallel_loop3A_278, %parallel_loop3A_279] {strides = array<i32>} : memref<128x128xf32, #tpu.memory_space<vmem>>, vector<1x16xf32>,
        %parallel_loop3A_281 = vector.shape_cast %parallel_loop3A_280 : vector<1x16xf32> to vector<16xf32>
        %parallel_loop3A_282 = vector.shape_cast %parallel_loop3A_277 : vector<16xf32> to vector<1x16xf32>
        tpu.vector_store %arg8[%parallel_loop3A_278, %parallel_loop3A_279], %parallel_loop3A_282 {strides = array<i32>} : memref<128x128xf32, #tpu.memory_space<vmem>>, vector<1x16xf32>,
        %parallel_loop3A_283 = arith.index_cast %parallel_loop3A_223 : i32 to index
        %parallel_loop3A_284 = arith.constant 64 : index
        %parallel_loop3A_285 = tpu.vector_load %arg8[%parallel_loop3A_283, %parallel_loop3A_284] {strides = array<i32>} : memref<128x128xf32, #tpu.memory_space<vmem>>, vector<1x16xf32>,
        %parallel_loop3A_286 = vector.shape_cast %parallel_loop3A_285 : vector<1x16xf32> to vector<16xf32>
        %parallel_loop3A_287 = arith.index_cast %parallel_loop3A_226 : i32 to index
        %parallel_loop3A_288 = arith.constant 64 : index
        %parallel_loop3A_289 = tpu.vector_load %arg7[%parallel_loop3A_287, %parallel_loop3A_288] {strides = array<i32>} : memref<200x128xf32, #tpu.memory_space<vmem>>, vector<1x16xf32>,
        %parallel_loop3A_290 = vector.shape_cast %parallel_loop3A_289 : vector<1x16xf32> to vector<16xf32>
        %parallel_loop3A_291 = arith.addf %parallel_loop3A_286, %parallel_loop3A_290 : vector<16xf32>
        %parallel_loop3A_292 = arith.index_cast %parallel_loop3A_223 : i32 to index
        %parallel_loop3A_293 = arith.constant 64 : index
        %parallel_loop3A_294 = tpu.vector_load %arg8[%parallel_loop3A_292, %parallel_loop3A_293] {strides = array<i32>} : memref<128x128xf32, #tpu.memory_space<vmem>>, vector<1x16xf32>,
        %parallel_loop3A_295 = vector.shape_cast %parallel_loop3A_294 : vector<1x16xf32> to vector<16xf32>
        %parallel_loop3A_296 = vector.shape_cast %parallel_loop3A_291 : vector<16xf32> to vector<1x16xf32>
        tpu.vector_store %arg8[%parallel_loop3A_292, %parallel_loop3A_293], %parallel_loop3A_296 {strides = array<i32>} : memref<128x128xf32, #tpu.memory_space<vmem>>, vector<1x16xf32>,
        %parallel_loop3A_297 = arith.index_cast %parallel_loop3A_223 : i32 to index
        %parallel_loop3A_298 = arith.constant 80 : index
        %parallel_loop3A_299 = tpu.vector_load %arg8[%parallel_loop3A_297, %parallel_loop3A_298] {strides = array<i32>} : memref<128x128xf32, #tpu.memory_space<vmem>>, vector<1x16xf32>,
        %parallel_loop3A_300 = vector.shape_cast %parallel_loop3A_299 : vector<1x16xf32> to vector<16xf32>
        %parallel_loop3A_301 = arith.index_cast %parallel_loop3A_226 : i32 to index
        %parallel_loop3A_302 = arith.constant 80 : index
        %parallel_loop3A_303 = tpu.vector_load %arg7[%parallel_loop3A_301, %parallel_loop3A_302] {strides = array<i32>} : memref<200x128xf32, #tpu.memory_space<vmem>>, vector<1x16xf32>,
        %parallel_loop3A_304 = vector.shape_cast %parallel_loop3A_303 : vector<1x16xf32> to vector<16xf32>
        %parallel_loop3A_305 = arith.addf %parallel_loop3A_300, %parallel_loop3A_304 : vector<16xf32>
        %parallel_loop3A_306 = arith.index_cast %parallel_loop3A_223 : i32 to index
        %parallel_loop3A_307 = arith.constant 80 : index
        %parallel_loop3A_308 = tpu.vector_load %arg8[%parallel_loop3A_306, %parallel_loop3A_307] {strides = array<i32>} : memref<128x128xf32, #tpu.memory_space<vmem>>, vector<1x16xf32>,
        %parallel_loop3A_309 = vector.shape_cast %parallel_loop3A_308 : vector<1x16xf32> to vector<16xf32>
        %parallel_loop3A_310 = vector.shape_cast %parallel_loop3A_305 : vector<16xf32> to vector<1x16xf32>
        tpu.vector_store %arg8[%parallel_loop3A_306, %parallel_loop3A_307], %parallel_loop3A_310 {strides = array<i32>} : memref<128x128xf32, #tpu.memory_space<vmem>>, vector<1x16xf32>,
        %parallel_loop3A_311 = arith.index_cast %parallel_loop3A_223 : i32 to index
        %parallel_loop3A_312 = arith.constant 96 : index
        %parallel_loop3A_313 = tpu.vector_load %arg8[%parallel_loop3A_311, %parallel_loop3A_312] {strides = array<i32>} : memref<128x128xf32, #tpu.memory_space<vmem>>, vector<1x16xf32>,
        %parallel_loop3A_314 = vector.shape_cast %parallel_loop3A_313 : vector<1x16xf32> to vector<16xf32>
        %parallel_loop3A_315 = arith.index_cast %parallel_loop3A_226 : i32 to index
        %parallel_loop3A_316 = arith.constant 96 : index
        %parallel_loop3A_317 = tpu.vector_load %arg7[%parallel_loop3A_315, %parallel_loop3A_316] {strides = array<i32>} : memref<200x128xf32, #tpu.memory_space<vmem>>, vector<1x16xf32>,
        %parallel_loop3A_318 = vector.shape_cast %parallel_loop3A_317 : vector<1x16xf32> to vector<16xf32>
        %parallel_loop3A_319 = arith.addf %parallel_loop3A_314, %parallel_loop3A_318 : vector<16xf32>
        %parallel_loop3A_320 = arith.index_cast %parallel_loop3A_223 : i32 to index
        %parallel_loop3A_321 = arith.constant 96 : index
        %parallel_loop3A_322 = tpu.vector_load %arg8[%parallel_loop3A_320, %parallel_loop3A_321] {strides = array<i32>} : memref<128x128xf32, #tpu.memory_space<vmem>>, vector<1x16xf32>,
        %parallel_loop3A_323 = vector.shape_cast %parallel_loop3A_322 : vector<1x16xf32> to vector<16xf32>
        %parallel_loop3A_324 = vector.shape_cast %parallel_loop3A_319 : vector<16xf32> to vector<1x16xf32>
        tpu.vector_store %arg8[%parallel_loop3A_320, %parallel_loop3A_321], %parallel_loop3A_324 {strides = array<i32>} : memref<128x128xf32, #tpu.memory_space<vmem>>, vector<1x16xf32>,
        %parallel_loop3A_325 = arith.index_cast %parallel_loop3A_223 : i32 to index
        %parallel_loop3A_326 = arith.constant 112 : index
        %parallel_loop3A_327 = tpu.vector_load %arg8[%parallel_loop3A_325, %parallel_loop3A_326] {strides = array<i32>} : memref<128x128xf32, #tpu.memory_space<vmem>>, vector<1x16xf32>,
        %parallel_loop3A_328 = vector.shape_cast %parallel_loop3A_327 : vector<1x16xf32> to vector<16xf32>
        %parallel_loop3A_329 = arith.index_cast %parallel_loop3A_226 : i32 to index
        %parallel_loop3A_330 = arith.constant 112 : index
        %parallel_loop3A_331 = tpu.vector_load %arg7[%parallel_loop3A_329, %parallel_loop3A_330] {strides = array<i32>} : memref<200x128xf32, #tpu.memory_space<vmem>>, vector<1x16xf32>,
        %parallel_loop3A_332 = vector.shape_cast %parallel_loop3A_331 : vector<1x16xf32> to vector<16xf32>
        %parallel_loop3A_333 = arith.addf %parallel_loop3A_328, %parallel_loop3A_332 : vector<16xf32>
        %parallel_loop3A_334 = arith.index_cast %parallel_loop3A_223 : i32 to index
        %parallel_loop3A_335 = arith.constant 112 : index
        %parallel_loop3A_336 = tpu.vector_load %arg8[%parallel_loop3A_334, %parallel_loop3A_335] {strides = array<i32>} : memref<128x128xf32, #tpu.memory_space<vmem>>, vector<1x16xf32>,
        %parallel_loop3A_337 = vector.shape_cast %parallel_loop3A_336 : vector<1x16xf32> to vector<16xf32>
        %parallel_loop3A_338 = vector.shape_cast %parallel_loop3A_333 : vector<16xf32> to vector<1x16xf32>
        tpu.vector_store %arg8[%parallel_loop3A_334, %parallel_loop3A_335], %parallel_loop3A_338 {strides = array<i32>} : memref<128x128xf32, #tpu.memory_space<vmem>>, vector<1x16xf32>,
      } {sc.loop_unroll_factor = 4 : i64, sc.parallel_access}
      %parallel_loop3A_75 = arith.constant 128 : i32
      %parallel_loop3A_76 = arith.constant 1 : i32
      scf.for %parallel_loop3A_223 = %min3A_73 to %parallel_loop3A_75 step %parallel_loop3A_76  : i32 {
        %parallel_loop3A_224 = arith.addi %rem3A_71, %parallel_loop3A_223 : i32
        %parallel_loop3A_225 = arith.constant -200 : i32
        %parallel_loop3A_226 = arith.addi %parallel_loop3A_224, %parallel_loop3A_225 : i32
        %parallel_loop3A_227 = arith.index_cast %parallel_loop3A_223 : i32 to index
        %parallel_loop3A_228 = arith.constant 0 : index
        %parallel_loop3A_229 = tpu.vector_load %arg8[%parallel_loop3A_227, %parallel_loop3A_228] {strides = array<i32>} : memref<128x128xf32, #tpu.memory_space<vmem>>, vector<1x16xf32>,
        %parallel_loop3A_230 = vector.shape_cast %parallel_loop3A_229 : vector<1x16xf32> to vector<16xf32>
        %parallel_loop3A_231 = arith.index_cast %parallel_loop3A_226 : i32 to index
        %parallel_loop3A_232 = arith.constant 0 : index
        %parallel_loop3A_233 = tpu.vector_load %arg7[%parallel_loop3A_231, %parallel_loop3A_232] {strides = array<i32>} : memref<200x128xf32, #tpu.memory_space<vmem>>, vector<1x16xf32>,
        %parallel_loop3A_234 = vector.shape_cast %parallel_loop3A_233 : vector<1x16xf32> to vector<16xf32>
        %parallel_loop3A_235 = arith.addf %parallel_loop3A_230, %parallel_loop3A_234 : vector<16xf32>
        %parallel_loop3A_236 = arith.index_cast %parallel_loop3A_223 : i32 to index
        %parallel_loop3A_237 = arith.constant 0 : index
        %parallel_loop3A_238 = tpu.vector_load %arg8[%parallel_loop3A_236, %parallel_loop3A_237] {strides = array<i32>} : memref<128x128xf32, #tpu.memory_space<vmem>>, vector<1x16xf32>,
        %parallel_loop3A_239 = vector.shape_cast %parallel_loop3A_238 : vector<1x16xf32> to vector<16xf32>
        %parallel_loop3A_240 = vector.shape_cast %parallel_loop3A_235 : vector<16xf32> to vector<1x16xf32>
        tpu.vector_store %arg8[%parallel_loop3A_236, %parallel_loop3A_237], %parallel_loop3A_240 {strides = array<i32>} : memref<128x128xf32, #tpu.memory_space<vmem>>, vector<1x16xf32>,
        %parallel_loop3A_241 = arith.index_cast %parallel_loop3A_223 : i32 to index
        %parallel_loop3A_242 = arith.constant 16 : index
        %parallel_loop3A_243 = tpu.vector_load %arg8[%parallel_loop3A_241, %parallel_loop3A_242] {strides = array<i32>} : memref<128x128xf32, #tpu.memory_space<vmem>>, vector<1x16xf32>,
        %parallel_loop3A_244 = vector.shape_cast %parallel_loop3A_243 : vector<1x16xf32> to vector<16xf32>
        %parallel_loop3A_245 = arith.index_cast %parallel_loop3A_226 : i32 to index
        %parallel_loop3A_246 = arith.constant 16 : index
        %parallel_loop3A_247 = tpu.vector_load %arg7[%parallel_loop3A_245, %parallel_loop3A_246] {strides = array<i32>} : memref<200x128xf32, #tpu.memory_space<vmem>>, vector<1x16xf32>,
        %parallel_loop3A_248 = vector.shape_cast %parallel_loop3A_247 : vector<1x16xf32> to vector<16xf32>
        %parallel_loop3A_249 = arith.addf %parallel_loop3A_244, %parallel_loop3A_248 : vector<16xf32>
        %parallel_loop3A_250 = arith.index_cast %parallel_loop3A_223 : i32 to index
        %parallel_loop3A_251 = arith.constant 16 : index
        %parallel_loop3A_252 = tpu.vector_load %arg8[%parallel_loop3A_250, %parallel_loop3A_251] {strides = array<i32>} : memref<128x128xf32, #tpu.memory_space<vmem>>, vector<1x16xf32>,
        %parallel_loop3A_253 = vector.shape_cast %parallel_loop3A_252 : vector<1x16xf32> to vector<16xf32>
        %parallel_loop3A_254 = vector.shape_cast %parallel_loop3A_249 : vector<16xf32> to vector<1x16xf32>
        tpu.vector_store %arg8[%parallel_loop3A_250, %parallel_loop3A_251], %parallel_loop3A_254 {strides = array<i32>} : memref<128x128xf32, #tpu.memory_space<vmem>>, vector<1x16xf32>,
        %parallel_loop3A_255 = arith.index_cast %parallel_loop3A_223 : i32 to index
        %parallel_loop3A_256 = arith.constant 32 : index
        %parallel_loop3A_257 = tpu.vector_load %arg8[%parallel_loop3A_255, %parallel_loop3A_256] {strides = array<i32>} : memref<128x128xf32, #tpu.memory_space<vmem>>, vector<1x16xf32>,
        %parallel_loop3A_258 = vector.shape_cast %parallel_loop3A_257 : vector<1x16xf32> to vector<16xf32>
        %parallel_loop3A_259 = arith.index_cast %parallel_loop3A_226 : i32 to index
        %parallel_loop3A_260 = arith.constant 32 : index
        %parallel_loop3A_261 = tpu.vector_load %arg7[%parallel_loop3A_259, %parallel_loop3A_260] {strides = array<i32>} : memref<200x128xf32, #tpu.memory_space<vmem>>, vector<1x16xf32>,
        %parallel_loop3A_262 = vector.shape_cast %parallel_loop3A_261 : vector<1x16xf32> to vector<16xf32>
        %parallel_loop3A_263 = arith.addf %parallel_loop3A_258, %parallel_loop3A_262 : vector<16xf32>
        %parallel_loop3A_264 = arith.index_cast %parallel_loop3A_223 : i32 to index
        %parallel_loop3A_265 = arith.constant 32 : index
        %parallel_loop3A_266 = tpu.vector_load %arg8[%parallel_loop3A_264, %parallel_loop3A_265] {strides = array<i32>} : memref<128x128xf32, #tpu.memory_space<vmem>>, vector<1x16xf32>,
        %parallel_loop3A_267 = vector.shape_cast %parallel_loop3A_266 : vector<1x16xf32> to vector<16xf32>
        %parallel_loop3A_268 = vector.shape_cast %parallel_loop3A_263 : vector<16xf32> to vector<1x16xf32>
        tpu.vector_store %arg8[%parallel_loop3A_264, %parallel_loop3A_265], %parallel_loop3A_268 {strides = array<i32>} : memref<128x128xf32, #tpu.memory_space<vmem>>, vector<1x16xf32>,
        %parallel_loop3A_269 = arith.index_cast %parallel_loop3A_223 : i32 to index
        %parallel_loop3A_270 = arith.constant 48 : index
        %parallel_loop3A_271 = tpu.vector_load %arg8[%parallel_loop3A_269, %parallel_loop3A_270] {strides = array<i32>} : memref<128x128xf32, #tpu.memory_space<vmem>>, vector<1x16xf32>,
        %parallel_loop3A_272 = vector.shape_cast %parallel_loop3A_271 : vector<1x16xf32> to vector<16xf32>
        %parallel_loop3A_273 = arith.index_cast %parallel_loop3A_226 : i32 to index
        %parallel_loop3A_274 = arith.constant 48 : index
        %parallel_loop3A_275 = tpu.vector_load %arg7[%parallel_loop3A_273, %parallel_loop3A_274] {strides = array<i32>} : memref<200x128xf32, #tpu.memory_space<vmem>>, vector<1x16xf32>,
        %parallel_loop3A_276 = vector.shape_cast %parallel_loop3A_275 : vector<1x16xf32> to vector<16xf32>
        %parallel_loop3A_277 = arith.addf %parallel_loop3A_272, %parallel_loop3A_276 : vector<16xf32>
        %parallel_loop3A_278 = arith.index_cast %parallel_loop3A_223 : i32 to index
        %parallel_loop3A_279 = arith.constant 48 : index
        %parallel_loop3A_280 = tpu.vector_load %arg8[%parallel_loop3A_278, %parallel_loop3A_279] {strides = array<i32>} : memref<128x128xf32, #tpu.memory_space<vmem>>, vector<1x16xf32>,
        %parallel_loop3A_281 = vector.shape_cast %parallel_loop3A_280 : vector<1x16xf32> to vector<16xf32>
        %parallel_loop3A_282 = vector.shape_cast %parallel_loop3A_277 : vector<16xf32> to vector<1x16xf32>
        tpu.vector_store %arg8[%parallel_loop3A_278, %parallel_loop3A_279], %parallel_loop3A_282 {strides = array<i32>} : memref<128x128xf32, #tpu.memory_space<vmem>>, vector<1x16xf32>,
        %parallel_loop3A_283 = arith.index_cast %parallel_loop3A_223 : i32 to index
        %parallel_loop3A_284 = arith.constant 64 : index
        %parallel_loop3A_285 = tpu.vector_load %arg8[%parallel_loop3A_283, %parallel_loop3A_284] {strides = array<i32>} : memref<128x128xf32, #tpu.memory_space<vmem>>, vector<1x16xf32>,
        %parallel_loop3A_286 = vector.shape_cast %parallel_loop3A_285 : vector<1x16xf32> to vector<16xf32>
        %parallel_loop3A_287 = arith.index_cast %parallel_loop3A_226 : i32 to index
        %parallel_loop3A_288 = arith.constant 64 : index
        %parallel_loop3A_289 = tpu.vector_load %arg7[%parallel_loop3A_287, %parallel_loop3A_288] {strides = array<i32>} : memref<200x128xf32, #tpu.memory_space<vmem>>, vector<1x16xf32>,
        %parallel_loop3A_290 = vector.shape_cast %parallel_loop3A_289 : vector<1x16xf32> to vector<16xf32>
        %parallel_loop3A_291 = arith.addf %parallel_loop3A_286, %parallel_loop3A_290 : vector<16xf32>
        %parallel_loop3A_292 = arith.index_cast %parallel_loop3A_223 : i32 to index
        %parallel_loop3A_293 = arith.constant 64 : index
        %parallel_loop3A_294 = tpu.vector_load %arg8[%parallel_loop3A_292, %parallel_loop3A_293] {strides = array<i32>} : memref<128x128xf32, #tpu.memory_space<vmem>>, vector<1x16xf32>,
        %parallel_loop3A_295 = vector.shape_cast %parallel_loop3A_294 : vector<1x16xf32> to vector<16xf32>
        %parallel_loop3A_296 = vector.shape_cast %parallel_loop3A_291 : vector<16xf32> to vector<1x16xf32>
        tpu.vector_store %arg8[%parallel_loop3A_292, %parallel_loop3A_293], %parallel_loop3A_296 {strides = array<i32>} : memref<128x128xf32, #tpu.memory_space<vmem>>, vector<1x16xf32>,
        %parallel_loop3A_297 = arith.index_cast %parallel_loop3A_223 : i32 to index
        %parallel_loop3A_298 = arith.constant 80 : index
        %parallel_loop3A_299 = tpu.vector_load %arg8[%parallel_loop3A_297, %parallel_loop3A_298] {strides = array<i32>} : memref<128x128xf32, #tpu.memory_space<vmem>>, vector<1x16xf32>,
        %parallel_loop3A_300 = vector.shape_cast %parallel_loop3A_299 : vector<1x16xf32> to vector<16xf32>
        %parallel_loop3A_301 = arith.index_cast %parallel_loop3A_226 : i32 to index
        %parallel_loop3A_302 = arith.constant 80 : index
        %parallel_loop3A_303 = tpu.vector_load %arg7[%parallel_loop3A_301, %parallel_loop3A_302] {strides = array<i32>} : memref<200x128xf32, #tpu.memory_space<vmem>>, vector<1x16xf32>,
        %parallel_loop3A_304 = vector.shape_cast %parallel_loop3A_303 : vector<1x16xf32> to vector<16xf32>
        %parallel_loop3A_305 = arith.addf %parallel_loop3A_300, %parallel_loop3A_304 : vector<16xf32>
        %parallel_loop3A_306 = arith.index_cast %parallel_loop3A_223 : i32 to index
        %parallel_loop3A_307 = arith.constant 80 : index
        %parallel_loop3A_308 = tpu.vector_load %arg8[%parallel_loop3A_306, %parallel_loop3A_307] {strides = array<i32>} : memref<128x128xf32, #tpu.memory_space<vmem>>, vector<1x16xf32>,
        %parallel_loop3A_309 = vector.shape_cast %parallel_loop3A_308 : vector<1x16xf32> to vector<16xf32>
        %parallel_loop3A_310 = vector.shape_cast %parallel_loop3A_305 : vector<16xf32> to vector<1x16xf32>
        tpu.vector_store %arg8[%parallel_loop3A_306, %parallel_loop3A_307], %parallel_loop3A_310 {strides = array<i32>} : memref<128x128xf32, #tpu.memory_space<vmem>>, vector<1x16xf32>,
        %parallel_loop3A_311 = arith.index_cast %parallel_loop3A_223 : i32 to index
        %parallel_loop3A_312 = arith.constant 96 : index
        %parallel_loop3A_313 = tpu.vector_load %arg8[%parallel_loop3A_311, %parallel_loop3A_312] {strides = array<i32>} : memref<128x128xf32, #tpu.memory_space<vmem>>, vector<1x16xf32>,
        %parallel_loop3A_314 = vector.shape_cast %parallel_loop3A_313 : vector<1x16xf32> to vector<16xf32>
        %parallel_loop3A_315 = arith.index_cast %parallel_loop3A_226 : i32 to index
        %parallel_loop3A_316 = arith.constant 96 : index
        %parallel_loop3A_317 = tpu.vector_load %arg7[%parallel_loop3A_315, %parallel_loop3A_316] {strides = array<i32>} : memref<200x128xf32, #tpu.memory_space<vmem>>, vector<1x16xf32>,
        %parallel_loop3A_318 = vector.shape_cast %parallel_loop3A_317 : vector<1x16xf32> to vector<16xf32>
        %parallel_loop3A_319 = arith.addf %parallel_loop3A_314, %parallel_loop3A_318 : vector<16xf32>
        %parallel_loop3A_320 = arith.index_cast %parallel_loop3A_223 : i32 to index
        %parallel_loop3A_321 = arith.constant 96 : index
        %parallel_loop3A_322 = tpu.vector_load %arg8[%parallel_loop3A_320, %parallel_loop3A_321] {strides = array<i32>} : memref<128x128xf32, #tpu.memory_space<vmem>>, vector<1x16xf32>,
        %parallel_loop3A_323 = vector.shape_cast %parallel_loop3A_322 : vector<1x16xf32> to vector<16xf32>
        %parallel_loop3A_324 = vector.shape_cast %parallel_loop3A_319 : vector<16xf32> to vector<1x16xf32>
        tpu.vector_store %arg8[%parallel_loop3A_320, %parallel_loop3A_321], %parallel_loop3A_324 {strides = array<i32>} : memref<128x128xf32, #tpu.memory_space<vmem>>, vector<1x16xf32>,
        %parallel_loop3A_325 = arith.index_cast %parallel_loop3A_223 : i32 to index
        %parallel_loop3A_326 = arith.constant 112 : index
        %parallel_loop3A_327 = tpu.vector_load %arg8[%parallel_loop3A_325, %parallel_loop3A_326] {strides = array<i32>} : memref<128x128xf32, #tpu.memory_space<vmem>>, vector<1x16xf32>,
        %parallel_loop3A_328 = vector.shape_cast %parallel_loop3A_327 : vector<1x16xf32> to vector<16xf32>
        %parallel_loop3A_329 = arith.index_cast %parallel_loop3A_226 : i32 to index
        %parallel_loop3A_330 = arith.constant 112 : index
        %parallel_loop3A_331 = tpu.vector_load %arg7[%parallel_loop3A_329, %parallel_loop3A_330] {strides = array<i32>} : memref<200x128xf32, #tpu.memory_space<vmem>>, vector<1x16xf32>,
        %parallel_loop3A_332 = vector.shape_cast %parallel_loop3A_331 : vector<1x16xf32> to vector<16xf32>
        %parallel_loop3A_333 = arith.addf %parallel_loop3A_328, %parallel_loop3A_332 : vector<16xf32>
        %parallel_loop3A_334 = arith.index_cast %parallel_loop3A_223 : i32 to index
        %parallel_loop3A_335 = arith.constant 112 : index
        %parallel_loop3A_336 = tpu.vector_load %arg8[%parallel_loop3A_334, %parallel_loop3A_335] {strides = array<i32>} : memref<128x128xf32, #tpu.memory_space<vmem>>, vector<1x16xf32>,
        %parallel_loop3A_337 = vector.shape_cast %parallel_loop3A_336 : vector<1x16xf32> to vector<16xf32>
        %parallel_loop3A_338 = vector.shape_cast %parallel_loop3A_333 : vector<16xf32> to vector<1x16xf32>
        tpu.vector_store %arg8[%parallel_loop3A_334, %parallel_loop3A_335], %parallel_loop3A_338 {strides = array<i32>} : memref<128x128xf32, #tpu.memory_space<vmem>>, vector<1x16xf32>,
      } {sc.loop_unroll_factor = 4 : i64, sc.parallel_access}
      %add3A_77 = arith.addi %mul3A_2, %add3A_50 : i32
      %mul3A_78 = arith.constant 128 : i32
      %mul3A_79 = arith.muli %add3A_77, %mul3A_78 : i32
      %dma_start3A_80 = arith.constant 0 : i32
      %dma_start3A_81 = tpu.memref_slice %arg5[%mul3A_79, %dma_start3A_80] : memref<819200x128xf32, #tpu.memory_space<hbm>> -> memref<128x128xf32, #tpu.memory_space<hbm>>
      %dma_start3A_82 = arith.constant 0 : i32
      %dma_start3A_83 = tpu.memref_slice %arg5[%mul3A_79, %dma_start3A_82] : memref<819200x128xf32, #tpu.memory_space<hbm>> -> memref<128x128xf32, #tpu.memory_space<hbm>>
      tpu.enqueue_dma source(%arg8 : memref<128x128xf32, #tpu.memory_space<vmem>>) target(%dma_start3A_83 : memref<128x128xf32, #tpu.memory_space<hbm>>) target_semaphore(%arg16 : memref<!tpu.dma_semaphore, #tpu.memory_space<semaphore_mem>>)
      %mul3A_84 = arith.constant 4 : i32
      %mul3A_85 = arith.muli %scan3A_45, %mul3A_84 : i32
      %add3A_86 = arith.constant 1 : i32
      %add3A_87 = arith.addi %mul3A_85, %add3A_86 : i32
      %dma_wait3A_88 = arith.constant 0 : i32
      %dma_wait3A_89 = tpu.memref_slice %arg6[%add3A_87, %dma_wait3A_88] : memref<200x128xi32, #tpu.memory_space<vmem>> -> memref<1x128xi32, #tpu.memory_space<vmem>>
      %dma_wait3A_90 = tpu.memref_squeeze %dma_wait3A_89 : memref<1x128xi32, #tpu.memory_space<vmem>> -> memref<128xi32, #tpu.memory_space<vmem>>
      %dma_wait3A_91 = arith.constant 0 : i32
      %dma_wait3A_92 = arith.constant 0 : i32
      %dma_wait3A_93 = tpu.memref_slice %arg3[%dma_wait3A_91, %dma_wait3A_92] : memref<100000x128xf32, #tpu.memory_space<hbm>> -> memref<100000x128xf32, #tpu.memory_space<hbm>>
      tpu.wait_indirect_dma semaphore(%arg13 : memref<!tpu.dma_semaphore, #tpu.memory_space<semaphore_mem>>) src(%dma_wait3A_93 : memref<100000x128xf32, #tpu.memory_space<hbm>>) dst(%arg9 : memref<128x128xf32, #tpu.memory_space<vmem>>)
      %ge3A_94 = arith.constant 2 : i32
      %ge3A_95 = arith.cmpi sge, %add3A_87, %ge3A_94 : i32
      %add3A_96 = arith.constant 2 : i32
      %add3A_97 = arith.addi %add3A_87, %add3A_96 : i32
      %lt3A_98 = arith.constant 200 : i32
      %lt3A_99 = arith.cmpi slt, %add3A_97, %lt3A_98 : i32
      %and3A_100 = arith.andi %ge3A_95, %lt3A_99 : i1
      %convert_element_type3A_101 = arith.extui %and3A_100 : i1 to i32
      %cond3A_102 = arith.constant 0 : i32
      %cond3A_103 = arith.cmpi ne, %convert_element_type3A_101, %cond3A_102 : i32
      scf.if %cond3A_103 {
        %dma_wait3A_223 = arith.constant 0 : i32
        %dma_wait3A_224 = arith.constant 0 : i32
        %dma_wait3A_225 = tpu.memref_slice %arg5[%dma_wait3A_223, %dma_wait3A_224] : memref<819200x128xf32, #tpu.memory_space<hbm>> -> memref<128x128xf32, #tpu.memory_space<hbm>>
        %dma_wait3A_226 = arith.constant 0 : i32
        %dma_wait3A_227 = arith.constant 0 : i32
        %dma_wait3A_228 = tpu.memref_slice %arg5[%dma_wait3A_226, %dma_wait3A_227] : memref<819200x128xf32, #tpu.memory_space<hbm>> -> memref<128x128xf32, #tpu.memory_space<hbm>>
        tpu.wait_dma2 semaphore(%arg19 : memref<!tpu.dma_semaphore, #tpu.memory_space<semaphore_mem>>) src(%arg11 : memref<128x128xf32, #tpu.memory_space<vmem>>) dst(%dma_wait3A_228 : memref<128x128xf32, #tpu.memory_space<hbm>>)
      } else {
      }
      %add3A_104 = arith.constant 2 : i32
      %add3A_105 = arith.addi %add3A_87, %add3A_104 : i32
      %lt3A_106 = arith.constant 200 : i32
      %lt3A_107 = arith.cmpi slt, %add3A_105, %lt3A_106 : i32
      %convert_element_type3A_108 = arith.extui %lt3A_107 : i1 to i32
      %cond3A_109 = arith.constant 0 : i32
      %cond3A_110 = arith.cmpi ne, %convert_element_type3A_108, %cond3A_109 : i32
      scf.if %cond3A_110 {
        %add3A_223 = arith.constant 2 : i32
        %add3A_224 = arith.addi %add3A_87, %add3A_223 : i32
        %dma_start3A_225 = arith.constant 0 : i32
        %dma_start3A_226 = tpu.memref_slice %arg6[%add3A_224, %dma_start3A_225] : memref<200x128xi32, #tpu.memory_space<vmem>> -> memref<1x128xi32, #tpu.memory_space<vmem>>
        %dma_start3A_227 = tpu.memref_squeeze %dma_start3A_226 : memref<1x128xi32, #tpu.memory_space<vmem>> -> memref<128xi32, #tpu.memory_space<vmem>>
        %dma_start3A_228 = arith.constant 0 : i32
        %dma_start3A_229 = arith.constant 0 : i32
        %dma_start3A_230 = tpu.memref_slice %arg3[%dma_start3A_228, %dma_start3A_229] : memref<100000x128xf32, #tpu.memory_space<hbm>> -> memref<100000x128xf32, #tpu.memory_space<hbm>>
        tpu.enqueue_indirect_dma source(%dma_start3A_230 : memref<100000x128xf32, #tpu.memory_space<hbm>>) target(%arg11 : memref<128x128xf32, #tpu.memory_space<vmem>>) offsets(%dma_start3A_227 : memref<128xi32, #tpu.memory_space<vmem>>) semaphore(%arg15 : memref<!tpu.dma_semaphore, #tpu.memory_space<semaphore_mem>>)
      } else {
      }
      %mul3A_111 = arith.constant 128 : i32
      %mul3A_112 = arith.muli %add3A_87, %mul3A_111 : i32
      %rem3A_113 = arith.constant 200 : i32
      %rem3A_114 = arith.remsi %mul3A_112, %rem3A_113 : i32
      %sub3A_115 = arith.constant 200 : i32
      %sub3A_116 = arith.subi %sub3A_115, %rem3A_114 : i32
      %min3A_117 = arith.constant 128 : i32
      %min3A_118 = arith.minsi %sub3A_116, %min3A_117 : i32
      %parallel_loop3A_119 = arith.constant 0 : i32
      %parallel_loop3A_120 = arith.constant 1 : i32
      scf.for %parallel_loop3A_223 = %parallel_loop3A_119 to %min3A_118 step %parallel_loop3A_120  : i32 {
        %parallel_loop3A_224 = arith.addi %rem3A_114, %parallel_loop3A_223 : i32
        %parallel_loop3A_225 = arith.constant 0 : i32
        %parallel_loop3A_226 = arith.addi %parallel_loop3A_224, %parallel_loop3A_225 : i32
        %parallel_loop3A_227 = arith.index_cast %parallel_loop3A_223 : i32 to index
        %parallel_loop3A_228 = arith.constant 0 : index
        %parallel_loop3A_229 = tpu.vector_load %arg9[%parallel_loop3A_227, %parallel_loop3A_228] {strides = array<i32>} : memref<128x128xf32, #tpu.memory_space<vmem>>, vector<1x16xf32>,
        %parallel_loop3A_230 = vector.shape_cast %parallel_loop3A_229 : vector<1x16xf32> to vector<16xf32>
        %parallel_loop3A_231 = arith.index_cast %parallel_loop3A_226 : i32 to index
        %parallel_loop3A_232 = arith.constant 0 : index
        %parallel_loop3A_233 = tpu.vector_load %arg7[%parallel_loop3A_231, %parallel_loop3A_232] {strides = array<i32>} : memref<200x128xf32, #tpu.memory_space<vmem>>, vector<1x16xf32>,
        %parallel_loop3A_234 = vector.shape_cast %parallel_loop3A_233 : vector<1x16xf32> to vector<16xf32>
        %parallel_loop3A_235 = arith.addf %parallel_loop3A_230, %parallel_loop3A_234 : vector<16xf32>
        %parallel_loop3A_236 = arith.index_cast %parallel_loop3A_223 : i32 to index
        %parallel_loop3A_237 = arith.constant 0 : index
        %parallel_loop3A_238 = tpu.vector_load %arg9[%parallel_loop3A_236, %parallel_loop3A_237] {strides = array<i32>} : memref<128x128xf32, #tpu.memory_space<vmem>>, vector<1x16xf32>,
        %parallel_loop3A_239 = vector.shape_cast %parallel_loop3A_238 : vector<1x16xf32> to vector<16xf32>
        %parallel_loop3A_240 = vector.shape_cast %parallel_loop3A_235 : vector<16xf32> to vector<1x16xf32>
        tpu.vector_store %arg9[%parallel_loop3A_236, %parallel_loop3A_237], %parallel_loop3A_240 {strides = array<i32>} : memref<128x128xf32, #tpu.memory_space<vmem>>, vector<1x16xf32>,
        %parallel_loop3A_241 = arith.index_cast %parallel_loop3A_223 : i32 to index
        %parallel_loop3A_242 = arith.constant 16 : index
        %parallel_loop3A_243 = tpu.vector_load %arg9[%parallel_loop3A_241, %parallel_loop3A_242] {strides = array<i32>} : memref<128x128xf32, #tpu.memory_space<vmem>>, vector<1x16xf32>,
        %parallel_loop3A_244 = vector.shape_cast %parallel_loop3A_243 : vector<1x16xf32> to vector<16xf32>
        %parallel_loop3A_245 = arith.index_cast %parallel_loop3A_226 : i32 to index
        %parallel_loop3A_246 = arith.constant 16 : index
        %parallel_loop3A_247 = tpu.vector_load %arg7[%parallel_loop3A_245, %parallel_loop3A_246] {strides = array<i32>} : memref<200x128xf32, #tpu.memory_space<vmem>>, vector<1x16xf32>,
        %parallel_loop3A_248 = vector.shape_cast %parallel_loop3A_247 : vector<1x16xf32> to vector<16xf32>
        %parallel_loop3A_249 = arith.addf %parallel_loop3A_244, %parallel_loop3A_248 : vector<16xf32>
        %parallel_loop3A_250 = arith.index_cast %parallel_loop3A_223 : i32 to index
        %parallel_loop3A_251 = arith.constant 16 : index
        %parallel_loop3A_252 = tpu.vector_load %arg9[%parallel_loop3A_250, %parallel_loop3A_251] {strides = array<i32>} : memref<128x128xf32, #tpu.memory_space<vmem>>, vector<1x16xf32>,
        %parallel_loop3A_253 = vector.shape_cast %parallel_loop3A_252 : vector<1x16xf32> to vector<16xf32>
        %parallel_loop3A_254 = vector.shape_cast %parallel_loop3A_249 : vector<16xf32> to vector<1x16xf32>
        tpu.vector_store %arg9[%parallel_loop3A_250, %parallel_loop3A_251], %parallel_loop3A_254 {strides = array<i32>} : memref<128x128xf32, #tpu.memory_space<vmem>>, vector<1x16xf32>,
        %parallel_loop3A_255 = arith.index_cast %parallel_loop3A_223 : i32 to index
        %parallel_loop3A_256 = arith.constant 32 : index
        %parallel_loop3A_257 = tpu.vector_load %arg9[%parallel_loop3A_255, %parallel_loop3A_256] {strides = array<i32>} : memref<128x128xf32, #tpu.memory_space<vmem>>, vector<1x16xf32>,
        %parallel_loop3A_258 = vector.shape_cast %parallel_loop3A_257 : vector<1x16xf32> to vector<16xf32>
        %parallel_loop3A_259 = arith.index_cast %parallel_loop3A_226 : i32 to index
        %parallel_loop3A_260 = arith.constant 32 : index
        %parallel_loop3A_261 = tpu.vector_load %arg7[%parallel_loop3A_259, %parallel_loop3A_260] {strides = array<i32>} : memref<200x128xf32, #tpu.memory_space<vmem>>, vector<1x16xf32>,
        %parallel_loop3A_262 = vector.shape_cast %parallel_loop3A_261 : vector<1x16xf32> to vector<16xf32>
        %parallel_loop3A_263 = arith.addf %parallel_loop3A_258, %parallel_loop3A_262 : vector<16xf32>
        %parallel_loop3A_264 = arith.index_cast %parallel_loop3A_223 : i32 to index
        %parallel_loop3A_265 = arith.constant 32 : index
        %parallel_loop3A_266 = tpu.vector_load %arg9[%parallel_loop3A_264, %parallel_loop3A_265] {strides = array<i32>} : memref<128x128xf32, #tpu.memory_space<vmem>>, vector<1x16xf32>,
        %parallel_loop3A_267 = vector.shape_cast %parallel_loop3A_266 : vector<1x16xf32> to vector<16xf32>
        %parallel_loop3A_268 = vector.shape_cast %parallel_loop3A_263 : vector<16xf32> to vector<1x16xf32>
        tpu.vector_store %arg9[%parallel_loop3A_264, %parallel_loop3A_265], %parallel_loop3A_268 {strides = array<i32>} : memref<128x128xf32, #tpu.memory_space<vmem>>, vector<1x16xf32>,
        %parallel_loop3A_269 = arith.index_cast %parallel_loop3A_223 : i32 to index
        %parallel_loop3A_270 = arith.constant 48 : index
        %parallel_loop3A_271 = tpu.vector_load %arg9[%parallel_loop3A_269, %parallel_loop3A_270] {strides = array<i32>} : memref<128x128xf32, #tpu.memory_space<vmem>>, vector<1x16xf32>,
        %parallel_loop3A_272 = vector.shape_cast %parallel_loop3A_271 : vector<1x16xf32> to vector<16xf32>
        %parallel_loop3A_273 = arith.index_cast %parallel_loop3A_226 : i32 to index
        %parallel_loop3A_274 = arith.constant 48 : index
        %parallel_loop3A_275 = tpu.vector_load %arg7[%parallel_loop3A_273, %parallel_loop3A_274] {strides = array<i32>} : memref<200x128xf32, #tpu.memory_space<vmem>>, vector<1x16xf32>,
        %parallel_loop3A_276 = vector.shape_cast %parallel_loop3A_275 : vector<1x16xf32> to vector<16xf32>
        %parallel_loop3A_277 = arith.addf %parallel_loop3A_272, %parallel_loop3A_276 : vector<16xf32>
        %parallel_loop3A_278 = arith.index_cast %parallel_loop3A_223 : i32 to index
        %parallel_loop3A_279 = arith.constant 48 : index
        %parallel_loop3A_280 = tpu.vector_load %arg9[%parallel_loop3A_278, %parallel_loop3A_279] {strides = array<i32>} : memref<128x128xf32, #tpu.memory_space<vmem>>, vector<1x16xf32>,
        %parallel_loop3A_281 = vector.shape_cast %parallel_loop3A_280 : vector<1x16xf32> to vector<16xf32>
        %parallel_loop3A_282 = vector.shape_cast %parallel_loop3A_277 : vector<16xf32> to vector<1x16xf32>
        tpu.vector_store %arg9[%parallel_loop3A_278, %parallel_loop3A_279], %parallel_loop3A_282 {strides = array<i32>} : memref<128x128xf32, #tpu.memory_space<vmem>>, vector<1x16xf32>,
        %parallel_loop3A_283 = arith.index_cast %parallel_loop3A_223 : i32 to index
        %parallel_loop3A_284 = arith.constant 64 : index
        %parallel_loop3A_285 = tpu.vector_load %arg9[%parallel_loop3A_283, %parallel_loop3A_284] {strides = array<i32>} : memref<128x128xf32, #tpu.memory_space<vmem>>, vector<1x16xf32>,
        %parallel_loop3A_286 = vector.shape_cast %parallel_loop3A_285 : vector<1x16xf32> to vector<16xf32>
        %parallel_loop3A_287 = arith.index_cast %parallel_loop3A_226 : i32 to index
        %parallel_loop3A_288 = arith.constant 64 : index
        %parallel_loop3A_289 = tpu.vector_load %arg7[%parallel_loop3A_287, %parallel_loop3A_288] {strides = array<i32>} : memref<200x128xf32, #tpu.memory_space<vmem>>, vector<1x16xf32>,
        %parallel_loop3A_290 = vector.shape_cast %parallel_loop3A_289 : vector<1x16xf32> to vector<16xf32>
        %parallel_loop3A_291 = arith.addf %parallel_loop3A_286, %parallel_loop3A_290 : vector<16xf32>
        %parallel_loop3A_292 = arith.index_cast %parallel_loop3A_223 : i32 to index
        %parallel_loop3A_293 = arith.constant 64 : index
        %parallel_loop3A_294 = tpu.vector_load %arg9[%parallel_loop3A_292, %parallel_loop3A_293] {strides = array<i32>} : memref<128x128xf32, #tpu.memory_space<vmem>>, vector<1x16xf32>,
        %parallel_loop3A_295 = vector.shape_cast %parallel_loop3A_294 : vector<1x16xf32> to vector<16xf32>
        %parallel_loop3A_296 = vector.shape_cast %parallel_loop3A_291 : vector<16xf32> to vector<1x16xf32>
        tpu.vector_store %arg9[%parallel_loop3A_292, %parallel_loop3A_293], %parallel_loop3A_296 {strides = array<i32>} : memref<128x128xf32, #tpu.memory_space<vmem>>, vector<1x16xf32>,
        %parallel_loop3A_297 = arith.index_cast %parallel_loop3A_223 : i32 to index
        %parallel_loop3A_298 = arith.constant 80 : index
        %parallel_loop3A_299 = tpu.vector_load %arg9[%parallel_loop3A_297, %parallel_loop3A_298] {strides = array<i32>} : memref<128x128xf32, #tpu.memory_space<vmem>>, vector<1x16xf32>,
        %parallel_loop3A_300 = vector.shape_cast %parallel_loop3A_299 : vector<1x16xf32> to vector<16xf32>
        %parallel_loop3A_301 = arith.index_cast %parallel_loop3A_226 : i32 to index
        %parallel_loop3A_302 = arith.constant 80 : index
        %parallel_loop3A_303 = tpu.vector_load %arg7[%parallel_loop3A_301, %parallel_loop3A_302] {strides = array<i32>} : memref<200x128xf32, #tpu.memory_space<vmem>>, vector<1x16xf32>,
        %parallel_loop3A_304 = vector.shape_cast %parallel_loop3A_303 : vector<1x16xf32> to vector<16xf32>
        %parallel_loop3A_305 = arith.addf %parallel_loop3A_300, %parallel_loop3A_304 : vector<16xf32>
        %parallel_loop3A_306 = arith.index_cast %parallel_loop3A_223 : i32 to index
        %parallel_loop3A_307 = arith.constant 80 : index
        %parallel_loop3A_308 = tpu.vector_load %arg9[%parallel_loop3A_306, %parallel_loop3A_307] {strides = array<i32>} : memref<128x128xf32, #tpu.memory_space<vmem>>, vector<1x16xf32>,
        %parallel_loop3A_309 = vector.shape_cast %parallel_loop3A_308 : vector<1x16xf32> to vector<16xf32>
        %parallel_loop3A_310 = vector.shape_cast %parallel_loop3A_305 : vector<16xf32> to vector<1x16xf32>
        tpu.vector_store %arg9[%parallel_loop3A_306, %parallel_loop3A_307], %parallel_loop3A_310 {strides = array<i32>} : memref<128x128xf32, #tpu.memory_space<vmem>>, vector<1x16xf32>,
        %parallel_loop3A_311 = arith.index_cast %parallel_loop3A_223 : i32 to index
        %parallel_loop3A_312 = arith.constant 96 : index
        %parallel_loop3A_313 = tpu.vector_load %arg9[%parallel_loop3A_311, %parallel_loop3A_312] {strides = array<i32>} : memref<128x128xf32, #tpu.memory_space<vmem>>, vector<1x16xf32>,
        %parallel_loop3A_314 = vector.shape_cast %parallel_loop3A_313 : vector<1x16xf32> to vector<16xf32>
        %parallel_loop3A_315 = arith.index_cast %parallel_loop3A_226 : i32 to index
        %parallel_loop3A_316 = arith.constant 96 : index
        %parallel_loop3A_317 = tpu.vector_load %arg7[%parallel_loop3A_315, %parallel_loop3A_316] {strides = array<i32>} : memref<200x128xf32, #tpu.memory_space<vmem>>, vector<1x16xf32>,
        %parallel_loop3A_318 = vector.shape_cast %parallel_loop3A_317 : vector<1x16xf32> to vector<16xf32>
        %parallel_loop3A_319 = arith.addf %parallel_loop3A_314, %parallel_loop3A_318 : vector<16xf32>
        %parallel_loop3A_320 = arith.index_cast %parallel_loop3A_223 : i32 to index
        %parallel_loop3A_321 = arith.constant 96 : index
        %parallel_loop3A_322 = tpu.vector_load %arg9[%parallel_loop3A_320, %parallel_loop3A_321] {strides = array<i32>} : memref<128x128xf32, #tpu.memory_space<vmem>>, vector<1x16xf32>,
        %parallel_loop3A_323 = vector.shape_cast %parallel_loop3A_322 : vector<1x16xf32> to vector<16xf32>
        %parallel_loop3A_324 = vector.shape_cast %parallel_loop3A_319 : vector<16xf32> to vector<1x16xf32>
        tpu.vector_store %arg9[%parallel_loop3A_320, %parallel_loop3A_321], %parallel_loop3A_324 {strides = array<i32>} : memref<128x128xf32, #tpu.memory_space<vmem>>, vector<1x16xf32>,
        %parallel_loop3A_325 = arith.index_cast %parallel_loop3A_223 : i32 to index
        %parallel_loop3A_326 = arith.constant 112 : index
        %parallel_loop3A_327 = tpu.vector_load %arg9[%parallel_loop3A_325, %parallel_loop3A_326] {strides = array<i32>} : memref<128x128xf32, #tpu.memory_space<vmem>>, vector<1x16xf32>,
        %parallel_loop3A_328 = vector.shape_cast %parallel_loop3A_327 : vector<1x16xf32> to vector<16xf32>
        %parallel_loop3A_329 = arith.index_cast %parallel_loop3A_226 : i32 to index
        %parallel_loop3A_330 = arith.constant 112 : index
        %parallel_loop3A_331 = tpu.vector_load %arg7[%parallel_loop3A_329, %parallel_loop3A_330] {strides = array<i32>} : memref<200x128xf32, #tpu.memory_space<vmem>>, vector<1x16xf32>,
        %parallel_loop3A_332 = vector.shape_cast %parallel_loop3A_331 : vector<1x16xf32> to vector<16xf32>
        %parallel_loop3A_333 = arith.addf %parallel_loop3A_328, %parallel_loop3A_332 : vector<16xf32>
        %parallel_loop3A_334 = arith.index_cast %parallel_loop3A_223 : i32 to index
        %parallel_loop3A_335 = arith.constant 112 : index
        %parallel_loop3A_336 = tpu.vector_load %arg9[%parallel_loop3A_334, %parallel_loop3A_335] {strides = array<i32>} : memref<128x128xf32, #tpu.memory_space<vmem>>, vector<1x16xf32>,
        %parallel_loop3A_337 = vector.shape_cast %parallel_loop3A_336 : vector<1x16xf32> to vector<16xf32>
        %parallel_loop3A_338 = vector.shape_cast %parallel_loop3A_333 : vector<16xf32> to vector<1x16xf32>
        tpu.vector_store %arg9[%parallel_loop3A_334, %parallel_loop3A_335], %parallel_loop3A_338 {strides = array<i32>} : memref<128x128xf32, #tpu.memory_space<vmem>>, vector<1x16xf32>,
      } {sc.loop_unroll_factor = 4 : i64, sc.parallel_access}
      %parallel_loop3A_121 = arith.constant 128 : i32
      %parallel_loop3A_122 = arith.constant 1 : i32
      scf.for %parallel_loop3A_223 = %min3A_118 to %parallel_loop3A_121 step %parallel_loop3A_122  : i32 {
        %parallel_loop3A_224 = arith.addi %rem3A_114, %parallel_loop3A_223 : i32
        %parallel_loop3A_225 = arith.constant -200 : i32
        %parallel_loop3A_226 = arith.addi %parallel_loop3A_224, %parallel_loop3A_225 : i32
        %parallel_loop3A_227 = arith.index_cast %parallel_loop3A_223 : i32 to index
        %parallel_loop3A_228 = arith.constant 0 : index
        %parallel_loop3A_229 = tpu.vector_load %arg9[%parallel_loop3A_227, %parallel_loop3A_228] {strides = array<i32>} : memref<128x128xf32, #tpu.memory_space<vmem>>, vector<1x16xf32>,
        %parallel_loop3A_230 = vector.shape_cast %parallel_loop3A_229 : vector<1x16xf32> to vector<16xf32>
        %parallel_loop3A_231 = arith.index_cast %parallel_loop3A_226 : i32 to index
        %parallel_loop3A_232 = arith.constant 0 : index
        %parallel_loop3A_233 = tpu.vector_load %arg7[%parallel_loop3A_231, %parallel_loop3A_232] {strides = array<i32>} : memref<200x128xf32, #tpu.memory_space<vmem>>, vector<1x16xf32>,
        %parallel_loop3A_234 = vector.shape_cast %parallel_loop3A_233 : vector<1x16xf32> to vector<16xf32>
        %parallel_loop3A_235 = arith.addf %parallel_loop3A_230, %parallel_loop3A_234 : vector<16xf32>
        %parallel_loop3A_236 = arith.index_cast %parallel_loop3A_223 : i32 to index
        %parallel_loop3A_237 = arith.constant 0 : index
        %parallel_loop3A_238 = tpu.vector_load %arg9[%parallel_loop3A_236, %parallel_loop3A_237] {strides = array<i32>} : memref<128x128xf32, #tpu.memory_space<vmem>>, vector<1x16xf32>,
        %parallel_loop3A_239 = vector.shape_cast %parallel_loop3A_238 : vector<1x16xf32> to vector<16xf32>
        %parallel_loop3A_240 = vector.shape_cast %parallel_loop3A_235 : vector<16xf32> to vector<1x16xf32>
        tpu.vector_store %arg9[%parallel_loop3A_236, %parallel_loop3A_237], %parallel_loop3A_240 {strides = array<i32>} : memref<128x128xf32, #tpu.memory_space<vmem>>, vector<1x16xf32>,
        %parallel_loop3A_241 = arith.index_cast %parallel_loop3A_223 : i32 to index
        %parallel_loop3A_242 = arith.constant 16 : index
        %parallel_loop3A_243 = tpu.vector_load %arg9[%parallel_loop3A_241, %parallel_loop3A_242] {strides = array<i32>} : memref<128x128xf32, #tpu.memory_space<vmem>>, vector<1x16xf32>,
        %parallel_loop3A_244 = vector.shape_cast %parallel_loop3A_243 : vector<1x16xf32> to vector<16xf32>
        %parallel_loop3A_245 = arith.index_cast %parallel_loop3A_226 : i32 to index
        %parallel_loop3A_246 = arith.constant 16 : index
        %parallel_loop3A_247 = tpu.vector_load %arg7[%parallel_loop3A_245, %parallel_loop3A_246] {strides = array<i32>} : memref<200x128xf32, #tpu.memory_space<vmem>>, vector<1x16xf32>,
        %parallel_loop3A_248 = vector.shape_cast %parallel_loop3A_247 : vector<1x16xf32> to vector<16xf32>
        %parallel_loop3A_249 = arith.addf %parallel_loop3A_244, %parallel_loop3A_248 : vector<16xf32>
        %parallel_loop3A_250 = arith.index_cast %parallel_loop3A_223 : i32 to index
        %parallel_loop3A_251 = arith.constant 16 : index
        %parallel_loop3A_252 = tpu.vector_load %arg9[%parallel_loop3A_250, %parallel_loop3A_251] {strides = array<i32>} : memref<128x128xf32, #tpu.memory_space<vmem>>, vector<1x16xf32>,
        %parallel_loop3A_253 = vector.shape_cast %parallel_loop3A_252 : vector<1x16xf32> to vector<16xf32>
        %parallel_loop3A_254 = vector.shape_cast %parallel_loop3A_249 : vector<16xf32> to vector<1x16xf32>
        tpu.vector_store %arg9[%parallel_loop3A_250, %parallel_loop3A_251], %parallel_loop3A_254 {strides = array<i32>} : memref<128x128xf32, #tpu.memory_space<vmem>>, vector<1x16xf32>,
        %parallel_loop3A_255 = arith.index_cast %parallel_loop3A_223 : i32 to index
        %parallel_loop3A_256 = arith.constant 32 : index
        %parallel_loop3A_257 = tpu.vector_load %arg9[%parallel_loop3A_255, %parallel_loop3A_256] {strides = array<i32>} : memref<128x128xf32, #tpu.memory_space<vmem>>, vector<1x16xf32>,
        %parallel_loop3A_258 = vector.shape_cast %parallel_loop3A_257 : vector<1x16xf32> to vector<16xf32>
        %parallel_loop3A_259 = arith.index_cast %parallel_loop3A_226 : i32 to index
        %parallel_loop3A_260 = arith.constant 32 : index
        %parallel_loop3A_261 = tpu.vector_load %arg7[%parallel_loop3A_259, %parallel_loop3A_260] {strides = array<i32>} : memref<200x128xf32, #tpu.memory_space<vmem>>, vector<1x16xf32>,
        %parallel_loop3A_262 = vector.shape_cast %parallel_loop3A_261 : vector<1x16xf32> to vector<16xf32>
        %parallel_loop3A_263 = arith.addf %parallel_loop3A_258, %parallel_loop3A_262 : vector<16xf32>
        %parallel_loop3A_264 = arith.index_cast %parallel_loop3A_223 : i32 to index
        %parallel_loop3A_265 = arith.constant 32 : index
        %parallel_loop3A_266 = tpu.vector_load %arg9[%parallel_loop3A_264, %parallel_loop3A_265] {strides = array<i32>} : memref<128x128xf32, #tpu.memory_space<vmem>>, vector<1x16xf32>,
        %parallel_loop3A_267 = vector.shape_cast %parallel_loop3A_266 : vector<1x16xf32> to vector<16xf32>
        %parallel_loop3A_268 = vector.shape_cast %parallel_loop3A_263 : vector<16xf32> to vector<1x16xf32>
        tpu.vector_store %arg9[%parallel_loop3A_264, %parallel_loop3A_265], %parallel_loop3A_268 {strides = array<i32>} : memref<128x128xf32, #tpu.memory_space<vmem>>, vector<1x16xf32>,
        %parallel_loop3A_269 = arith.index_cast %parallel_loop3A_223 : i32 to index
        %parallel_loop3A_270 = arith.constant 48 : index
        %parallel_loop3A_271 = tpu.vector_load %arg9[%parallel_loop3A_269, %parallel_loop3A_270] {strides = array<i32>} : memref<128x128xf32, #tpu.memory_space<vmem>>, vector<1x16xf32>,
        %parallel_loop3A_272 = vector.shape_cast %parallel_loop3A_271 : vector<1x16xf32> to vector<16xf32>
        %parallel_loop3A_273 = arith.index_cast %parallel_loop3A_226 : i32 to index
        %parallel_loop3A_274 = arith.constant 48 : index
        %parallel_loop3A_275 = tpu.vector_load %arg7[%parallel_loop3A_273, %parallel_loop3A_274] {strides = array<i32>} : memref<200x128xf32, #tpu.memory_space<vmem>>, vector<1x16xf32>,
        %parallel_loop3A_276 = vector.shape_cast %parallel_loop3A_275 : vector<1x16xf32> to vector<16xf32>
        %parallel_loop3A_277 = arith.addf %parallel_loop3A_272, %parallel_loop3A_276 : vector<16xf32>
        %parallel_loop3A_278 = arith.index_cast %parallel_loop3A_223 : i32 to index
        %parallel_loop3A_279 = arith.constant 48 : index
        %parallel_loop3A_280 = tpu.vector_load %arg9[%parallel_loop3A_278, %parallel_loop3A_279] {strides = array<i32>} : memref<128x128xf32, #tpu.memory_space<vmem>>, vector<1x16xf32>,
        %parallel_loop3A_281 = vector.shape_cast %parallel_loop3A_280 : vector<1x16xf32> to vector<16xf32>
        %parallel_loop3A_282 = vector.shape_cast %parallel_loop3A_277 : vector<16xf32> to vector<1x16xf32>
        tpu.vector_store %arg9[%parallel_loop3A_278, %parallel_loop3A_279], %parallel_loop3A_282 {strides = array<i32>} : memref<128x128xf32, #tpu.memory_space<vmem>>, vector<1x16xf32>,
        %parallel_loop3A_283 = arith.index_cast %parallel_loop3A_223 : i32 to index
        %parallel_loop3A_284 = arith.constant 64 : index
        %parallel_loop3A_285 = tpu.vector_load %arg9[%parallel_loop3A_283, %parallel_loop3A_284] {strides = array<i32>} : memref<128x128xf32, #tpu.memory_space<vmem>>, vector<1x16xf32>,
        %parallel_loop3A_286 = vector.shape_cast %parallel_loop3A_285 : vector<1x16xf32> to vector<16xf32>
        %parallel_loop3A_287 = arith.index_cast %parallel_loop3A_226 : i32 to index
        %parallel_loop3A_288 = arith.constant 64 : index
        %parallel_loop3A_289 = tpu.vector_load %arg7[%parallel_loop3A_287, %parallel_loop3A_288] {strides = array<i32>} : memref<200x128xf32, #tpu.memory_space<vmem>>, vector<1x16xf32>,
        %parallel_loop3A_290 = vector.shape_cast %parallel_loop3A_289 : vector<1x16xf32> to vector<16xf32>
        %parallel_loop3A_291 = arith.addf %parallel_loop3A_286, %parallel_loop3A_290 : vector<16xf32>
        %parallel_loop3A_292 = arith.index_cast %parallel_loop3A_223 : i32 to index
        %parallel_loop3A_293 = arith.constant 64 : index
        %parallel_loop3A_294 = tpu.vector_load %arg9[%parallel_loop3A_292, %parallel_loop3A_293] {strides = array<i32>} : memref<128x128xf32, #tpu.memory_space<vmem>>, vector<1x16xf32>,
        %parallel_loop3A_295 = vector.shape_cast %parallel_loop3A_294 : vector<1x16xf32> to vector<16xf32>
        %parallel_loop3A_296 = vector.shape_cast %parallel_loop3A_291 : vector<16xf32> to vector<1x16xf32>
        tpu.vector_store %arg9[%parallel_loop3A_292, %parallel_loop3A_293], %parallel_loop3A_296 {strides = array<i32>} : memref<128x128xf32, #tpu.memory_space<vmem>>, vector<1x16xf32>,
        %parallel_loop3A_297 = arith.index_cast %parallel_loop3A_223 : i32 to index
        %parallel_loop3A_298 = arith.constant 80 : index
        %parallel_loop3A_299 = tpu.vector_load %arg9[%parallel_loop3A_297, %parallel_loop3A_298] {strides = array<i32>} : memref<128x128xf32, #tpu.memory_space<vmem>>, vector<1x16xf32>,
        %parallel_loop3A_300 = vector.shape_cast %parallel_loop3A_299 : vector<1x16xf32> to vector<16xf32>
        %parallel_loop3A_301 = arith.index_cast %parallel_loop3A_226 : i32 to index
        %parallel_loop3A_302 = arith.constant 80 : index
        %parallel_loop3A_303 = tpu.vector_load %arg7[%parallel_loop3A_301, %parallel_loop3A_302] {strides = array<i32>} : memref<200x128xf32, #tpu.memory_space<vmem>>, vector<1x16xf32>,
        %parallel_loop3A_304 = vector.shape_cast %parallel_loop3A_303 : vector<1x16xf32> to vector<16xf32>
        %parallel_loop3A_305 = arith.addf %parallel_loop3A_300, %parallel_loop3A_304 : vector<16xf32>
        %parallel_loop3A_306 = arith.index_cast %parallel_loop3A_223 : i32 to index
        %parallel_loop3A_307 = arith.constant 80 : index
        %parallel_loop3A_308 = tpu.vector_load %arg9[%parallel_loop3A_306, %parallel_loop3A_307] {strides = array<i32>} : memref<128x128xf32, #tpu.memory_space<vmem>>, vector<1x16xf32>,
        %parallel_loop3A_309 = vector.shape_cast %parallel_loop3A_308 : vector<1x16xf32> to vector<16xf32>
        %parallel_loop3A_310 = vector.shape_cast %parallel_loop3A_305 : vector<16xf32> to vector<1x16xf32>
        tpu.vector_store %arg9[%parallel_loop3A_306, %parallel_loop3A_307], %parallel_loop3A_310 {strides = array<i32>} : memref<128x128xf32, #tpu.memory_space<vmem>>, vector<1x16xf32>,
        %parallel_loop3A_311 = arith.index_cast %parallel_loop3A_223 : i32 to index
        %parallel_loop3A_312 = arith.constant 96 : index
        %parallel_loop3A_313 = tpu.vector_load %arg9[%parallel_loop3A_311, %parallel_loop3A_312] {strides = array<i32>} : memref<128x128xf32, #tpu.memory_space<vmem>>, vector<1x16xf32>,
        %parallel_loop3A_314 = vector.shape_cast %parallel_loop3A_313 : vector<1x16xf32> to vector<16xf32>
        %parallel_loop3A_315 = arith.index_cast %parallel_loop3A_226 : i32 to index
        %parallel_loop3A_316 = arith.constant 96 : index
        %parallel_loop3A_317 = tpu.vector_load %arg7[%parallel_loop3A_315, %parallel_loop3A_316] {strides = array<i32>} : memref<200x128xf32, #tpu.memory_space<vmem>>, vector<1x16xf32>,
        %parallel_loop3A_318 = vector.shape_cast %parallel_loop3A_317 : vector<1x16xf32> to vector<16xf32>
        %parallel_loop3A_319 = arith.addf %parallel_loop3A_314, %parallel_loop3A_318 : vector<16xf32>
        %parallel_loop3A_320 = arith.index_cast %parallel_loop3A_223 : i32 to index
        %parallel_loop3A_321 = arith.constant 96 : index
        %parallel_loop3A_322 = tpu.vector_load %arg9[%parallel_loop3A_320, %parallel_loop3A_321] {strides = array<i32>} : memref<128x128xf32, #tpu.memory_space<vmem>>, vector<1x16xf32>,
        %parallel_loop3A_323 = vector.shape_cast %parallel_loop3A_322 : vector<1x16xf32> to vector<16xf32>
        %parallel_loop3A_324 = vector.shape_cast %parallel_loop3A_319 : vector<16xf32> to vector<1x16xf32>
        tpu.vector_store %arg9[%parallel_loop3A_320, %parallel_loop3A_321], %parallel_loop3A_324 {strides = array<i32>} : memref<128x128xf32, #tpu.memory_space<vmem>>, vector<1x16xf32>,
        %parallel_loop3A_325 = arith.index_cast %parallel_loop3A_223 : i32 to index
        %parallel_loop3A_326 = arith.constant 112 : index
        %parallel_loop3A_327 = tpu.vector_load %arg9[%parallel_loop3A_325, %parallel_loop3A_326] {strides = array<i32>} : memref<128x128xf32, #tpu.memory_space<vmem>>, vector<1x16xf32>,
        %parallel_loop3A_328 = vector.shape_cast %parallel_loop3A_327 : vector<1x16xf32> to vector<16xf32>
        %parallel_loop3A_329 = arith.index_cast %parallel_loop3A_226 : i32 to index
        %parallel_loop3A_330 = arith.constant 112 : index
        %parallel_loop3A_331 = tpu.vector_load %arg7[%parallel_loop3A_329, %parallel_loop3A_330] {strides = array<i32>} : memref<200x128xf32, #tpu.memory_space<vmem>>, vector<1x16xf32>,
        %parallel_loop3A_332 = vector.shape_cast %parallel_loop3A_331 : vector<1x16xf32> to vector<16xf32>
        %parallel_loop3A_333 = arith.addf %parallel_loop3A_328, %parallel_loop3A_332 : vector<16xf32>
        %parallel_loop3A_334 = arith.index_cast %parallel_loop3A_223 : i32 to index
        %parallel_loop3A_335 = arith.constant 112 : index
        %parallel_loop3A_336 = tpu.vector_load %arg9[%parallel_loop3A_334, %parallel_loop3A_335] {strides = array<i32>} : memref<128x128xf32, #tpu.memory_space<vmem>>, vector<1x16xf32>,
        %parallel_loop3A_337 = vector.shape_cast %parallel_loop3A_336 : vector<1x16xf32> to vector<16xf32>
        %parallel_loop3A_338 = vector.shape_cast %parallel_loop3A_333 : vector<16xf32> to vector<1x16xf32>
        tpu.vector_store %arg9[%parallel_loop3A_334, %parallel_loop3A_335], %parallel_loop3A_338 {strides = array<i32>} : memref<128x128xf32, #tpu.memory_space<vmem>>, vector<1x16xf32>,
      } {sc.loop_unroll_factor = 4 : i64, sc.parallel_access}
      %add3A_123 = arith.addi %mul3A_2, %add3A_87 : i32
      %mul3A_124 = arith.constant 128 : i32
      %mul3A_125 = arith.muli %add3A_123, %mul3A_124 : i32
      %dma_start3A_126 = arith.constant 0 : i32
      %dma_start3A_127 = tpu.memref_slice %arg5[%mul3A_125, %dma_start3A_126] : memref<819200x128xf32, #tpu.memory_space<hbm>> -> memref<128x128xf32, #tpu.memory_space<hbm>>
      %dma_start3A_128 = arith.constant 0 : i32
      %dma_start3A_129 = tpu.memref_slice %arg5[%mul3A_125, %dma_start3A_128] : memref<819200x128xf32, #tpu.memory_space<hbm>> -> memref<128x128xf32, #tpu.memory_space<hbm>>
      tpu.enqueue_dma source(%arg9 : memref<128x128xf32, #tpu.memory_space<vmem>>) target(%dma_start3A_129 : memref<128x128xf32, #tpu.memory_space<hbm>>) target_semaphore(%arg17 : memref<!tpu.dma_semaphore, #tpu.memory_space<semaphore_mem>>)
      %mul3A_130 = arith.constant 4 : i32
      %mul3A_131 = arith.muli %scan3A_45, %mul3A_130 : i32
      %add3A_132 = arith.constant 2 : i32
      %add3A_133 = arith.addi %mul3A_131, %add3A_132 : i32
      %dma_wait3A_134 = arith.constant 0 : i32
      %dma_wait3A_135 = tpu.memref_slice %arg6[%add3A_133, %dma_wait3A_134] : memref<200x128xi32, #tpu.memory_space<vmem>> -> memref<1x128xi32, #tpu.memory_space<vmem>>
      %dma_wait3A_136 = tpu.memref_squeeze %dma_wait3A_135 : memref<1x128xi32, #tpu.memory_space<vmem>> -> memref<128xi32, #tpu.memory_space<vmem>>
      %dma_wait3A_137 = arith.constant 0 : i32
      %dma_wait3A_138 = arith.constant 0 : i32
      %dma_wait3A_139 = tpu.memref_slice %arg3[%dma_wait3A_137, %dma_wait3A_138] : memref<100000x128xf32, #tpu.memory_space<hbm>> -> memref<100000x128xf32, #tpu.memory_space<hbm>>
      tpu.wait_indirect_dma semaphore(%arg14 : memref<!tpu.dma_semaphore, #tpu.memory_space<semaphore_mem>>) src(%dma_wait3A_139 : memref<100000x128xf32, #tpu.memory_space<hbm>>) dst(%arg10 : memref<128x128xf32, #tpu.memory_space<vmem>>)
      %ge3A_140 = arith.constant 2 : i32
      %ge3A_141 = arith.cmpi sge, %add3A_133, %ge3A_140 : i32
      %add3A_142 = arith.constant 2 : i32
      %add3A_143 = arith.addi %add3A_133, %add3A_142 : i32
      %lt3A_144 = arith.constant 200 : i32
      %lt3A_145 = arith.cmpi slt, %add3A_143, %lt3A_144 : i32
      %and3A_146 = arith.andi %ge3A_141, %lt3A_145 : i1
      %convert_element_type3A_147 = arith.extui %and3A_146 : i1 to i32
      %cond3A_148 = arith.constant 0 : i32
      %cond3A_149 = arith.cmpi ne, %convert_element_type3A_147, %cond3A_148 : i32
      scf.if %cond3A_149 {
        %dma_wait3A_223 = arith.constant 0 : i32
        %dma_wait3A_224 = arith.constant 0 : i32
        %dma_wait3A_225 = tpu.memref_slice %arg5[%dma_wait3A_223, %dma_wait3A_224] : memref<819200x128xf32, #tpu.memory_space<hbm>> -> memref<128x128xf32, #tpu.memory_space<hbm>>
        %dma_wait3A_226 = arith.constant 0 : i32
        %dma_wait3A_227 = arith.constant 0 : i32
        %dma_wait3A_228 = tpu.memref_slice %arg5[%dma_wait3A_226, %dma_wait3A_227] : memref<819200x128xf32, #tpu.memory_space<hbm>> -> memref<128x128xf32, #tpu.memory_space<hbm>>
        tpu.wait_dma2 semaphore(%arg16 : memref<!tpu.dma_semaphore, #tpu.memory_space<semaphore_mem>>) src(%arg8 : memref<128x128xf32, #tpu.memory_space<vmem>>) dst(%dma_wait3A_228 : memref<128x128xf32, #tpu.memory_space<hbm>>)
      } else {
      }
      %add3A_150 = arith.constant 2 : i32
      %add3A_151 = arith.addi %add3A_133, %add3A_150 : i32
      %lt3A_152 = arith.constant 200 : i32
      %lt3A_153 = arith.cmpi slt, %add3A_151, %lt3A_152 : i32
      %convert_element_type3A_154 = arith.extui %lt3A_153 : i1 to i32
      %cond3A_155 = arith.constant 0 : i32
      %cond3A_156 = arith.cmpi ne, %convert_element_type3A_154, %cond3A_155 : i32
      scf.if %cond3A_156 {
        %add3A_223 = arith.constant 2 : i32
        %add3A_224 = arith.addi %add3A_133, %add3A_223 : i32
        %dma_start3A_225 = arith.constant 0 : i32
        %dma_start3A_226 = tpu.memref_slice %arg6[%add3A_224, %dma_start3A_225] : memref<200x128xi32, #tpu.memory_space<vmem>> -> memref<1x128xi32, #tpu.memory_space<vmem>>
        %dma_start3A_227 = tpu.memref_squeeze %dma_start3A_226 : memref<1x128xi32, #tpu.memory_space<vmem>> -> memref<128xi32, #tpu.memory_space<vmem>>
        %dma_start3A_228 = arith.constant 0 : i32
        %dma_start3A_229 = arith.constant 0 : i32
        %dma_start3A_230 = tpu.memref_slice %arg3[%dma_start3A_228, %dma_start3A_229] : memref<100000x128xf32, #tpu.memory_space<hbm>> -> memref<100000x128xf32, #tpu.memory_space<hbm>>
        tpu.enqueue_indirect_dma source(%dma_start3A_230 : memref<100000x128xf32, #tpu.memory_space<hbm>>) target(%arg8 : memref<128x128xf32, #tpu.memory_space<vmem>>) offsets(%dma_start3A_227 : memref<128xi32, #tpu.memory_space<vmem>>) semaphore(%arg12 : memref<!tpu.dma_semaphore, #tpu.memory_space<semaphore_mem>>)
      } else {
      }
      %mul3A_157 = arith.constant 128 : i32
      %mul3A_158 = arith.muli %add3A_133, %mul3A_157 : i32
      %rem3A_159 = arith.constant 200 : i32
      %rem3A_160 = arith.remsi %mul3A_158, %rem3A_159 : i32
      %sub3A_161 = arith.constant 200 : i32
      %sub3A_162 = arith.subi %sub3A_161, %rem3A_160 : i32
      %min3A_163 = arith.constant 128 : i32
      %min3A_164 = arith.minsi %sub3A_162, %min3A_163 : i32
      %parallel_loop3A_165 = arith.constant 0 : i32
      %parallel_loop3A_166 = arith.constant 1 : i32
      scf.for %parallel_loop3A_223 = %parallel_loop3A_165 to %min3A_164 step %parallel_loop3A_166  : i32 {
        %parallel_loop3A_224 = arith.addi %rem3A_160, %parallel_loop3A_223 : i32
        %parallel_loop3A_225 = arith.constant 0 : i32
        %parallel_loop3A_226 = arith.addi %parallel_loop3A_224, %parallel_loop3A_225 : i32
        %parallel_loop3A_227 = arith.index_cast %parallel_loop3A_223 : i32 to index
        %parallel_loop3A_228 = arith.constant 0 : index
        %parallel_loop3A_229 = tpu.vector_load %arg10[%parallel_loop3A_227, %parallel_loop3A_228] {strides = array<i32>} : memref<128x128xf32, #tpu.memory_space<vmem>>, vector<1x16xf32>,
        %parallel_loop3A_230 = vector.shape_cast %parallel_loop3A_229 : vector<1x16xf32> to vector<16xf32>
        %parallel_loop3A_231 = arith.index_cast %parallel_loop3A_226 : i32 to index
        %parallel_loop3A_232 = arith.constant 0 : index
        %parallel_loop3A_233 = tpu.vector_load %arg7[%parallel_loop3A_231, %parallel_loop3A_232] {strides = array<i32>} : memref<200x128xf32, #tpu.memory_space<vmem>>, vector<1x16xf32>,
        %parallel_loop3A_234 = vector.shape_cast %parallel_loop3A_233 : vector<1x16xf32> to vector<16xf32>
        %parallel_loop3A_235 = arith.addf %parallel_loop3A_230, %parallel_loop3A_234 : vector<16xf32>
        %parallel_loop3A_236 = arith.index_cast %parallel_loop3A_223 : i32 to index
        %parallel_loop3A_237 = arith.constant 0 : index
        %parallel_loop3A_238 = tpu.vector_load %arg10[%parallel_loop3A_236, %parallel_loop3A_237] {strides = array<i32>} : memref<128x128xf32, #tpu.memory_space<vmem>>, vector<1x16xf32>,
        %parallel_loop3A_239 = vector.shape_cast %parallel_loop3A_238 : vector<1x16xf32> to vector<16xf32>
        %parallel_loop3A_240 = vector.shape_cast %parallel_loop3A_235 : vector<16xf32> to vector<1x16xf32>
        tpu.vector_store %arg10[%parallel_loop3A_236, %parallel_loop3A_237], %parallel_loop3A_240 {strides = array<i32>} : memref<128x128xf32, #tpu.memory_space<vmem>>, vector<1x16xf32>,
        %parallel_loop3A_241 = arith.index_cast %parallel_loop3A_223 : i32 to index
        %parallel_loop3A_242 = arith.constant 16 : index
        %parallel_loop3A_243 = tpu.vector_load %arg10[%parallel_loop3A_241, %parallel_loop3A_242] {strides = array<i32>} : memref<128x128xf32, #tpu.memory_space<vmem>>, vector<1x16xf32>,
        %parallel_loop3A_244 = vector.shape_cast %parallel_loop3A_243 : vector<1x16xf32> to vector<16xf32>
        %parallel_loop3A_245 = arith.index_cast %parallel_loop3A_226 : i32 to index
        %parallel_loop3A_246 = arith.constant 16 : index
        %parallel_loop3A_247 = tpu.vector_load %arg7[%parallel_loop3A_245, %parallel_loop3A_246] {strides = array<i32>} : memref<200x128xf32, #tpu.memory_space<vmem>>, vector<1x16xf32>,
        %parallel_loop3A_248 = vector.shape_cast %parallel_loop3A_247 : vector<1x16xf32> to vector<16xf32>
        %parallel_loop3A_249 = arith.addf %parallel_loop3A_244, %parallel_loop3A_248 : vector<16xf32>
        %parallel_loop3A_250 = arith.index_cast %parallel_loop3A_223 : i32 to index
        %parallel_loop3A_251 = arith.constant 16 : index
        %parallel_loop3A_252 = tpu.vector_load %arg10[%parallel_loop3A_250, %parallel_loop3A_251] {strides = array<i32>} : memref<128x128xf32, #tpu.memory_space<vmem>>, vector<1x16xf32>,
        %parallel_loop3A_253 = vector.shape_cast %parallel_loop3A_252 : vector<1x16xf32> to vector<16xf32>
        %parallel_loop3A_254 = vector.shape_cast %parallel_loop3A_249 : vector<16xf32> to vector<1x16xf32>
        tpu.vector_store %arg10[%parallel_loop3A_250, %parallel_loop3A_251], %parallel_loop3A_254 {strides = array<i32>} : memref<128x128xf32, #tpu.memory_space<vmem>>, vector<1x16xf32>,
        %parallel_loop3A_255 = arith.index_cast %parallel_loop3A_223 : i32 to index
        %parallel_loop3A_256 = arith.constant 32 : index
        %parallel_loop3A_257 = tpu.vector_load %arg10[%parallel_loop3A_255, %parallel_loop3A_256] {strides = array<i32>} : memref<128x128xf32, #tpu.memory_space<vmem>>, vector<1x16xf32>,
        %parallel_loop3A_258 = vector.shape_cast %parallel_loop3A_257 : vector<1x16xf32> to vector<16xf32>
        %parallel_loop3A_259 = arith.index_cast %parallel_loop3A_226 : i32 to index
        %parallel_loop3A_260 = arith.constant 32 : index
        %parallel_loop3A_261 = tpu.vector_load %arg7[%parallel_loop3A_259, %parallel_loop3A_260] {strides = array<i32>} : memref<200x128xf32, #tpu.memory_space<vmem>>, vector<1x16xf32>,
        %parallel_loop3A_262 = vector.shape_cast %parallel_loop3A_261 : vector<1x16xf32> to vector<16xf32>
        %parallel_loop3A_263 = arith.addf %parallel_loop3A_258, %parallel_loop3A_262 : vector<16xf32>
        %parallel_loop3A_264 = arith.index_cast %parallel_loop3A_223 : i32 to index
        %parallel_loop3A_265 = arith.constant 32 : index
        %parallel_loop3A_266 = tpu.vector_load %arg10[%parallel_loop3A_264, %parallel_loop3A_265] {strides = array<i32>} : memref<128x128xf32, #tpu.memory_space<vmem>>, vector<1x16xf32>,
        %parallel_loop3A_267 = vector.shape_cast %parallel_loop3A_266 : vector<1x16xf32> to vector<16xf32>
        %parallel_loop3A_268 = vector.shape_cast %parallel_loop3A_263 : vector<16xf32> to vector<1x16xf32>
        tpu.vector_store %arg10[%parallel_loop3A_264, %parallel_loop3A_265], %parallel_loop3A_268 {strides = array<i32>} : memref<128x128xf32, #tpu.memory_space<vmem>>, vector<1x16xf32>,
        %parallel_loop3A_269 = arith.index_cast %parallel_loop3A_223 : i32 to index
        %parallel_loop3A_270 = arith.constant 48 : index
        %parallel_loop3A_271 = tpu.vector_load %arg10[%parallel_loop3A_269, %parallel_loop3A_270] {strides = array<i32>} : memref<128x128xf32, #tpu.memory_space<vmem>>, vector<1x16xf32>,
        %parallel_loop3A_272 = vector.shape_cast %parallel_loop3A_271 : vector<1x16xf32> to vector<16xf32>
        %parallel_loop3A_273 = arith.index_cast %parallel_loop3A_226 : i32 to index
        %parallel_loop3A_274 = arith.constant 48 : index
        %parallel_loop3A_275 = tpu.vector_load %arg7[%parallel_loop3A_273, %parallel_loop3A_274] {strides = array<i32>} : memref<200x128xf32, #tpu.memory_space<vmem>>, vector<1x16xf32>,
        %parallel_loop3A_276 = vector.shape_cast %parallel_loop3A_275 : vector<1x16xf32> to vector<16xf32>
        %parallel_loop3A_277 = arith.addf %parallel_loop3A_272, %parallel_loop3A_276 : vector<16xf32>
        %parallel_loop3A_278 = arith.index_cast %parallel_loop3A_223 : i32 to index
        %parallel_loop3A_279 = arith.constant 48 : index
        %parallel_loop3A_280 = tpu.vector_load %arg10[%parallel_loop3A_278, %parallel_loop3A_279] {strides = array<i32>} : memref<128x128xf32, #tpu.memory_space<vmem>>, vector<1x16xf32>,
        %parallel_loop3A_281 = vector.shape_cast %parallel_loop3A_280 : vector<1x16xf32> to vector<16xf32>
        %parallel_loop3A_282 = vector.shape_cast %parallel_loop3A_277 : vector<16xf32> to vector<1x16xf32>
        tpu.vector_store %arg10[%parallel_loop3A_278, %parallel_loop3A_279], %parallel_loop3A_282 {strides = array<i32>} : memref<128x128xf32, #tpu.memory_space<vmem>>, vector<1x16xf32>,
        %parallel_loop3A_283 = arith.index_cast %parallel_loop3A_223 : i32 to index
        %parallel_loop3A_284 = arith.constant 64 : index
        %parallel_loop3A_285 = tpu.vector_load %arg10[%parallel_loop3A_283, %parallel_loop3A_284] {strides = array<i32>} : memref<128x128xf32, #tpu.memory_space<vmem>>, vector<1x16xf32>,
        %parallel_loop3A_286 = vector.shape_cast %parallel_loop3A_285 : vector<1x16xf32> to vector<16xf32>
        %parallel_loop3A_287 = arith.index_cast %parallel_loop3A_226 : i32 to index
        %parallel_loop3A_288 = arith.constant 64 : index
        %parallel_loop3A_289 = tpu.vector_load %arg7[%parallel_loop3A_287, %parallel_loop3A_288] {strides = array<i32>} : memref<200x128xf32, #tpu.memory_space<vmem>>, vector<1x16xf32>,
        %parallel_loop3A_290 = vector.shape_cast %parallel_loop3A_289 : vector<1x16xf32> to vector<16xf32>
        %parallel_loop3A_291 = arith.addf %parallel_loop3A_286, %parallel_loop3A_290 : vector<16xf32>
        %parallel_loop3A_292 = arith.index_cast %parallel_loop3A_223 : i32 to index
        %parallel_loop3A_293 = arith.constant 64 : index
        %parallel_loop3A_294 = tpu.vector_load %arg10[%parallel_loop3A_292, %parallel_loop3A_293] {strides = array<i32>} : memref<128x128xf32, #tpu.memory_space<vmem>>, vector<1x16xf32>,
        %parallel_loop3A_295 = vector.shape_cast %parallel_loop3A_294 : vector<1x16xf32> to vector<16xf32>
        %parallel_loop3A_296 = vector.shape_cast %parallel_loop3A_291 : vector<16xf32> to vector<1x16xf32>
        tpu.vector_store %arg10[%parallel_loop3A_292, %parallel_loop3A_293], %parallel_loop3A_296 {strides = array<i32>} : memref<128x128xf32, #tpu.memory_space<vmem>>, vector<1x16xf32>,
        %parallel_loop3A_297 = arith.index_cast %parallel_loop3A_223 : i32 to index
        %parallel_loop3A_298 = arith.constant 80 : index
        %parallel_loop3A_299 = tpu.vector_load %arg10[%parallel_loop3A_297, %parallel_loop3A_298] {strides = array<i32>} : memref<128x128xf32, #tpu.memory_space<vmem>>, vector<1x16xf32>,
        %parallel_loop3A_300 = vector.shape_cast %parallel_loop3A_299 : vector<1x16xf32> to vector<16xf32>
        %parallel_loop3A_301 = arith.index_cast %parallel_loop3A_226 : i32 to index
        %parallel_loop3A_302 = arith.constant 80 : index
        %parallel_loop3A_303 = tpu.vector_load %arg7[%parallel_loop3A_301, %parallel_loop3A_302] {strides = array<i32>} : memref<200x128xf32, #tpu.memory_space<vmem>>, vector<1x16xf32>,
        %parallel_loop3A_304 = vector.shape_cast %parallel_loop3A_303 : vector<1x16xf32> to vector<16xf32>
        %parallel_loop3A_305 = arith.addf %parallel_loop3A_300, %parallel_loop3A_304 : vector<16xf32>
        %parallel_loop3A_306 = arith.index_cast %parallel_loop3A_223 : i32 to index
        %parallel_loop3A_307 = arith.constant 80 : index
        %parallel_loop3A_308 = tpu.vector_load %arg10[%parallel_loop3A_306, %parallel_loop3A_307] {strides = array<i32>} : memref<128x128xf32, #tpu.memory_space<vmem>>, vector<1x16xf32>,
        %parallel_loop3A_309 = vector.shape_cast %parallel_loop3A_308 : vector<1x16xf32> to vector<16xf32>
        %parallel_loop3A_310 = vector.shape_cast %parallel_loop3A_305 : vector<16xf32> to vector<1x16xf32>
        tpu.vector_store %arg10[%parallel_loop3A_306, %parallel_loop3A_307], %parallel_loop3A_310 {strides = array<i32>} : memref<128x128xf32, #tpu.memory_space<vmem>>, vector<1x16xf32>,
        %parallel_loop3A_311 = arith.index_cast %parallel_loop3A_223 : i32 to index
        %parallel_loop3A_312 = arith.constant 96 : index
        %parallel_loop3A_313 = tpu.vector_load %arg10[%parallel_loop3A_311, %parallel_loop3A_312] {strides = array<i32>} : memref<128x128xf32, #tpu.memory_space<vmem>>, vector<1x16xf32>,
        %parallel_loop3A_314 = vector.shape_cast %parallel_loop3A_313 : vector<1x16xf32> to vector<16xf32>
        %parallel_loop3A_315 = arith.index_cast %parallel_loop3A_226 : i32 to index
        %parallel_loop3A_316 = arith.constant 96 : index
        %parallel_loop3A_317 = tpu.vector_load %arg7[%parallel_loop3A_315, %parallel_loop3A_316] {strides = array<i32>} : memref<200x128xf32, #tpu.memory_space<vmem>>, vector<1x16xf32>,
        %parallel_loop3A_318 = vector.shape_cast %parallel_loop3A_317 : vector<1x16xf32> to vector<16xf32>
        %parallel_loop3A_319 = arith.addf %parallel_loop3A_314, %parallel_loop3A_318 : vector<16xf32>
        %parallel_loop3A_320 = arith.index_cast %parallel_loop3A_223 : i32 to index
        %parallel_loop3A_321 = arith.constant 96 : index
        %parallel_loop3A_322 = tpu.vector_load %arg10[%parallel_loop3A_320, %parallel_loop3A_321] {strides = array<i32>} : memref<128x128xf32, #tpu.memory_space<vmem>>, vector<1x16xf32>,
        %parallel_loop3A_323 = vector.shape_cast %parallel_loop3A_322 : vector<1x16xf32> to vector<16xf32>
        %parallel_loop3A_324 = vector.shape_cast %parallel_loop3A_319 : vector<16xf32> to vector<1x16xf32>
        tpu.vector_store %arg10[%parallel_loop3A_320, %parallel_loop3A_321], %parallel_loop3A_324 {strides = array<i32>} : memref<128x128xf32, #tpu.memory_space<vmem>>, vector<1x16xf32>,
        %parallel_loop3A_325 = arith.index_cast %parallel_loop3A_223 : i32 to index
        %parallel_loop3A_326 = arith.constant 112 : index
        %parallel_loop3A_327 = tpu.vector_load %arg10[%parallel_loop3A_325, %parallel_loop3A_326] {strides = array<i32>} : memref<128x128xf32, #tpu.memory_space<vmem>>, vector<1x16xf32>,
        %parallel_loop3A_328 = vector.shape_cast %parallel_loop3A_327 : vector<1x16xf32> to vector<16xf32>
        %parallel_loop3A_329 = arith.index_cast %parallel_loop3A_226 : i32 to index
        %parallel_loop3A_330 = arith.constant 112 : index
        %parallel_loop3A_331 = tpu.vector_load %arg7[%parallel_loop3A_329, %parallel_loop3A_330] {strides = array<i32>} : memref<200x128xf32, #tpu.memory_space<vmem>>, vector<1x16xf32>,
        %parallel_loop3A_332 = vector.shape_cast %parallel_loop3A_331 : vector<1x16xf32> to vector<16xf32>
        %parallel_loop3A_333 = arith.addf %parallel_loop3A_328, %parallel_loop3A_332 : vector<16xf32>
        %parallel_loop3A_334 = arith.index_cast %parallel_loop3A_223 : i32 to index
        %parallel_loop3A_335 = arith.constant 112 : index
        %parallel_loop3A_336 = tpu.vector_load %arg10[%parallel_loop3A_334, %parallel_loop3A_335] {strides = array<i32>} : memref<128x128xf32, #tpu.memory_space<vmem>>, vector<1x16xf32>,
        %parallel_loop3A_337 = vector.shape_cast %parallel_loop3A_336 : vector<1x16xf32> to vector<16xf32>
        %parallel_loop3A_338 = vector.shape_cast %parallel_loop3A_333 : vector<16xf32> to vector<1x16xf32>
        tpu.vector_store %arg10[%parallel_loop3A_334, %parallel_loop3A_335], %parallel_loop3A_338 {strides = array<i32>} : memref<128x128xf32, #tpu.memory_space<vmem>>, vector<1x16xf32>,
      } {sc.loop_unroll_factor = 4 : i64, sc.parallel_access}
      %parallel_loop3A_167 = arith.constant 128 : i32
      %parallel_loop3A_168 = arith.constant 1 : i32
      scf.for %parallel_loop3A_223 = %min3A_164 to %parallel_loop3A_167 step %parallel_loop3A_168  : i32 {
        %parallel_loop3A_224 = arith.addi %rem3A_160, %parallel_loop3A_223 : i32
        %parallel_loop3A_225 = arith.constant -200 : i32
        %parallel_loop3A_226 = arith.addi %parallel_loop3A_224, %parallel_loop3A_225 : i32
        %parallel_loop3A_227 = arith.index_cast %parallel_loop3A_223 : i32 to index
        %parallel_loop3A_228 = arith.constant 0 : index
        %parallel_loop3A_229 = tpu.vector_load %arg10[%parallel_loop3A_227, %parallel_loop3A_228] {strides = array<i32>} : memref<128x128xf32, #tpu.memory_space<vmem>>, vector<1x16xf32>,
        %parallel_loop3A_230 = vector.shape_cast %parallel_loop3A_229 : vector<1x16xf32> to vector<16xf32>
        %parallel_loop3A_231 = arith.index_cast %parallel_loop3A_226 : i32 to index
        %parallel_loop3A_232 = arith.constant 0 : index
        %parallel_loop3A_233 = tpu.vector_load %arg7[%parallel_loop3A_231, %parallel_loop3A_232] {strides = array<i32>} : memref<200x128xf32, #tpu.memory_space<vmem>>, vector<1x16xf32>,
        %parallel_loop3A_234 = vector.shape_cast %parallel_loop3A_233 : vector<1x16xf32> to vector<16xf32>
        %parallel_loop3A_235 = arith.addf %parallel_loop3A_230, %parallel_loop3A_234 : vector<16xf32>
        %parallel_loop3A_236 = arith.index_cast %parallel_loop3A_223 : i32 to index
        %parallel_loop3A_237 = arith.constant 0 : index
        %parallel_loop3A_238 = tpu.vector_load %arg10[%parallel_loop3A_236, %parallel_loop3A_237] {strides = array<i32>} : memref<128x128xf32, #tpu.memory_space<vmem>>, vector<1x16xf32>,
        %parallel_loop3A_239 = vector.shape_cast %parallel_loop3A_238 : vector<1x16xf32> to vector<16xf32>
        %parallel_loop3A_240 = vector.shape_cast %parallel_loop3A_235 : vector<16xf32> to vector<1x16xf32>
        tpu.vector_store %arg10[%parallel_loop3A_236, %parallel_loop3A_237], %parallel_loop3A_240 {strides = array<i32>} : memref<128x128xf32, #tpu.memory_space<vmem>>, vector<1x16xf32>,
        %parallel_loop3A_241 = arith.index_cast %parallel_loop3A_223 : i32 to index
        %parallel_loop3A_242 = arith.constant 16 : index
        %parallel_loop3A_243 = tpu.vector_load %arg10[%parallel_loop3A_241, %parallel_loop3A_242] {strides = array<i32>} : memref<128x128xf32, #tpu.memory_space<vmem>>, vector<1x16xf32>,
        %parallel_loop3A_244 = vector.shape_cast %parallel_loop3A_243 : vector<1x16xf32> to vector<16xf32>
        %parallel_loop3A_245 = arith.index_cast %parallel_loop3A_226 : i32 to index
        %parallel_loop3A_246 = arith.constant 16 : index
        %parallel_loop3A_247 = tpu.vector_load %arg7[%parallel_loop3A_245, %parallel_loop3A_246] {strides = array<i32>} : memref<200x128xf32, #tpu.memory_space<vmem>>, vector<1x16xf32>,
        %parallel_loop3A_248 = vector.shape_cast %parallel_loop3A_247 : vector<1x16xf32> to vector<16xf32>
        %parallel_loop3A_249 = arith.addf %parallel_loop3A_244, %parallel_loop3A_248 : vector<16xf32>
        %parallel_loop3A_250 = arith.index_cast %parallel_loop3A_223 : i32 to index
        %parallel_loop3A_251 = arith.constant 16 : index
        %parallel_loop3A_252 = tpu.vector_load %arg10[%parallel_loop3A_250, %parallel_loop3A_251] {strides = array<i32>} : memref<128x128xf32, #tpu.memory_space<vmem>>, vector<1x16xf32>,
        %parallel_loop3A_253 = vector.shape_cast %parallel_loop3A_252 : vector<1x16xf32> to vector<16xf32>
        %parallel_loop3A_254 = vector.shape_cast %parallel_loop3A_249 : vector<16xf32> to vector<1x16xf32>
        tpu.vector_store %arg10[%parallel_loop3A_250, %parallel_loop3A_251], %parallel_loop3A_254 {strides = array<i32>} : memref<128x128xf32, #tpu.memory_space<vmem>>, vector<1x16xf32>,
        %parallel_loop3A_255 = arith.index_cast %parallel_loop3A_223 : i32 to index
        %parallel_loop3A_256 = arith.constant 32 : index
        %parallel_loop3A_257 = tpu.vector_load %arg10[%parallel_loop3A_255, %parallel_loop3A_256] {strides = array<i32>} : memref<128x128xf32, #tpu.memory_space<vmem>>, vector<1x16xf32>,
        %parallel_loop3A_258 = vector.shape_cast %parallel_loop3A_257 : vector<1x16xf32> to vector<16xf32>
        %parallel_loop3A_259 = arith.index_cast %parallel_loop3A_226 : i32 to index
        %parallel_loop3A_260 = arith.constant 32 : index
        %parallel_loop3A_261 = tpu.vector_load %arg7[%parallel_loop3A_259, %parallel_loop3A_260] {strides = array<i32>} : memref<200x128xf32, #tpu.memory_space<vmem>>, vector<1x16xf32>,
        %parallel_loop3A_262 = vector.shape_cast %parallel_loop3A_261 : vector<1x16xf32> to vector<16xf32>
        %parallel_loop3A_263 = arith.addf %parallel_loop3A_258, %parallel_loop3A_262 : vector<16xf32>
        %parallel_loop3A_264 = arith.index_cast %parallel_loop3A_223 : i32 to index
        %parallel_loop3A_265 = arith.constant 32 : index
        %parallel_loop3A_266 = tpu.vector_load %arg10[%parallel_loop3A_264, %parallel_loop3A_265] {strides = array<i32>} : memref<128x128xf32, #tpu.memory_space<vmem>>, vector<1x16xf32>,
        %parallel_loop3A_267 = vector.shape_cast %parallel_loop3A_266 : vector<1x16xf32> to vector<16xf32>
        %parallel_loop3A_268 = vector.shape_cast %parallel_loop3A_263 : vector<16xf32> to vector<1x16xf32>
        tpu.vector_store %arg10[%parallel_loop3A_264, %parallel_loop3A_265], %parallel_loop3A_268 {strides = array<i32>} : memref<128x128xf32, #tpu.memory_space<vmem>>, vector<1x16xf32>,
        %parallel_loop3A_269 = arith.index_cast %parallel_loop3A_223 : i32 to index
        %parallel_loop3A_270 = arith.constant 48 : index
        %parallel_loop3A_271 = tpu.vector_load %arg10[%parallel_loop3A_269, %parallel_loop3A_270] {strides = array<i32>} : memref<128x128xf32, #tpu.memory_space<vmem>>, vector<1x16xf32>,
        %parallel_loop3A_272 = vector.shape_cast %parallel_loop3A_271 : vector<1x16xf32> to vector<16xf32>
        %parallel_loop3A_273 = arith.index_cast %parallel_loop3A_226 : i32 to index
        %parallel_loop3A_274 = arith.constant 48 : index
        %parallel_loop3A_275 = tpu.vector_load %arg7[%parallel_loop3A_273, %parallel_loop3A_274] {strides = array<i32>} : memref<200x128xf32, #tpu.memory_space<vmem>>, vector<1x16xf32>,
        %parallel_loop3A_276 = vector.shape_cast %parallel_loop3A_275 : vector<1x16xf32> to vector<16xf32>
        %parallel_loop3A_277 = arith.addf %parallel_loop3A_272, %parallel_loop3A_276 : vector<16xf32>
        %parallel_loop3A_278 = arith.index_cast %parallel_loop3A_223 : i32 to index
        %parallel_loop3A_279 = arith.constant 48 : index
        %parallel_loop3A_280 = tpu.vector_load %arg10[%parallel_loop3A_278, %parallel_loop3A_279] {strides = array<i32>} : memref<128x128xf32, #tpu.memory_space<vmem>>, vector<1x16xf32>,
        %parallel_loop3A_281 = vector.shape_cast %parallel_loop3A_280 : vector<1x16xf32> to vector<16xf32>
        %parallel_loop3A_282 = vector.shape_cast %parallel_loop3A_277 : vector<16xf32> to vector<1x16xf32>
        tpu.vector_store %arg10[%parallel_loop3A_278, %parallel_loop3A_279], %parallel_loop3A_282 {strides = array<i32>} : memref<128x128xf32, #tpu.memory_space<vmem>>, vector<1x16xf32>,
        %parallel_loop3A_283 = arith.index_cast %parallel_loop3A_223 : i32 to index
        %parallel_loop3A_284 = arith.constant 64 : index
        %parallel_loop3A_285 = tpu.vector_load %arg10[%parallel_loop3A_283, %parallel_loop3A_284] {strides = array<i32>} : memref<128x128xf32, #tpu.memory_space<vmem>>, vector<1x16xf32>,
        %parallel_loop3A_286 = vector.shape_cast %parallel_loop3A_285 : vector<1x16xf32> to vector<16xf32>
        %parallel_loop3A_287 = arith.index_cast %parallel_loop3A_226 : i32 to index
        %parallel_loop3A_288 = arith.constant 64 : index
        %parallel_loop3A_289 = tpu.vector_load %arg7[%parallel_loop3A_287, %parallel_loop3A_288] {strides = array<i32>} : memref<200x128xf32, #tpu.memory_space<vmem>>, vector<1x16xf32>,
        %parallel_loop3A_290 = vector.shape_cast %parallel_loop3A_289 : vector<1x16xf32> to vector<16xf32>
        %parallel_loop3A_291 = arith.addf %parallel_loop3A_286, %parallel_loop3A_290 : vector<16xf32>
        %parallel_loop3A_292 = arith.index_cast %parallel_loop3A_223 : i32 to index
        %parallel_loop3A_293 = arith.constant 64 : index
        %parallel_loop3A_294 = tpu.vector_load %arg10[%parallel_loop3A_292, %parallel_loop3A_293] {strides = array<i32>} : memref<128x128xf32, #tpu.memory_space<vmem>>, vector<1x16xf32>,
        %parallel_loop3A_295 = vector.shape_cast %parallel_loop3A_294 : vector<1x16xf32> to vector<16xf32>
        %parallel_loop3A_296 = vector.shape_cast %parallel_loop3A_291 : vector<16xf32> to vector<1x16xf32>
        tpu.vector_store %arg10[%parallel_loop3A_292, %parallel_loop3A_293], %parallel_loop3A_296 {strides = array<i32>} : memref<128x128xf32, #tpu.memory_space<vmem>>, vector<1x16xf32>,
        %parallel_loop3A_297 = arith.index_cast %parallel_loop3A_223 : i32 to index
        %parallel_loop3A_298 = arith.constant 80 : index
        %parallel_loop3A_299 = tpu.vector_load %arg10[%parallel_loop3A_297, %parallel_loop3A_298] {strides = array<i32>} : memref<128x128xf32, #tpu.memory_space<vmem>>, vector<1x16xf32>,
        %parallel_loop3A_300 = vector.shape_cast %parallel_loop3A_299 : vector<1x16xf32> to vector<16xf32>
        %parallel_loop3A_301 = arith.index_cast %parallel_loop3A_226 : i32 to index
        %parallel_loop3A_302 = arith.constant 80 : index
        %parallel_loop3A_303 = tpu.vector_load %arg7[%parallel_loop3A_301, %parallel_loop3A_302] {strides = array<i32>} : memref<200x128xf32, #tpu.memory_space<vmem>>, vector<1x16xf32>,
        %parallel_loop3A_304 = vector.shape_cast %parallel_loop3A_303 : vector<1x16xf32> to vector<16xf32>
        %parallel_loop3A_305 = arith.addf %parallel_loop3A_300, %parallel_loop3A_304 : vector<16xf32>
        %parallel_loop3A_306 = arith.index_cast %parallel_loop3A_223 : i32 to index
        %parallel_loop3A_307 = arith.constant 80 : index
        %parallel_loop3A_308 = tpu.vector_load %arg10[%parallel_loop3A_306, %parallel_loop3A_307] {strides = array<i32>} : memref<128x128xf32, #tpu.memory_space<vmem>>, vector<1x16xf32>,
        %parallel_loop3A_309 = vector.shape_cast %parallel_loop3A_308 : vector<1x16xf32> to vector<16xf32>
        %parallel_loop3A_310 = vector.shape_cast %parallel_loop3A_305 : vector<16xf32> to vector<1x16xf32>
        tpu.vector_store %arg10[%parallel_loop3A_306, %parallel_loop3A_307], %parallel_loop3A_310 {strides = array<i32>} : memref<128x128xf32, #tpu.memory_space<vmem>>, vector<1x16xf32>,
        %parallel_loop3A_311 = arith.index_cast %parallel_loop3A_223 : i32 to index
        %parallel_loop3A_312 = arith.constant 96 : index
        %parallel_loop3A_313 = tpu.vector_load %arg10[%parallel_loop3A_311, %parallel_loop3A_312] {strides = array<i32>} : memref<128x128xf32, #tpu.memory_space<vmem>>, vector<1x16xf32>,
        %parallel_loop3A_314 = vector.shape_cast %parallel_loop3A_313 : vector<1x16xf32> to vector<16xf32>
        %parallel_loop3A_315 = arith.index_cast %parallel_loop3A_226 : i32 to index
        %parallel_loop3A_316 = arith.constant 96 : index
        %parallel_loop3A_317 = tpu.vector_load %arg7[%parallel_loop3A_315, %parallel_loop3A_316] {strides = array<i32>} : memref<200x128xf32, #tpu.memory_space<vmem>>, vector<1x16xf32>,
        %parallel_loop3A_318 = vector.shape_cast %parallel_loop3A_317 : vector<1x16xf32> to vector<16xf32>
        %parallel_loop3A_319 = arith.addf %parallel_loop3A_314, %parallel_loop3A_318 : vector<16xf32>
        %parallel_loop3A_320 = arith.index_cast %parallel_loop3A_223 : i32 to index
        %parallel_loop3A_321 = arith.constant 96 : index
        %parallel_loop3A_322 = tpu.vector_load %arg10[%parallel_loop3A_320, %parallel_loop3A_321] {strides = array<i32>} : memref<128x128xf32, #tpu.memory_space<vmem>>, vector<1x16xf32>,
        %parallel_loop3A_323 = vector.shape_cast %parallel_loop3A_322 : vector<1x16xf32> to vector<16xf32>
        %parallel_loop3A_324 = vector.shape_cast %parallel_loop3A_319 : vector<16xf32> to vector<1x16xf32>
        tpu.vector_store %arg10[%parallel_loop3A_320, %parallel_loop3A_321], %parallel_loop3A_324 {strides = array<i32>} : memref<128x128xf32, #tpu.memory_space<vmem>>, vector<1x16xf32>,
        %parallel_loop3A_325 = arith.index_cast %parallel_loop3A_223 : i32 to index
        %parallel_loop3A_326 = arith.constant 112 : index
        %parallel_loop3A_327 = tpu.vector_load %arg10[%parallel_loop3A_325, %parallel_loop3A_326] {strides = array<i32>} : memref<128x128xf32, #tpu.memory_space<vmem>>, vector<1x16xf32>,
        %parallel_loop3A_328 = vector.shape_cast %parallel_loop3A_327 : vector<1x16xf32> to vector<16xf32>
        %parallel_loop3A_329 = arith.index_cast %parallel_loop3A_226 : i32 to index
        %parallel_loop3A_330 = arith.constant 112 : index
        %parallel_loop3A_331 = tpu.vector_load %arg7[%parallel_loop3A_329, %parallel_loop3A_330] {strides = array<i32>} : memref<200x128xf32, #tpu.memory_space<vmem>>, vector<1x16xf32>,
        %parallel_loop3A_332 = vector.shape_cast %parallel_loop3A_331 : vector<1x16xf32> to vector<16xf32>
        %parallel_loop3A_333 = arith.addf %parallel_loop3A_328, %parallel_loop3A_332 : vector<16xf32>
        %parallel_loop3A_334 = arith.index_cast %parallel_loop3A_223 : i32 to index
        %parallel_loop3A_335 = arith.constant 112 : index
        %parallel_loop3A_336 = tpu.vector_load %arg10[%parallel_loop3A_334, %parallel_loop3A_335] {strides = array<i32>} : memref<128x128xf32, #tpu.memory_space<vmem>>, vector<1x16xf32>,
        %parallel_loop3A_337 = vector.shape_cast %parallel_loop3A_336 : vector<1x16xf32> to vector<16xf32>
        %parallel_loop3A_338 = vector.shape_cast %parallel_loop3A_333 : vector<16xf32> to vector<1x16xf32>
        tpu.vector_store %arg10[%parallel_loop3A_334, %parallel_loop3A_335], %parallel_loop3A_338 {strides = array<i32>} : memref<128x128xf32, #tpu.memory_space<vmem>>, vector<1x16xf32>,
      } {sc.loop_unroll_factor = 4 : i64, sc.parallel_access}
      %add3A_169 = arith.addi %mul3A_2, %add3A_133 : i32
      %mul3A_170 = arith.constant 128 : i32
      %mul3A_171 = arith.muli %add3A_169, %mul3A_170 : i32
      %dma_start3A_172 = arith.constant 0 : i32
      %dma_start3A_173 = tpu.memref_slice %arg5[%mul3A_171, %dma_start3A_172] : memref<819200x128xf32, #tpu.memory_space<hbm>> -> memref<128x128xf32, #tpu.memory_space<hbm>>
      %dma_start3A_174 = arith.constant 0 : i32
      %dma_start3A_175 = tpu.memref_slice %arg5[%mul3A_171, %dma_start3A_174] : memref<819200x128xf32, #tpu.memory_space<hbm>> -> memref<128x128xf32, #tpu.memory_space<hbm>>
      tpu.enqueue_dma source(%arg10 : memref<128x128xf32, #tpu.memory_space<vmem>>) target(%dma_start3A_175 : memref<128x128xf32, #tpu.memory_space<hbm>>) target_semaphore(%arg18 : memref<!tpu.dma_semaphore, #tpu.memory_space<semaphore_mem>>)
      %mul3A_176 = arith.constant 4 : i32
      %mul3A_177 = arith.muli %scan3A_45, %mul3A_176 : i32
      %add3A_178 = arith.constant 3 : i32
      %add3A_179 = arith.addi %mul3A_177, %add3A_178 : i32
      %dma_wait3A_180 = arith.constant 0 : i32
      %dma_wait3A_181 = tpu.memref_slice %arg6[%add3A_179, %dma_wait3A_180] : memref<200x128xi32, #tpu.memory_space<vmem>> -> memref<1x128xi32, #tpu.memory_space<vmem>>
      %dma_wait3A_182 = tpu.memref_squeeze %dma_wait3A_181 : memref<1x128xi32, #tpu.memory_space<vmem>> -> memref<128xi32, #tpu.memory_space<vmem>>
      %dma_wait3A_183 = arith.constant 0 : i32
      %dma_wait3A_184 = arith.constant 0 : i32
      %dma_wait3A_185 = tpu.memref_slice %arg3[%dma_wait3A_183, %dma_wait3A_184] : memref<100000x128xf32, #tpu.memory_space<hbm>> -> memref<100000x128xf32, #tpu.memory_space<hbm>>
      tpu.wait_indirect_dma semaphore(%arg15 : memref<!tpu.dma_semaphore, #tpu.memory_space<semaphore_mem>>) src(%dma_wait3A_185 : memref<100000x128xf32, #tpu.memory_space<hbm>>) dst(%arg11 : memref<128x128xf32, #tpu.memory_space<vmem>>)
      %ge3A_186 = arith.constant 2 : i32
      %ge3A_187 = arith.cmpi sge, %add3A_179, %ge3A_186 : i32
      %add3A_188 = arith.constant 2 : i32
      %add3A_189 = arith.addi %add3A_179, %add3A_188 : i32
      %lt3A_190 = arith.constant 200 : i32
      %lt3A_191 = arith.cmpi slt, %add3A_189, %lt3A_190 : i32
      %and3A_192 = arith.andi %ge3A_187, %lt3A_191 : i1
      %convert_element_type3A_193 = arith.extui %and3A_192 : i1 to i32
      %cond3A_194 = arith.constant 0 : i32
      %cond3A_195 = arith.cmpi ne, %convert_element_type3A_193, %cond3A_194 : i32
      scf.if %cond3A_195 {
        %dma_wait3A_223 = arith.constant 0 : i32
        %dma_wait3A_224 = arith.constant 0 : i32
        %dma_wait3A_225 = tpu.memref_slice %arg5[%dma_wait3A_223, %dma_wait3A_224] : memref<819200x128xf32, #tpu.memory_space<hbm>> -> memref<128x128xf32, #tpu.memory_space<hbm>>
        %dma_wait3A_226 = arith.constant 0 : i32
        %dma_wait3A_227 = arith.constant 0 : i32
        %dma_wait3A_228 = tpu.memref_slice %arg5[%dma_wait3A_226, %dma_wait3A_227] : memref<819200x128xf32, #tpu.memory_space<hbm>> -> memref<128x128xf32, #tpu.memory_space<hbm>>
        tpu.wait_dma2 semaphore(%arg17 : memref<!tpu.dma_semaphore, #tpu.memory_space<semaphore_mem>>) src(%arg9 : memref<128x128xf32, #tpu.memory_space<vmem>>) dst(%dma_wait3A_228 : memref<128x128xf32, #tpu.memory_space<hbm>>)
      } else {
      }
      %add3A_196 = arith.constant 2 : i32
      %add3A_197 = arith.addi %add3A_179, %add3A_196 : i32
      %lt3A_198 = arith.constant 200 : i32
      %lt3A_199 = arith.cmpi slt, %add3A_197, %lt3A_198 : i32
      %convert_element_type3A_200 = arith.extui %lt3A_199 : i1 to i32
      %cond3A_201 = arith.constant 0 : i32
      %cond3A_202 = arith.cmpi ne, %convert_element_type3A_200, %cond3A_201 : i32
      scf.if %cond3A_202 {
        %add3A_223 = arith.constant 2 : i32
        %add3A_224 = arith.addi %add3A_179, %add3A_223 : i32
        %dma_start3A_225 = arith.constant 0 : i32
        %dma_start3A_226 = tpu.memref_slice %arg6[%add3A_224, %dma_start3A_225] : memref<200x128xi32, #tpu.memory_space<vmem>> -> memref<1x128xi32, #tpu.memory_space<vmem>>
        %dma_start3A_227 = tpu.memref_squeeze %dma_start3A_226 : memref<1x128xi32, #tpu.memory_space<vmem>> -> memref<128xi32, #tpu.memory_space<vmem>>
        %dma_start3A_228 = arith.constant 0 : i32
        %dma_start3A_229 = arith.constant 0 : i32
        %dma_start3A_230 = tpu.memref_slice %arg3[%dma_start3A_228, %dma_start3A_229] : memref<100000x128xf32, #tpu.memory_space<hbm>> -> memref<100000x128xf32, #tpu.memory_space<hbm>>
        tpu.enqueue_indirect_dma source(%dma_start3A_230 : memref<100000x128xf32, #tpu.memory_space<hbm>>) target(%arg9 : memref<128x128xf32, #tpu.memory_space<vmem>>) offsets(%dma_start3A_227 : memref<128xi32, #tpu.memory_space<vmem>>) semaphore(%arg13 : memref<!tpu.dma_semaphore, #tpu.memory_space<semaphore_mem>>)
      } else {
      }
      %mul3A_203 = arith.constant 128 : i32
      %mul3A_204 = arith.muli %add3A_179, %mul3A_203 : i32
      %rem3A_205 = arith.constant 200 : i32
      %rem3A_206 = arith.remsi %mul3A_204, %rem3A_205 : i32
      %sub3A_207 = arith.constant 200 : i32
      %sub3A_208 = arith.subi %sub3A_207, %rem3A_206 : i32
      %min3A_209 = arith.constant 128 : i32
      %min3A_210 = arith.minsi %sub3A_208, %min3A_209 : i32
      %parallel_loop3A_211 = arith.constant 0 : i32
      %parallel_loop3A_212 = arith.constant 1 : i32
      scf.for %parallel_loop3A_223 = %parallel_loop3A_211 to %min3A_210 step %parallel_loop3A_212  : i32 {
        %parallel_loop3A_224 = arith.addi %rem3A_206, %parallel_loop3A_223 : i32
        %parallel_loop3A_225 = arith.constant 0 : i32
        %parallel_loop3A_226 = arith.addi %parallel_loop3A_224, %parallel_loop3A_225 : i32
        %parallel_loop3A_227 = arith.index_cast %parallel_loop3A_223 : i32 to index
        %parallel_loop3A_228 = arith.constant 0 : index
        %parallel_loop3A_229 = tpu.vector_load %arg11[%parallel_loop3A_227, %parallel_loop3A_228] {strides = array<i32>} : memref<128x128xf32, #tpu.memory_space<vmem>>, vector<1x16xf32>,
        %parallel_loop3A_230 = vector.shape_cast %parallel_loop3A_229 : vector<1x16xf32> to vector<16xf32>
        %parallel_loop3A_231 = arith.index_cast %parallel_loop3A_226 : i32 to index
        %parallel_loop3A_232 = arith.constant 0 : index
        %parallel_loop3A_233 = tpu.vector_load %arg7[%parallel_loop3A_231, %parallel_loop3A_232] {strides = array<i32>} : memref<200x128xf32, #tpu.memory_space<vmem>>, vector<1x16xf32>,
        %parallel_loop3A_234 = vector.shape_cast %parallel_loop3A_233 : vector<1x16xf32> to vector<16xf32>
        %parallel_loop3A_235 = arith.addf %parallel_loop3A_230, %parallel_loop3A_234 : vector<16xf32>
        %parallel_loop3A_236 = arith.index_cast %parallel_loop3A_223 : i32 to index
        %parallel_loop3A_237 = arith.constant 0 : index
        %parallel_loop3A_238 = tpu.vector_load %arg11[%parallel_loop3A_236, %parallel_loop3A_237] {strides = array<i32>} : memref<128x128xf32, #tpu.memory_space<vmem>>, vector<1x16xf32>,
        %parallel_loop3A_239 = vector.shape_cast %parallel_loop3A_238 : vector<1x16xf32> to vector<16xf32>
        %parallel_loop3A_240 = vector.shape_cast %parallel_loop3A_235 : vector<16xf32> to vector<1x16xf32>
        tpu.vector_store %arg11[%parallel_loop3A_236, %parallel_loop3A_237], %parallel_loop3A_240 {strides = array<i32>} : memref<128x128xf32, #tpu.memory_space<vmem>>, vector<1x16xf32>,
        %parallel_loop3A_241 = arith.index_cast %parallel_loop3A_223 : i32 to index
        %parallel_loop3A_242 = arith.constant 16 : index
        %parallel_loop3A_243 = tpu.vector_load %arg11[%parallel_loop3A_241, %parallel_loop3A_242] {strides = array<i32>} : memref<128x128xf32, #tpu.memory_space<vmem>>, vector<1x16xf32>,
        %parallel_loop3A_244 = vector.shape_cast %parallel_loop3A_243 : vector<1x16xf32> to vector<16xf32>
        %parallel_loop3A_245 = arith.index_cast %parallel_loop3A_226 : i32 to index
        %parallel_loop3A_246 = arith.constant 16 : index
        %parallel_loop3A_247 = tpu.vector_load %arg7[%parallel_loop3A_245, %parallel_loop3A_246] {strides = array<i32>} : memref<200x128xf32, #tpu.memory_space<vmem>>, vector<1x16xf32>,
        %parallel_loop3A_248 = vector.shape_cast %parallel_loop3A_247 : vector<1x16xf32> to vector<16xf32>
        %parallel_loop3A_249 = arith.addf %parallel_loop3A_244, %parallel_loop3A_248 : vector<16xf32>
        %parallel_loop3A_250 = arith.index_cast %parallel_loop3A_223 : i32 to index
        %parallel_loop3A_251 = arith.constant 16 : index
        %parallel_loop3A_252 = tpu.vector_load %arg11[%parallel_loop3A_250, %parallel_loop3A_251] {strides = array<i32>} : memref<128x128xf32, #tpu.memory_space<vmem>>, vector<1x16xf32>,
        %parallel_loop3A_253 = vector.shape_cast %parallel_loop3A_252 : vector<1x16xf32> to vector<16xf32>
        %parallel_loop3A_254 = vector.shape_cast %parallel_loop3A_249 : vector<16xf32> to vector<1x16xf32>
        tpu.vector_store %arg11[%parallel_loop3A_250, %parallel_loop3A_251], %parallel_loop3A_254 {strides = array<i32>} : memref<128x128xf32, #tpu.memory_space<vmem>>, vector<1x16xf32>,
        %parallel_loop3A_255 = arith.index_cast %parallel_loop3A_223 : i32 to index
        %parallel_loop3A_256 = arith.constant 32 : index
        %parallel_loop3A_257 = tpu.vector_load %arg11[%parallel_loop3A_255, %parallel_loop3A_256] {strides = array<i32>} : memref<128x128xf32, #tpu.memory_space<vmem>>, vector<1x16xf32>,
        %parallel_loop3A_258 = vector.shape_cast %parallel_loop3A_257 : vector<1x16xf32> to vector<16xf32>
        %parallel_loop3A_259 = arith.index_cast %parallel_loop3A_226 : i32 to index
        %parallel_loop3A_260 = arith.constant 32 : index
        %parallel_loop3A_261 = tpu.vector_load %arg7[%parallel_loop3A_259, %parallel_loop3A_260] {strides = array<i32>} : memref<200x128xf32, #tpu.memory_space<vmem>>, vector<1x16xf32>,
        %parallel_loop3A_262 = vector.shape_cast %parallel_loop3A_261 : vector<1x16xf32> to vector<16xf32>
        %parallel_loop3A_263 = arith.addf %parallel_loop3A_258, %parallel_loop3A_262 : vector<16xf32>
        %parallel_loop3A_264 = arith.index_cast %parallel_loop3A_223 : i32 to index
        %parallel_loop3A_265 = arith.constant 32 : index
        %parallel_loop3A_266 = tpu.vector_load %arg11[%parallel_loop3A_264, %parallel_loop3A_265] {strides = array<i32>} : memref<128x128xf32, #tpu.memory_space<vmem>>, vector<1x16xf32>,
        %parallel_loop3A_267 = vector.shape_cast %parallel_loop3A_266 : vector<1x16xf32> to vector<16xf32>
        %parallel_loop3A_268 = vector.shape_cast %parallel_loop3A_263 : vector<16xf32> to vector<1x16xf32>
        tpu.vector_store %arg11[%parallel_loop3A_264, %parallel_loop3A_265], %parallel_loop3A_268 {strides = array<i32>} : memref<128x128xf32, #tpu.memory_space<vmem>>, vector<1x16xf32>,
        %parallel_loop3A_269 = arith.index_cast %parallel_loop3A_223 : i32 to index
        %parallel_loop3A_270 = arith.constant 48 : index
        %parallel_loop3A_271 = tpu.vector_load %arg11[%parallel_loop3A_269, %parallel_loop3A_270] {strides = array<i32>} : memref<128x128xf32, #tpu.memory_space<vmem>>, vector<1x16xf32>,
        %parallel_loop3A_272 = vector.shape_cast %parallel_loop3A_271 : vector<1x16xf32> to vector<16xf32>
        %parallel_loop3A_273 = arith.index_cast %parallel_loop3A_226 : i32 to index
        %parallel_loop3A_274 = arith.constant 48 : index
        %parallel_loop3A_275 = tpu.vector_load %arg7[%parallel_loop3A_273, %parallel_loop3A_274] {strides = array<i32>} : memref<200x128xf32, #tpu.memory_space<vmem>>, vector<1x16xf32>,
        %parallel_loop3A_276 = vector.shape_cast %parallel_loop3A_275 : vector<1x16xf32> to vector<16xf32>
        %parallel_loop3A_277 = arith.addf %parallel_loop3A_272, %parallel_loop3A_276 : vector<16xf32>
        %parallel_loop3A_278 = arith.index_cast %parallel_loop3A_223 : i32 to index
        %parallel_loop3A_279 = arith.constant 48 : index
        %parallel_loop3A_280 = tpu.vector_load %arg11[%parallel_loop3A_278, %parallel_loop3A_279] {strides = array<i32>} : memref<128x128xf32, #tpu.memory_space<vmem>>, vector<1x16xf32>,
        %parallel_loop3A_281 = vector.shape_cast %parallel_loop3A_280 : vector<1x16xf32> to vector<16xf32>
        %parallel_loop3A_282 = vector.shape_cast %parallel_loop3A_277 : vector<16xf32> to vector<1x16xf32>
        tpu.vector_store %arg11[%parallel_loop3A_278, %parallel_loop3A_279], %parallel_loop3A_282 {strides = array<i32>} : memref<128x128xf32, #tpu.memory_space<vmem>>, vector<1x16xf32>,
        %parallel_loop3A_283 = arith.index_cast %parallel_loop3A_223 : i32 to index
        %parallel_loop3A_284 = arith.constant 64 : index
        %parallel_loop3A_285 = tpu.vector_load %arg11[%parallel_loop3A_283, %parallel_loop3A_284] {strides = array<i32>} : memref<128x128xf32, #tpu.memory_space<vmem>>, vector<1x16xf32>,
        %parallel_loop3A_286 = vector.shape_cast %parallel_loop3A_285 : vector<1x16xf32> to vector<16xf32>
        %parallel_loop3A_287 = arith.index_cast %parallel_loop3A_226 : i32 to index
        %parallel_loop3A_288 = arith.constant 64 : index
        %parallel_loop3A_289 = tpu.vector_load %arg7[%parallel_loop3A_287, %parallel_loop3A_288] {strides = array<i32>} : memref<200x128xf32, #tpu.memory_space<vmem>>, vector<1x16xf32>,
        %parallel_loop3A_290 = vector.shape_cast %parallel_loop3A_289 : vector<1x16xf32> to vector<16xf32>
        %parallel_loop3A_291 = arith.addf %parallel_loop3A_286, %parallel_loop3A_290 : vector<16xf32>
        %parallel_loop3A_292 = arith.index_cast %parallel_loop3A_223 : i32 to index
        %parallel_loop3A_293 = arith.constant 64 : index
        %parallel_loop3A_294 = tpu.vector_load %arg11[%parallel_loop3A_292, %parallel_loop3A_293] {strides = array<i32>} : memref<128x128xf32, #tpu.memory_space<vmem>>, vector<1x16xf32>,
        %parallel_loop3A_295 = vector.shape_cast %parallel_loop3A_294 : vector<1x16xf32> to vector<16xf32>
        %parallel_loop3A_296 = vector.shape_cast %parallel_loop3A_291 : vector<16xf32> to vector<1x16xf32>
        tpu.vector_store %arg11[%parallel_loop3A_292, %parallel_loop3A_293], %parallel_loop3A_296 {strides = array<i32>} : memref<128x128xf32, #tpu.memory_space<vmem>>, vector<1x16xf32>,
        %parallel_loop3A_297 = arith.index_cast %parallel_loop3A_223 : i32 to index
        %parallel_loop3A_298 = arith.constant 80 : index
        %parallel_loop3A_299 = tpu.vector_load %arg11[%parallel_loop3A_297, %parallel_loop3A_298] {strides = array<i32>} : memref<128x128xf32, #tpu.memory_space<vmem>>, vector<1x16xf32>,
        %parallel_loop3A_300 = vector.shape_cast %parallel_loop3A_299 : vector<1x16xf32> to vector<16xf32>
        %parallel_loop3A_301 = arith.index_cast %parallel_loop3A_226 : i32 to index
        %parallel_loop3A_302 = arith.constant 80 : index
        %parallel_loop3A_303 = tpu.vector_load %arg7[%parallel_loop3A_301, %parallel_loop3A_302] {strides = array<i32>} : memref<200x128xf32, #tpu.memory_space<vmem>>, vector<1x16xf32>,
        %parallel_loop3A_304 = vector.shape_cast %parallel_loop3A_303 : vector<1x16xf32> to vector<16xf32>
        %parallel_loop3A_305 = arith.addf %parallel_loop3A_300, %parallel_loop3A_304 : vector<16xf32>
        %parallel_loop3A_306 = arith.index_cast %parallel_loop3A_223 : i32 to index
        %parallel_loop3A_307 = arith.constant 80 : index
        %parallel_loop3A_308 = tpu.vector_load %arg11[%parallel_loop3A_306, %parallel_loop3A_307] {strides = array<i32>} : memref<128x128xf32, #tpu.memory_space<vmem>>, vector<1x16xf32>,
        %parallel_loop3A_309 = vector.shape_cast %parallel_loop3A_308 : vector<1x16xf32> to vector<16xf32>
        %parallel_loop3A_310 = vector.shape_cast %parallel_loop3A_305 : vector<16xf32> to vector<1x16xf32>
        tpu.vector_store %arg11[%parallel_loop3A_306, %parallel_loop3A_307], %parallel_loop3A_310 {strides = array<i32>} : memref<128x128xf32, #tpu.memory_space<vmem>>, vector<1x16xf32>,
        %parallel_loop3A_311 = arith.index_cast %parallel_loop3A_223 : i32 to index
        %parallel_loop3A_312 = arith.constant 96 : index
        %parallel_loop3A_313 = tpu.vector_load %arg11[%parallel_loop3A_311, %parallel_loop3A_312] {strides = array<i32>} : memref<128x128xf32, #tpu.memory_space<vmem>>, vector<1x16xf32>,
        %parallel_loop3A_314 = vector.shape_cast %parallel_loop3A_313 : vector<1x16xf32> to vector<16xf32>
        %parallel_loop3A_315 = arith.index_cast %parallel_loop3A_226 : i32 to index
        %parallel_loop3A_316 = arith.constant 96 : index
        %parallel_loop3A_317 = tpu.vector_load %arg7[%parallel_loop3A_315, %parallel_loop3A_316] {strides = array<i32>} : memref<200x128xf32, #tpu.memory_space<vmem>>, vector<1x16xf32>,
        %parallel_loop3A_318 = vector.shape_cast %parallel_loop3A_317 : vector<1x16xf32> to vector<16xf32>
        %parallel_loop3A_319 = arith.addf %parallel_loop3A_314, %parallel_loop3A_318 : vector<16xf32>
        %parallel_loop3A_320 = arith.index_cast %parallel_loop3A_223 : i32 to index
        %parallel_loop3A_321 = arith.constant 96 : index
        %parallel_loop3A_322 = tpu.vector_load %arg11[%parallel_loop3A_320, %parallel_loop3A_321] {strides = array<i32>} : memref<128x128xf32, #tpu.memory_space<vmem>>, vector<1x16xf32>,
        %parallel_loop3A_323 = vector.shape_cast %parallel_loop3A_322 : vector<1x16xf32> to vector<16xf32>
        %parallel_loop3A_324 = vector.shape_cast %parallel_loop3A_319 : vector<16xf32> to vector<1x16xf32>
        tpu.vector_store %arg11[%parallel_loop3A_320, %parallel_loop3A_321], %parallel_loop3A_324 {strides = array<i32>} : memref<128x128xf32, #tpu.memory_space<vmem>>, vector<1x16xf32>,
        %parallel_loop3A_325 = arith.index_cast %parallel_loop3A_223 : i32 to index
        %parallel_loop3A_326 = arith.constant 112 : index
        %parallel_loop3A_327 = tpu.vector_load %arg11[%parallel_loop3A_325, %parallel_loop3A_326] {strides = array<i32>} : memref<128x128xf32, #tpu.memory_space<vmem>>, vector<1x16xf32>,
        %parallel_loop3A_328 = vector.shape_cast %parallel_loop3A_327 : vector<1x16xf32> to vector<16xf32>
        %parallel_loop3A_329 = arith.index_cast %parallel_loop3A_226 : i32 to index
        %parallel_loop3A_330 = arith.constant 112 : index
        %parallel_loop3A_331 = tpu.vector_load %arg7[%parallel_loop3A_329, %parallel_loop3A_330] {strides = array<i32>} : memref<200x128xf32, #tpu.memory_space<vmem>>, vector<1x16xf32>,
        %parallel_loop3A_332 = vector.shape_cast %parallel_loop3A_331 : vector<1x16xf32> to vector<16xf32>
        %parallel_loop3A_333 = arith.addf %parallel_loop3A_328, %parallel_loop3A_332 : vector<16xf32>
        %parallel_loop3A_334 = arith.index_cast %parallel_loop3A_223 : i32 to index
        %parallel_loop3A_335 = arith.constant 112 : index
        %parallel_loop3A_336 = tpu.vector_load %arg11[%parallel_loop3A_334, %parallel_loop3A_335] {strides = array<i32>} : memref<128x128xf32, #tpu.memory_space<vmem>>, vector<1x16xf32>,
        %parallel_loop3A_337 = vector.shape_cast %parallel_loop3A_336 : vector<1x16xf32> to vector<16xf32>
        %parallel_loop3A_338 = vector.shape_cast %parallel_loop3A_333 : vector<16xf32> to vector<1x16xf32>
        tpu.vector_store %arg11[%parallel_loop3A_334, %parallel_loop3A_335], %parallel_loop3A_338 {strides = array<i32>} : memref<128x128xf32, #tpu.memory_space<vmem>>, vector<1x16xf32>,
      } {sc.loop_unroll_factor = 4 : i64, sc.parallel_access}
      %parallel_loop3A_213 = arith.constant 128 : i32
      %parallel_loop3A_214 = arith.constant 1 : i32
      scf.for %parallel_loop3A_223 = %min3A_210 to %parallel_loop3A_213 step %parallel_loop3A_214  : i32 {
        %parallel_loop3A_224 = arith.addi %rem3A_206, %parallel_loop3A_223 : i32
        %parallel_loop3A_225 = arith.constant -200 : i32
        %parallel_loop3A_226 = arith.addi %parallel_loop3A_224, %parallel_loop3A_225 : i32
        %parallel_loop3A_227 = arith.index_cast %parallel_loop3A_223 : i32 to index
        %parallel_loop3A_228 = arith.constant 0 : index
        %parallel_loop3A_229 = tpu.vector_load %arg11[%parallel_loop3A_227, %parallel_loop3A_228] {strides = array<i32>} : memref<128x128xf32, #tpu.memory_space<vmem>>, vector<1x16xf32>,
        %parallel_loop3A_230 = vector.shape_cast %parallel_loop3A_229 : vector<1x16xf32> to vector<16xf32>
        %parallel_loop3A_231 = arith.index_cast %parallel_loop3A_226 : i32 to index
        %parallel_loop3A_232 = arith.constant 0 : index
        %parallel_loop3A_233 = tpu.vector_load %arg7[%parallel_loop3A_231, %parallel_loop3A_232] {strides = array<i32>} : memref<200x128xf32, #tpu.memory_space<vmem>>, vector<1x16xf32>,
        %parallel_loop3A_234 = vector.shape_cast %parallel_loop3A_233 : vector<1x16xf32> to vector<16xf32>
        %parallel_loop3A_235 = arith.addf %parallel_loop3A_230, %parallel_loop3A_234 : vector<16xf32>
        %parallel_loop3A_236 = arith.index_cast %parallel_loop3A_223 : i32 to index
        %parallel_loop3A_237 = arith.constant 0 : index
        %parallel_loop3A_238 = tpu.vector_load %arg11[%parallel_loop3A_236, %parallel_loop3A_237] {strides = array<i32>} : memref<128x128xf32, #tpu.memory_space<vmem>>, vector<1x16xf32>,
        %parallel_loop3A_239 = vector.shape_cast %parallel_loop3A_238 : vector<1x16xf32> to vector<16xf32>
        %parallel_loop3A_240 = vector.shape_cast %parallel_loop3A_235 : vector<16xf32> to vector<1x16xf32>
        tpu.vector_store %arg11[%parallel_loop3A_236, %parallel_loop3A_237], %parallel_loop3A_240 {strides = array<i32>} : memref<128x128xf32, #tpu.memory_space<vmem>>, vector<1x16xf32>,
        %parallel_loop3A_241 = arith.index_cast %parallel_loop3A_223 : i32 to index
        %parallel_loop3A_242 = arith.constant 16 : index
        %parallel_loop3A_243 = tpu.vector_load %arg11[%parallel_loop3A_241, %parallel_loop3A_242] {strides = array<i32>} : memref<128x128xf32, #tpu.memory_space<vmem>>, vector<1x16xf32>,
        %parallel_loop3A_244 = vector.shape_cast %parallel_loop3A_243 : vector<1x16xf32> to vector<16xf32>
        %parallel_loop3A_245 = arith.index_cast %parallel_loop3A_226 : i32 to index
        %parallel_loop3A_246 = arith.constant 16 : index
        %parallel_loop3A_247 = tpu.vector_load %arg7[%parallel_loop3A_245, %parallel_loop3A_246] {strides = array<i32>} : memref<200x128xf32, #tpu.memory_space<vmem>>, vector<1x16xf32>,
        %parallel_loop3A_248 = vector.shape_cast %parallel_loop3A_247 : vector<1x16xf32> to vector<16xf32>
        %parallel_loop3A_249 = arith.addf %parallel_loop3A_244, %parallel_loop3A_248 : vector<16xf32>
        %parallel_loop3A_250 = arith.index_cast %parallel_loop3A_223 : i32 to index
        %parallel_loop3A_251 = arith.constant 16 : index
        %parallel_loop3A_252 = tpu.vector_load %arg11[%parallel_loop3A_250, %parallel_loop3A_251] {strides = array<i32>} : memref<128x128xf32, #tpu.memory_space<vmem>>, vector<1x16xf32>,
        %parallel_loop3A_253 = vector.shape_cast %parallel_loop3A_252 : vector<1x16xf32> to vector<16xf32>
        %parallel_loop3A_254 = vector.shape_cast %parallel_loop3A_249 : vector<16xf32> to vector<1x16xf32>
        tpu.vector_store %arg11[%parallel_loop3A_250, %parallel_loop3A_251], %parallel_loop3A_254 {strides = array<i32>} : memref<128x128xf32, #tpu.memory_space<vmem>>, vector<1x16xf32>,
        %parallel_loop3A_255 = arith.index_cast %parallel_loop3A_223 : i32 to index
        %parallel_loop3A_256 = arith.constant 32 : index
        %parallel_loop3A_257 = tpu.vector_load %arg11[%parallel_loop3A_255, %parallel_loop3A_256] {strides = array<i32>} : memref<128x128xf32, #tpu.memory_space<vmem>>, vector<1x16xf32>,
        %parallel_loop3A_258 = vector.shape_cast %parallel_loop3A_257 : vector<1x16xf32> to vector<16xf32>
        %parallel_loop3A_259 = arith.index_cast %parallel_loop3A_226 : i32 to index
        %parallel_loop3A_260 = arith.constant 32 : index
        %parallel_loop3A_261 = tpu.vector_load %arg7[%parallel_loop3A_259, %parallel_loop3A_260] {strides = array<i32>} : memref<200x128xf32, #tpu.memory_space<vmem>>, vector<1x16xf32>,
        %parallel_loop3A_262 = vector.shape_cast %parallel_loop3A_261 : vector<1x16xf32> to vector<16xf32>
        %parallel_loop3A_263 = arith.addf %parallel_loop3A_258, %parallel_loop3A_262 : vector<16xf32>
        %parallel_loop3A_264 = arith.index_cast %parallel_loop3A_223 : i32 to index
        %parallel_loop3A_265 = arith.constant 32 : index
        %parallel_loop3A_266 = tpu.vector_load %arg11[%parallel_loop3A_264, %parallel_loop3A_265] {strides = array<i32>} : memref<128x128xf32, #tpu.memory_space<vmem>>, vector<1x16xf32>,
        %parallel_loop3A_267 = vector.shape_cast %parallel_loop3A_266 : vector<1x16xf32> to vector<16xf32>
        %parallel_loop3A_268 = vector.shape_cast %parallel_loop3A_263 : vector<16xf32> to vector<1x16xf32>
        tpu.vector_store %arg11[%parallel_loop3A_264, %parallel_loop3A_265], %parallel_loop3A_268 {strides = array<i32>} : memref<128x128xf32, #tpu.memory_space<vmem>>, vector<1x16xf32>,
        %parallel_loop3A_269 = arith.index_cast %parallel_loop3A_223 : i32 to index
        %parallel_loop3A_270 = arith.constant 48 : index
        %parallel_loop3A_271 = tpu.vector_load %arg11[%parallel_loop3A_269, %parallel_loop3A_270] {strides = array<i32>} : memref<128x128xf32, #tpu.memory_space<vmem>>, vector<1x16xf32>,
        %parallel_loop3A_272 = vector.shape_cast %parallel_loop3A_271 : vector<1x16xf32> to vector<16xf32>
        %parallel_loop3A_273 = arith.index_cast %parallel_loop3A_226 : i32 to index
        %parallel_loop3A_274 = arith.constant 48 : index
        %parallel_loop3A_275 = tpu.vector_load %arg7[%parallel_loop3A_273, %parallel_loop3A_274] {strides = array<i32>} : memref<200x128xf32, #tpu.memory_space<vmem>>, vector<1x16xf32>,
        %parallel_loop3A_276 = vector.shape_cast %parallel_loop3A_275 : vector<1x16xf32> to vector<16xf32>
        %parallel_loop3A_277 = arith.addf %parallel_loop3A_272, %parallel_loop3A_276 : vector<16xf32>
        %parallel_loop3A_278 = arith.index_cast %parallel_loop3A_223 : i32 to index
        %parallel_loop3A_279 = arith.constant 48 : index
        %parallel_loop3A_280 = tpu.vector_load %arg11[%parallel_loop3A_278, %parallel_loop3A_279] {strides = array<i32>} : memref<128x128xf32, #tpu.memory_space<vmem>>, vector<1x16xf32>,
        %parallel_loop3A_281 = vector.shape_cast %parallel_loop3A_280 : vector<1x16xf32> to vector<16xf32>
        %parallel_loop3A_282 = vector.shape_cast %parallel_loop3A_277 : vector<16xf32> to vector<1x16xf32>
        tpu.vector_store %arg11[%parallel_loop3A_278, %parallel_loop3A_279], %parallel_loop3A_282 {strides = array<i32>} : memref<128x128xf32, #tpu.memory_space<vmem>>, vector<1x16xf32>,
        %parallel_loop3A_283 = arith.index_cast %parallel_loop3A_223 : i32 to index
        %parallel_loop3A_284 = arith.constant 64 : index
        %parallel_loop3A_285 = tpu.vector_load %arg11[%parallel_loop3A_283, %parallel_loop3A_284] {strides = array<i32>} : memref<128x128xf32, #tpu.memory_space<vmem>>, vector<1x16xf32>,
        %parallel_loop3A_286 = vector.shape_cast %parallel_loop3A_285 : vector<1x16xf32> to vector<16xf32>
        %parallel_loop3A_287 = arith.index_cast %parallel_loop3A_226 : i32 to index
        %parallel_loop3A_288 = arith.constant 64 : index
        %parallel_loop3A_289 = tpu.vector_load %arg7[%parallel_loop3A_287, %parallel_loop3A_288] {strides = array<i32>} : memref<200x128xf32, #tpu.memory_space<vmem>>, vector<1x16xf32>,
        %parallel_loop3A_290 = vector.shape_cast %parallel_loop3A_289 : vector<1x16xf32> to vector<16xf32>
        %parallel_loop3A_291 = arith.addf %parallel_loop3A_286, %parallel_loop3A_290 : vector<16xf32>
        %parallel_loop3A_292 = arith.index_cast %parallel_loop3A_223 : i32 to index
        %parallel_loop3A_293 = arith.constant 64 : index
        %parallel_loop3A_294 = tpu.vector_load %arg11[%parallel_loop3A_292, %parallel_loop3A_293] {strides = array<i32>} : memref<128x128xf32, #tpu.memory_space<vmem>>, vector<1x16xf32>,
        %parallel_loop3A_295 = vector.shape_cast %parallel_loop3A_294 : vector<1x16xf32> to vector<16xf32>
        %parallel_loop3A_296 = vector.shape_cast %parallel_loop3A_291 : vector<16xf32> to vector<1x16xf32>
        tpu.vector_store %arg11[%parallel_loop3A_292, %parallel_loop3A_293], %parallel_loop3A_296 {strides = array<i32>} : memref<128x128xf32, #tpu.memory_space<vmem>>, vector<1x16xf32>,
        %parallel_loop3A_297 = arith.index_cast %parallel_loop3A_223 : i32 to index
        %parallel_loop3A_298 = arith.constant 80 : index
        %parallel_loop3A_299 = tpu.vector_load %arg11[%parallel_loop3A_297, %parallel_loop3A_298] {strides = array<i32>} : memref<128x128xf32, #tpu.memory_space<vmem>>, vector<1x16xf32>,
        %parallel_loop3A_300 = vector.shape_cast %parallel_loop3A_299 : vector<1x16xf32> to vector<16xf32>
        %parallel_loop3A_301 = arith.index_cast %parallel_loop3A_226 : i32 to index
        %parallel_loop3A_302 = arith.constant 80 : index
        %parallel_loop3A_303 = tpu.vector_load %arg7[%parallel_loop3A_301, %parallel_loop3A_302] {strides = array<i32>} : memref<200x128xf32, #tpu.memory_space<vmem>>, vector<1x16xf32>,
        %parallel_loop3A_304 = vector.shape_cast %parallel_loop3A_303 : vector<1x16xf32> to vector<16xf32>
        %parallel_loop3A_305 = arith.addf %parallel_loop3A_300, %parallel_loop3A_304 : vector<16xf32>
        %parallel_loop3A_306 = arith.index_cast %parallel_loop3A_223 : i32 to index
        %parallel_loop3A_307 = arith.constant 80 : index
        %parallel_loop3A_308 = tpu.vector_load %arg11[%parallel_loop3A_306, %parallel_loop3A_307] {strides = array<i32>} : memref<128x128xf32, #tpu.memory_space<vmem>>, vector<1x16xf32>,
        %parallel_loop3A_309 = vector.shape_cast %parallel_loop3A_308 : vector<1x16xf32> to vector<16xf32>
        %parallel_loop3A_310 = vector.shape_cast %parallel_loop3A_305 : vector<16xf32> to vector<1x16xf32>
        tpu.vector_store %arg11[%parallel_loop3A_306, %parallel_loop3A_307], %parallel_loop3A_310 {strides = array<i32>} : memref<128x128xf32, #tpu.memory_space<vmem>>, vector<1x16xf32>,
        %parallel_loop3A_311 = arith.index_cast %parallel_loop3A_223 : i32 to index
        %parallel_loop3A_312 = arith.constant 96 : index
        %parallel_loop3A_313 = tpu.vector_load %arg11[%parallel_loop3A_311, %parallel_loop3A_312] {strides = array<i32>} : memref<128x128xf32, #tpu.memory_space<vmem>>, vector<1x16xf32>,
        %parallel_loop3A_314 = vector.shape_cast %parallel_loop3A_313 : vector<1x16xf32> to vector<16xf32>
        %parallel_loop3A_315 = arith.index_cast %parallel_loop3A_226 : i32 to index
        %parallel_loop3A_316 = arith.constant 96 : index
        %parallel_loop3A_317 = tpu.vector_load %arg7[%parallel_loop3A_315, %parallel_loop3A_316] {strides = array<i32>} : memref<200x128xf32, #tpu.memory_space<vmem>>, vector<1x16xf32>,
        %parallel_loop3A_318 = vector.shape_cast %parallel_loop3A_317 : vector<1x16xf32> to vector<16xf32>
        %parallel_loop3A_319 = arith.addf %parallel_loop3A_314, %parallel_loop3A_318 : vector<16xf32>
        %parallel_loop3A_320 = arith.index_cast %parallel_loop3A_223 : i32 to index
        %parallel_loop3A_321 = arith.constant 96 : index
        %parallel_loop3A_322 = tpu.vector_load %arg11[%parallel_loop3A_320, %parallel_loop3A_321] {strides = array<i32>} : memref<128x128xf32, #tpu.memory_space<vmem>>, vector<1x16xf32>,
        %parallel_loop3A_323 = vector.shape_cast %parallel_loop3A_322 : vector<1x16xf32> to vector<16xf32>
        %parallel_loop3A_324 = vector.shape_cast %parallel_loop3A_319 : vector<16xf32> to vector<1x16xf32>
        tpu.vector_store %arg11[%parallel_loop3A_320, %parallel_loop3A_321], %parallel_loop3A_324 {strides = array<i32>} : memref<128x128xf32, #tpu.memory_space<vmem>>, vector<1x16xf32>,
        %parallel_loop3A_325 = arith.index_cast %parallel_loop3A_223 : i32 to index
        %parallel_loop3A_326 = arith.constant 112 : index
        %parallel_loop3A_327 = tpu.vector_load %arg11[%parallel_loop3A_325, %parallel_loop3A_326] {strides = array<i32>} : memref<128x128xf32, #tpu.memory_space<vmem>>, vector<1x16xf32>,
        %parallel_loop3A_328 = vector.shape_cast %parallel_loop3A_327 : vector<1x16xf32> to vector<16xf32>
        %parallel_loop3A_329 = arith.index_cast %parallel_loop3A_226 : i32 to index
        %parallel_loop3A_330 = arith.constant 112 : index
        %parallel_loop3A_331 = tpu.vector_load %arg7[%parallel_loop3A_329, %parallel_loop3A_330] {strides = array<i32>} : memref<200x128xf32, #tpu.memory_space<vmem>>, vector<1x16xf32>,
        %parallel_loop3A_332 = vector.shape_cast %parallel_loop3A_331 : vector<1x16xf32> to vector<16xf32>
        %parallel_loop3A_333 = arith.addf %parallel_loop3A_328, %parallel_loop3A_332 : vector<16xf32>
        %parallel_loop3A_334 = arith.index_cast %parallel_loop3A_223 : i32 to index
        %parallel_loop3A_335 = arith.constant 112 : index
        %parallel_loop3A_336 = tpu.vector_load %arg11[%parallel_loop3A_334, %parallel_loop3A_335] {strides = array<i32>} : memref<128x128xf32, #tpu.memory_space<vmem>>, vector<1x16xf32>,
        %parallel_loop3A_337 = vector.shape_cast %parallel_loop3A_336 : vector<1x16xf32> to vector<16xf32>
        %parallel_loop3A_338 = vector.shape_cast %parallel_loop3A_333 : vector<16xf32> to vector<1x16xf32>
        tpu.vector_store %arg11[%parallel_loop3A_334, %parallel_loop3A_335], %parallel_loop3A_338 {strides = array<i32>} : memref<128x128xf32, #tpu.memory_space<vmem>>, vector<1x16xf32>,
      } {sc.loop_unroll_factor = 4 : i64, sc.parallel_access}
      %add3A_215 = arith.addi %mul3A_2, %add3A_179 : i32
      %mul3A_216 = arith.constant 128 : i32
      %mul3A_217 = arith.muli %add3A_215, %mul3A_216 : i32
      %dma_start3A_218 = arith.constant 0 : i32
      %dma_start3A_219 = tpu.memref_slice %arg5[%mul3A_217, %dma_start3A_218] : memref<819200x128xf32, #tpu.memory_space<hbm>> -> memref<128x128xf32, #tpu.memory_space<hbm>>
      %dma_start3A_220 = arith.constant 0 : i32
      %dma_start3A_221 = tpu.memref_slice %arg5[%mul3A_217, %dma_start3A_220] : memref<819200x128xf32, #tpu.memory_space<hbm>> -> memref<128x128xf32, #tpu.memory_space<hbm>>
      tpu.enqueue_dma source(%arg11 : memref<128x128xf32, #tpu.memory_space<vmem>>) target(%dma_start3A_221 : memref<128x128xf32, #tpu.memory_space<hbm>>) target_semaphore(%arg19 : memref<!tpu.dma_semaphore, #tpu.memory_space<semaphore_mem>>)
      %scan3A_222 = arith.constant 0 : i32
      scf.yield %scan3A_222 : i32
    }
    %scan3A_21 = arith.constant 50 : i32
    %dma_wait3A = arith.constant 0 : i32
    %dma_wait3A_22 = arith.constant 0 : i32
    %dma_wait3A_23 = tpu.memref_slice %arg5[%dma_wait3A, %dma_wait3A_22] : memref<819200x128xf32, #tpu.memory_space<hbm>> -> memref<128x128xf32, #tpu.memory_space<hbm>>
    %dma_wait3A_24 = arith.constant 0 : i32
    %dma_wait3A_25 = arith.constant 0 : i32
    %dma_wait3A_26 = tpu.memref_slice %arg5[%dma_wait3A_24, %dma_wait3A_25] : memref<819200x128xf32, #tpu.memory_space<hbm>> -> memref<128x128xf32, #tpu.memory_space<hbm>>
    tpu.wait_dma2 semaphore(%arg16 : memref<!tpu.dma_semaphore, #tpu.memory_space<semaphore_mem>>) src(%arg8 : memref<128x128xf32, #tpu.memory_space<vmem>>) dst(%dma_wait3A_26 : memref<128x128xf32, #tpu.memory_space<hbm>>)
    %dma_wait3A_27 = arith.constant 0 : i32
    %dma_wait3A_28 = arith.constant 0 : i32
    %dma_wait3A_29 = tpu.memref_slice %arg5[%dma_wait3A_27, %dma_wait3A_28] : memref<819200x128xf32, #tpu.memory_space<hbm>> -> memref<128x128xf32, #tpu.memory_space<hbm>>
    %dma_wait3A_30 = arith.constant 0 : i32
    %dma_wait3A_31 = arith.constant 0 : i32
    %dma_wait3A_32 = tpu.memref_slice %arg5[%dma_wait3A_30, %dma_wait3A_31] : memref<819200x128xf32, #tpu.memory_space<hbm>> -> memref<128x128xf32, #tpu.memory_space<hbm>>
    tpu.wait_dma2 semaphore(%arg17 : memref<!tpu.dma_semaphore, #tpu.memory_space<semaphore_mem>>) src(%arg9 : memref<128x128xf32, #tpu.memory_space<vmem>>) dst(%dma_wait3A_32 : memref<128x128xf32, #tpu.memory_space<hbm>>)
    %dma_wait3A_33 = arith.constant 0 : i32
    %dma_wait3A_34 = arith.constant 0 : i32
    %dma_wait3A_35 = tpu.memref_slice %arg5[%dma_wait3A_33, %dma_wait3A_34] : memref<819200x128xf32, #tpu.memory_space<hbm>> -> memref<128x128xf32, #tpu.memory_space<hbm>>
    %dma_wait3A_36 = arith.constant 0 : i32
    %dma_wait3A_37 = arith.constant 0 : i32
    %dma_wait3A_38 = tpu.memref_slice %arg5[%dma_wait3A_36, %dma_wait3A_37] : memref<819200x128xf32, #tpu.memory_space<hbm>> -> memref<128x128xf32, #tpu.memory_space<hbm>>
    tpu.wait_dma2 semaphore(%arg18 : memref<!tpu.dma_semaphore, #tpu.memory_space<semaphore_mem>>) src(%arg10 : memref<128x128xf32, #tpu.memory_space<vmem>>) dst(%dma_wait3A_38 : memref<128x128xf32, #tpu.memory_space<hbm>>)
    %dma_wait3A_39 = arith.constant 0 : i32
    %dma_wait3A_40 = arith.constant 0 : i32
    %dma_wait3A_41 = tpu.memref_slice %arg5[%dma_wait3A_39, %dma_wait3A_40] : memref<819200x128xf32, #tpu.memory_space<hbm>> -> memref<128x128xf32, #tpu.memory_space<hbm>>
    %dma_wait3A_42 = arith.constant 0 : i32
    %dma_wait3A_43 = arith.constant 0 : i32
    %dma_wait3A_44 = tpu.memref_slice %arg5[%dma_wait3A_42, %dma_wait3A_43] : memref<819200x128xf32, #tpu.memory_space<hbm>> -> memref<128x128xf32, #tpu.memory_space<hbm>>
    tpu.wait_dma2 semaphore(%arg19 : memref<!tpu.dma_semaphore, #tpu.memory_space<semaphore_mem>>) src(%arg11 : memref<128x128xf32, #tpu.memory_space<vmem>>) dst(%dma_wait3A_44 : memref<128x128xf32, #tpu.memory_space<hbm>>)
    return
  }
}

</mosaic_0001>

<sc_bundles>
// kernel: kernel.3.cloned.1.call-start
scs
__scs_entry_jumppad:
0x0: {  	(pc) =	sbr.rel $0x88, $3  }
0x1: {  	(tag) =	ssettag $0x0;
	lr =	simm.s32 $0x1  }
0x2: {  	[smem:$0x3F9E] =	sst lr;
	_ =	strace $0xD0000000  }
0x3: {  	_ = 	snop  }
0x4: {  	_ = 	snop  }
0x5: {  	_ = 	snop  }
0x6: {  	_ = 	snop  }
0x7: {  	_ = 	snop  }
__scs_overlays_trampoline_lowered:
0x8: {  	[smem:$0x3FAD] =	sst s0  }
0x9: {  	[smem:$0x3FAE] =	sst s1  }
0xa: {  	[smem:$0x3FAF] =	sst s2  }
0xb: {  	[smem:$0x3FB0] =	sst s3  }
0xc: {  	[smem:$0x3FB1] =	sst s4  }
0xd: {  	[smem:$0x3FB2] =	sst s5  }
0xe: {  	[smem:$0x3FB3] =	sst s6  }
0xf: {  	[smem:$0x3FB4] =	sst s7  }
0x10: {  	[smem:$0x3FB5] =	sst s8  }
0x11: {  	[smem:$0x3FB6] =	sst s9;
	s0 =	simm.s32 @!p0 $0x0  }
0x12: {  	s1 =	sld [smem:$0x3F9C];
	s0 =	simm.s32 @p0 $0x1  }
0x13: {  	[smem:$0x3FB7] =	sst s0;
	s0 =	simm.s32 @!p1 $0x0  }
0x14: {  	s2 =	sld [smem:$0x3F9B];
	s0 =	simm.s32 @p1 $0x1  }
0x15: {  	[smem:$0x3FB8] =	sst s0;
	s0 =	simm.s32 @!p2 $0x0  }
0x16: {  	s3 =	sld [smem:$0x3FDB];
	s0 =	simm.s32 @p2 $0x1  }
0x17: {  	s4 =	simm.s32 $0x1BF5;
	[smem:$0x3FBA] =	sst s0  }
0x18: {  	s0 =	sld [smem:$0x3F9D];
	_ =	swait.ge [sflag:s4], $0x0  }
0x19: {  	s7 =	sld [smem:$0x3F9E]  }
0x1a: {  	s8 =	sadd.s32 $0xFFFFE003, lr  }
0x1b: {  	s9 =	sadd.s32 $0xFFFFFEF7, lr;
	s5 =	simm.s32 $0xFFFFFFFF;
	p2 =	slt.u32 s8, $0xFFFFF086  }
0x1c: {  	p1 =	slt.u32 s9, $0xF7A;
	s5 =	simm.s32 @!p2 $0x0  }
0x1d: {  	s5 =	simm.s32 @p1 $0x1;
	p0 =	seq.s32 s7, s2  }
0x1e: {  	s7 =	smul.u32 @!p0 $0xF7A, s2;
	p2 =	seq.s32 @!p0 s5, $0x0  }
0x1f: {  	s9 =	smul.u32 $0xF7A, s1;
	s8 =	simm.s32 @!p0 $0x1BF5;
	p2 =	por !p2, p0  }
0x20: {  	[sflag:s8] =	ssyncset.s32 @!p0 $0xFFFFF086;
	s6 =	sadd.s32 @!p0 s3, s7;
	s7 =	simm.s32 @!p0 $0x108  }
0x21: {  	s3 =	sadd.s32 s3, s9;
	s6 =	sadd.s32 @!p0 $0x88, s6;
	s7 =	simm.s32 @p2 $0x1082  }
0x22: {  	[simem:s7], [sflag:s8] =	dma.local @!p0 [hbm:s6], $0xF7A  }
0x23: {  	s9 =	sor.u32 $0xD0000000, s2;
	s6 =	simm.s32 $0x108;
	_ =	swait.ge @!p0 [sflag:s8], $0x0  }
0x24: {  	s3 =	sadd.s32 $0x88, s3;
	s6 =	simm.s32 @!p1 $0x1082;
	[sflag:s4] =	ssyncset.s32 $0xFFFFF086  }
0x25: {  	[simem:s6], [sflag:s4] =	dma.local [hbm:s3], $0xF7A  }
0x26: {  	[smem:$0x3F9E] =	sst s1;
	(tag) =	ssettag s2;
	_ =	strace s9  }
0x27: {  	s1 =	sld [smem:$0x3FAE]  }
0x28: {  	s2 =	sld [smem:$0x3FAF]  }
0x29: {  	s4 =	sld [smem:$0x3FB1]  }
0x2a: {  	p0 =	seq.s32 s5, $0x0;
	s5 =	sld [smem:$0x3FB2]  }
0x2b: {  	s6 =	sld [smem:$0x3FB3]  }
0x2c: {  	s7 =	sld [smem:$0x3FB4]  }
0x2d: {  	s3 =	simm.s32 $0x108;
	s8 =	sld [smem:$0x3FB5]  }
0x2e: {  	s3 =	simm.s32 @!p0 $0x1082;
	s9 =	sld [smem:$0x3FB6]  }
0x2f: {  	lr =	sadd.s32 s0, s3;
	s0 =	sld [smem:$0x3FAD]  }
0x30: {  	s3 =	sld [smem:$0x3FB0]  }
0x31: {  	[smem:$0x3FB9] =	sst s10  }
0x32: {  	s10 =	sld [smem:$0x3FB7];
	_ =	sdelay $0x3  }
0x33: {  	p0 =	seq.s32 s10, $0x1;
	s10 =	sld [smem:$0x3FB9];
	_ =	sdelay $0x3  }
0x34: {  	[smem:$0x3FB9] =	sst s10  }
0x35: {  	s10 =	sld [smem:$0x3FB8];
	_ =	sdelay $0x3  }
0x36: {  	p1 =	seq.s32 s10, $0x1;
	s10 =	sld [smem:$0x3FB9];
	_ =	sdelay $0x3  }
0x37: {  	[smem:$0x3FB9] =	sst s10  }
0x38: {  	s10 =	sld [smem:$0x3FBA]  }
0x39: {  	_ = 	snop;
	(pc) =	sbr.ind lr, $3  }
0x3a: {  	_ = 	snop  }
0x3b: {  	_ = 	snop  }
0x3c: {  	p2 =	seq.s32 s10, $0x1;
	s10 =	sld [smem:$0x3FB9]  }
0x3d: {  	_ =	shalt  }
0x3e: {  	_ =	shalt  }
0x3f: {  	_ =	shalt  }
0x40: {  	_ =	shalt  }
0x41: {  	_ =	shalt  }
0x42: {  	_ =	shalt  }
0x43: {  	_ =	shalt  }
0x44: {  	_ =	shalt  }
0x45: {  	_ =	shalt  }
0x46: {  	_ =	shalt  }
0x47: {  	_ =	shalt  }
0x48: {  	_ =	shalt  }
0x49: {  	_ =	shalt  }
0x4a: {  	_ =	shalt  }
0x4b: {  	_ =	shalt  }
0x4c: {  	_ =	shalt  }
0x4d: {  	_ =	shalt  }
0x4e: {  	_ =	shalt  }
0x4f: {  	_ =	shalt  }
0x50: {  	_ =	shalt  }
0x51: {  	_ =	shalt  }
0x52: {  	_ =	shalt  }
0x53: {  	_ =	shalt  }
0x54: {  	_ =	shalt  }
0x55: {  	_ =	shalt  }
0x56: {  	_ =	shalt  }
0x57: {  	_ =	shalt  }
0x58: {  	_ =	shalt  }
0x59: {  	_ =	shalt  }
0x5a: {  	_ =	shalt  }
0x5b: {  	_ =	shalt  }
0x5c: {  	_ =	shalt  }
0x5d: {  	_ =	shalt  }
0x5e: {  	_ =	shalt  }
0x5f: {  	_ =	shalt  }
0x60: {  	_ =	shalt  }
0x61: {  	_ =	shalt  }
0x62: {  	_ =	shalt  }
0x63: {  	_ =	shalt  }
0x64: {  	_ =	shalt  }
0x65: {  	_ =	shalt  }
0x66: {  	_ =	shalt  }
0x67: {  	_ =	shalt  }
0x68: {  	_ =	shalt  }
0x69: {  	_ =	shalt  }
0x6a: {  	_ =	shalt  }
0x6b: {  	_ =	shalt  }
0x6c: {  	_ =	shalt  }
0x6d: {  	_ =	shalt  }
0x6e: {  	_ =	shalt  }
0x6f: {  	_ =	shalt  }
0x70: {  	_ =	shalt  }
0x71: {  	_ =	shalt  }
0x72: {  	_ =	shalt  }
0x73: {  	_ =	shalt  }
0x74: {  	_ =	shalt  }
0x75: {  	_ =	shalt  }
0x76: {  	_ =	shalt  }
0x77: {  	_ =	shalt  }
0x78: {  	_ =	shalt  }
0x79: {  	_ =	shalt  }
0x7a: {  	_ =	shalt  }
0x7b: {  	_ =	shalt  }
0x7c: {  	_ =	shalt  }
0x7d: {  	_ =	shalt  }
0x7e: {  	_ =	shalt  }
0x7f: {  	_ =	shalt  }
0x80: {  	_ =	shalt  }
0x81: {  	_ =	shalt  }
0x82: {  	_ =	shalt  }
0x83: {  	_ =	shalt  }
0x84: {  	_ =	shalt  }
0x85: {  	_ =	shalt  }
0x86: {  	_ =	shalt  }
0x87: {  	_ =	shalt  }
.Lfunc_end0:
.L_simem_size_0:
called_computation_lowered:
.L_overlay_start_0:
0x88: {  	s2 =	sld [smem:$0x3FD9]  }
0x89: {  	s3 =	sld [smem:$0x3FFE];
	_ =	sdelay $0x1  }
0x8a: {  	s1 =	srdreg.scid  }
0x8b: {  	s0 =	sand.u32 $0x1, s1  }
0x8c: {  	s17 =	sshll.u32 s0, $0xA;
	s2 =	sadd.s32 s3, s2  }
0x8d: {  	s2 =	sadd.s32 s2, s17  }
0x8e: {  	[smem:$0x3FC5] =	sst s2  }
0x8f: {  	_ = 	snop  }
0x90: {  	s2 =	sld [smem:$0x3FC8]  }
0x91: {  	s18 =	sld [smem:$0x3FC7]  }
0x92: {  	s4 =	sld [smem:$0x3FD0];
	(tm) =	ssettm $0x1  }
0x93: {  	s5 =	sld [smem:$0x3FFB];
	_ =	sdelay $0x3  }
0x94: {  	_ =	strace s5  }
0x95: {  	s5 =	sld [smem:$0x3FFC];
	_ =	sdelay $0x3  }
0x96: {  	_ =	strace s5  }
0x97: {  	s5 =	sld [smem:$0x3FFD];
	_ =	sdelay $0x3  }
0x98: {  	_ =	strace s5  }
0x99: {  	_ =	strace $0x8FFFFFFF  }
0x9a: {  	s19 =	sld [smem:$0x3FDB];
	_ =	sdelay $0x1  }
0x9b: {  	s6 =	simm.s32 $_scs_section_size  }
0x9c: {  	s7 =	simm.s32 $_size__tile_overlayer_lowered;
	s8 =	simm.s32 $_tile_overlayer_lowered  }
0x9d: {  	s22 =	simm.s32 $0x1BFF;
	s21 =	sshll.u32 s8, $0x1;
	s5 =	sadd.s32 s6, s19  }
0x9e: {  	s9 =	simm.s32 $0x0;
	s20 =	sshll.u32 s7, $0x1;
	s7 =	sadd.s32 s21, s5  }
0x9f: {  	[timem:s9], [sflag:s22] =	dma.local [hbm:s7], s20  }
0xa0: {  	_ =	swait.ge [sflag:s22], s20  }
0xa1: {  	s6 =	ssub.s32 $0x0, s20;
	[sflag:s22] =	ssyncset.done $0x0  }
0xa2: {  	[sflag:s22] =	ssyncadd.s32 s6;
	_ =	sdelay $0x1  }
0xa3: {  	s23 =	simm.s32 $0x1B8B  }
0xa4: {  	_ =	swait.ge [sflag:s23], $0x1  }
0xa5: {  	[sflag:s23] =	ssyncset.done $0x0  }
0xa6: {  	s25 =	simm.s32 $0x1B8E;
	s24 =	sld [smem:$0x3FFE];
	[sflag:s23] =	ssyncadd.s32 $0xFFFFFFFF  }
0xa7: {  	s26 =	simm.s32 $execute0_lowered;
	[smem:$0x3FD2] =	sst s25  }
0xa8: {  	s7 =	sshll.u32 s26, $0x1;
	_ =	strace $0x80000046;
	[dreg:$0x1] =	wrdreg $0xFFFFFFFF  }
0xa9: {  	s28 =	simm.s32 $_size_execute0_lowered;
	s5 =	sadd.s32 s5, s7;
	[dreg:$0x0] =	wrdreg $0x0  }
0xaa: {  	s7 =	sshll.u32 s28, $0x1;
	[dreg:$0x2] =	wrdreg s5  }
0xab: {  	[dreg:$0x3] =	wrdreg s7  }
0xac: {  	[dreg:$0x4] =	wrdreg $0xC0  }
0xad: {  	_ =	task [dreg:s9], $0x5FFFF  }
0xae: {  	[dreg:$0x1] =	wrdreg $0xFFFFFFFF  }
0xaf: {  	[dreg:$0x0] =	wrdreg $0x60  }
0xb0: {  	[dreg:$0x2] =	wrdreg s24  }
0xb1: {  	[dreg:$0x3] =	wrdreg s2  }
0xb2: {  	[dreg:$0x4] =	wrdreg s18  }
0xb3: {  	[dreg:$0x5] =	wrdreg s4  }
0xb4: {  	[dreg:$0x6] =	wrdreg $0x9  }
0xb5: {  	_ =	task.clear_ibuf [dreg:s9], $0x7FFFF;
	_ =	strace $0x90000046  }
0xb6: {  	s29 =	simm.s32 $0x9;
	_ =	strace $0x80000048  }
0xb7: {  	_ =	swait.ge [sflag:s29], $0x1  }
0xb8: {  	[sflag:s29] =	ssyncadd.s32 $0xFFFFFFFF  }
0xb9: {  	_ =	strace $0x90000048  }
0xba: {  	_ =	sfence  }
0xbb: {  	s30 =	sld [smem:$0x0];
	_ =	sdelay $0x2  }
0xbc: {  	s31 =	sshll.u32 s1, $0xD;
	s1 =	sshrl.u32 s1, $0x2  }
0xbd: {  	s3 =	sand.u32 $0x4000, s31;
	s1 =	sadd.s32 s1, s30  }
0xbe: {  	s0 =	sor.u32 s3, s0;
	s1 =	sshll.u32 s1, $0x11  }
0xbf: {  	s0 =	sor.u32 s1, s0  }
0xc0: {  	s0 =	sadd.s32 $0x8F2B, s0  }
0xc1: {  	[sflag:s0] =	ssyncadd.remote.s32 $0x1  }
0xc2: {  	_ =	sfence.sel $0xFFFF  }
0xc3: {  	[dreg:$0x0] =	wrdreg $0xFFFFFFFF;
	(pc) =	sbr.abs _section_cstart, $3  }
0xc4: {  	[dreg:$0x1] =	wrdreg $0xFFFFFFFF  }
0xc5: {  	_ =	task.clear_ibuf [dreg:s9], $0x2FFFF;
	_ =	strace $0x9FFFFFFF  }
0xc6: {  	(tm) =	ssettm $0x7FFFFFFF  }
0xc7: {  	_ =	shalt  }
tec
execute0_lowered:
.L_overlay_start_1:
0x0: {  	(tag) =	ssettag $0x1  }
0x1: {  	s1 =	srdreg.scid;
	s2 =	stileid.u32  }
0x2: {  	s1 =	sand.u32 $0x1, s1;
	s2 =	sshll.u32 s2, $0x1  }
0x3: {  	s0 =	rddreg [dreg:$0x0];
	s2 =	sor.u32 s1, s2  }
0x4: {  	s10 =	rddreg [dreg:$0x1];
	s29 =	smul.u32 $0xC80, s2  }
0x5: {  	s3 =	simm.s32 $0x0;
	s1 =	ssub.s32 $0x2, s1;
	s2 =	smul.u32 $0xC8, s2  }
.Ltmp0:
0x6: {  	[smem:$0x7FF] =	sst s3;
	s4 =	sshrl.u32 s1, $0x1;
	(pc) =	sbr.rel .LBB2_1-.Ltmp0, $4  }
0x7: {  	s31 =	rddreg [dreg:$0x3];
	_ =	strace $0x80000047;
	s1 =	ssub.s32 s1, s4  }
0x8: {  	s0 =	sadd.s32 s29, s0;
	[dreg:$0x5] =	wrdreg s2;
	s30 =	smax.u32 s1, $0x1  }
0x9: {  	s0 =	sadd.s32 $0x400, s0;
	[dreg:$0x7] =	wrdreg s30  }
0xa: {  	s3 =	simm.s32 $0x0;
	s2 =	simm.s32 $0x0;
	[dreg:$0x6] =	wrdreg s0  }
.LBB2_27:
0xb: {  	s0 =	simm.s32 $0x5  }
0xc: {  	_ =	swait.ge [sflag:s0], $0x4000  }
0xd: {  	[sflag:s0] =	ssyncset.done $0x0  }
0xe: {  	s28 =	simm.s32 $0x6;
	[sflag:s0] =	ssyncadd.s32 $0xFFFFC000  }
0xf: {  	_ =	swait.ge [sflag:s28], $0x4000  }
0x10: {  	[sflag:s28] =	ssyncset.done $0x0  }
0x11: {  	s29 =	simm.s32 $0x7;
	[sflag:s28] =	ssyncadd.s32 $0xFFFFC000  }
0x12: {  	_ =	swait.ge [sflag:s29], $0x4000  }
0x13: {  	[sflag:s29] =	ssyncset.done $0x0  }
0x14: {  	s1 =	simm.s32 $0x8;
	[sflag:s29] =	ssyncadd.s32 $0xFFFFC000  }
0x15: {  	_ =	swait.ge [sflag:s1], $0x4000  }
0x16: {  	s3 =	rddreg [dreg:$0x8]  }
0x17: {  	s30 =	rddreg [dreg:$0x7];
	s3 =	sadd.s32 $0x1, s3  }
0x18: {  	p0 =	sne.s32 s3, s30  }
.Ltmp1:
0x19: {  	_ = 	snop;
	(pc) =	sbr.rel @!p0 .LBB2_28-.Ltmp1, $3  }
0x1a: {  	_ =	sdelay $0x1  }
0x1b: {  	[sflag:s1] =	ssyncset.done $0x0  }
0x1c: {  	[sflag:s1] =	ssyncadd.s32 $0xFFFFC000  }
.LBB2_1:
0x1d: {  	[dreg:$0x8] =	wrdreg s3  }
0x1e: {  	s0 =	rddreg [dreg:$0x6]  }
0x1f: {  	s1 =	simm.s32 $0x9;
	s26 =	simm.s32 $0x6400;
	s28 =	simm.s32 $0xC800  }
0x20: {  	s29 =	simm.s32 $0x80;
	s30 =	simm.s32 $0x10800;
	s3 =	simm.s32 $0x65F0  }
0x21: {  	[tilespmem:s2], [sflag:$0x9] =	stream.linear.gather [hbm4b:s0+s2], $0x6400, $0x38;
	[tilespmem:$0x1C800] =	vst v63  }
0x22: {  	s18 =	simm.s32 $0xC8;
	s16 =	simm.s32 $0x48;
	_ =	swait.ge [sflag:s1], $0x6400  }
0x23: {  	s19 =	simm.s32 $0x83;
	s6 =	simm.s32 $0x100;
	[sflag:s1] =	ssyncset.done $0x0  }
0x24: {  	s13 =	simm.s32 $0xFFFFFFC8;
	s15 =	simm.s32 $0x103;
	[sflag:s1] =	ssyncadd.s32 $0xFFFF9C00  }
0x25: {  	s17 =	simm.s32 $0x125F0;
	s7 =	simm.s32 $0x180;
	s25 =	rddreg [dreg:$0x2]  }
0x26: {  	[tilespmem:s26], [sflag:$0x9] =	stream.linear.gather [hbm4b:s25+s2], $0x6400, $0x38;
	[tilespmem:$0x1C800] =	vst v63  }
0x27: {  	s8 =	simm.s32 $0xFFFFFF48;
	s20 =	simm.s32 $0x183;
	_ =	swait.ge [sflag:s1], $0x6400  }
.Ltmp2:
0x28: {  	s21 =	simm.s32 $0x80;
	[sflag:s1] =	ssyncset.done $0x0;
	(pc) =	sbr.rel .LBB2_2-.Ltmp2, $4  }
0x29: {  	s22 =	simm.s32 $0x3;
	s23 =	simm.s32 $0x0;
	[sflag:s1] =	ssyncadd.s32 $0xFFFF9C00  }
0x2a: {  	[tilespmem:s28], [sflag:$0x1] =	stream.indirect.gather [hbm4b:s10+s29], $0x80, s2, s29, $0xb8;
	[tilespmem:$0x1C800] =	vst v63  }
0x2b: {  	s9 =	simm.s32 $0x0;
	s25 =	simm.s32 $0xA5F0;
	s26 =	simm.s32 $0xE5F0  }
0x2c: {  	[tilespmem:s30], [sflag:$0x2] =	stream.indirect.gather [hbm4b:s10+s29], $0x80, s29, s29, $0xb8;
	[tilespmem:$0x1C800] =	vst v63  }
.LBB2_25:
0x2d: {  	v1 =	vadd.f32 v3, v1  }
0x2e: {  	[tilespmem:s24+$0xF0] =	vst v6;
	v2 =	vadd.f32 v4, v2  }
0x2f: {  	v0 =	vadd.f32 v5, v0;
	[tilespmem:s24+$0xFFFFFFF0] =	vst v1  }
0x30: {  	[tilespmem:s24+$0x70] =	vst v2  }
0x31: {  	[tilespmem:s24+$0xFFFFFF70] =	vst v0  }
.LBB2_26:
0x32: {  	s10 =	smov.u32 s3;
	s1 =	sadd.s32 s0, s16  }
0x33: {  	s9 =	sadd.s32 $0x1, s9;
	s29 =	rddreg [dreg:$0x9];
	s23 =	sadd.s32 $0x200, s23  }
0x34: {  	s18 =	sadd.s32 $0xFFFFFE00, s18;
	s22 =	sadd.s32 $0x200, s22;
	s25 =	sadd.s32 $0x10000, s25  }
0x35: {  	s21 =	sadd.s32 $0x200, s21;
	s19 =	sadd.s32 $0x200, s19;
	s26 =	sadd.s32 $0x10000, s26  }
0x36: {  	s6 =	sadd.s32 $0x200, s6;
	s1 =	sshll.u32 s1, $0xB;
	p0 =	sne.s32 s9, $0x32  }
.Ltmp3:
0x37: {  	s13 =	sadd.s32 $0xFFFFFE00, s13;
	s1 =	sand.u32 $0x1FFFF800, s1;
	(pc) =	sbr.rel @!p0 .LBB2_27-.Ltmp3, $4  }
0x38: {  	s15 =	sadd.s32 $0x200, s15;
	s17 =	sadd.s32 $0x10000, s17;
	s1 =	sadd.s32 s31, s1  }
0x39: {  	[hbm4b:s1+s2] =	stream.linear.scatter [tilespmem:s30], [sflag:$0x8], $0x4000, $0x38;
	[tilespmem:$0x1C800] =	vst v63  }
0x3a: {  	s7 =	sadd.s32 $0x200, s7;
	s8 =	sadd.s32 $0xFFFFFE00, s8;
	s30 =	rddreg [dreg:$0xc]  }
0x3b: {  	s20 =	sadd.s32 $0x200, s20;
	s3 =	sadd.s32 $0x10000, s29;
	s16 =	sadd.s32 $0xFFFFFE00, s30  }
.LBB2_2:
0x3c: {  	[dreg:$0xf] =	wrdreg s6  }
0x3d: {  	[dreg:$0x10] =	wrdreg s13  }
0x3e: {  	[dreg:$0x11] =	wrdreg s15  }
0x3f: {  	[dreg:$0x13] =	wrdreg s17  }
0x40: {  	[dreg:$0xc] =	wrdreg s16  }
0x41: {  	s1 =	smulhi.u32 $0x51EB851F, s7;
	[dreg:$0xd] =	wrdreg s19  }
0x42: {  	s24 =	smulhi.u32 $0x51EB851F, s6;
	[dreg:$0xe] =	wrdreg s26  }
0x43: {  	s14 =	smulhi.u32 $0x51EB851F, s21;
	[dreg:$0xa] =	wrdreg s18;
	s1 =	sshrl.u32 s1, $0x6  }
0x44: {  	s0 =	smov.u32 s31;
	[dreg:$0xb] =	wrdreg s25;
	s4 =	smul.u32 $0xC8, s1  }
0x45: {  	p0 =	seq.s32 s9, $0x0;
	s31 =	simm.s32 $0x80;
	s30 =	simm.s32 $0x14800  }
0x46: {  	s6 =	sshrl.u32 s24, $0x6;
	s1 =	smul.u32 $0xFFFE7000, s1;
	s5 =	sadd.s32 s4, s8  }
0x47: {  	s29 =	simm.s32 @!p0 $0x7;
	s12 =	smul.u32 $0xC8, s6;
	s5 =	smin.u32 s5, $0x80  }
0x48: {  	s6 =	smul.u32 $0xFFFE7000, s6;
	s1 =	sshra.s32 s1, $0x2;
	s11 =	sadd.s32 s20, s5  }
0x49: {  	s2 =	sadd.s32 $0xFFFFFFFC, s5;
	s5 =	sshll.u32 s5, $0x7;
	s4 =	ssub.s32 s11, s4  }
0x4a: {  	[dreg:$0x12] =	wrdreg s2;
	s2 =	sadd.s32 s12, s13;
	s13 =	sshrl.u32 s14, $0x6  }
0x4b: {  	s24 =	sadd.s32 $0x18900, s5;
	s4 =	sshll.u32 s4, $0x9;
	s5 =	smul.u32 $0xC8, s13  }
0x4c: {  	s13 =	smul.u32 $0xFFFE7000, s13;
	s11 =	sshra.s32 s4, $0x2;
	s4 =	smin.u32 s2, $0x80  }
0x4d: {  	s2 =	sadd.s32 s15, s4;
	s15 =	sadd.s32 s1, s17;
	s17 =	sadd.s32 $0xFFFFFFFC, s4  }
0x4e: {  	s4 =	sshll.u32 s4, $0x7;
	s14 =	ssub.s32 s2, s12;
	[dreg:$0x15] =	wrdreg s17  }
0x4f: {  	s2 =	sadd.s32 s5, s16;
	s16 =	smulhi.u32 $0x51EB851F, s23;
	s1 =	sshll.u32 s14, $0x9  }
0x50: {  	s17 =	sadd.s32 $0x14900, s4;
	s14 =	sshra.s32 s1, $0x2;
	s1 =	smin.u32 s2, $0x80  }
0x51: {  	s12 =	sshra.s32 s6, $0x2;
	s16 =	sshrl.u32 s16, $0x6;
	s2 =	sadd.s32 s19, s1  }
0x52: {  	s19 =	sadd.s32 s12, s26;
	s6 =	smul.u32 $0xC8, s16;
	s12 =	sadd.s32 $0xFFFFFFFC, s1  }
0x53: {  	s1 =	sshll.u32 s1, $0x7;
	s5 =	ssub.s32 s2, s5;
	[dreg:$0x16] =	wrdreg s12  }
0x54: {  	s2 =	sshra.s32 s13, $0x2;
	s4 =	sshll.u32 s5, $0x9;
	s26 =	sadd.s32 s6, s18  }
0x55: {  	s18 =	sadd.s32 s2, s25;
	s2 =	simm.s32 $0x1;
	s25 =	sshll.u32 s9, $0x9  }
0x56: {  	s5 =	sshra.s32 s4, $0x2;
	s4 =	sadd.s32 $0x10900, s1;
	s26 =	smin.u32 s26, $0x80  }
0x57: {  	s1 =	sshll.u32 s9, $0x2;
	_ =	swait.ge [sflag:s2], $0x4000;
	s28 =	sand.u32 $0xFE00, s25  }
0x58: {  	s12 =	sadd.s32 s22, s26;
	[sflag:s2] =	ssyncset.done $0x0;
	s28 =	smul.u32 $0x147B, s28  }
0x59: {  	[sflag:s2] =	ssyncadd.s32 $0xFFFFC000;
	s6 =	ssub.s32 s12, s6;
	s12 =	sor.u32 $0x2, s1  }
0x5a: {  	s13 =	sadd.s32 $0xFFFFFFFC, s26;
	_ =	swait.ge @!p0 [sflag:s29], $0x4000;
	[dreg:$0x14] =	wrdreg s12  }
0x5b: {  	s12 =	sshll.u32 s12, $0x7;
	s28 =	sshrl.u32 s28, $0x14;
	[sflag:s29] =	ssyncset.done @!p0 $0x0  }
0x5c: {  	s28 =	smul.u32 $0xC8, s28;
	[sflag:s29] =	ssyncadd.s32 @!p0 $0xFFFFC000;
	s29 =	sand.u32 $0x3FFFFF80, s12  }
0x5d: {  	[tilespmem:s30], [sflag:$0x3] =	stream.indirect.gather [hbm4b:s10+s31], $0x80, s29, s31, $0xb8;
	[tilespmem:$0x1C800] =	vst v63  }
0x5e: {  	s26 =	sshll.u32 s26, $0x7;
	s6 =	sshll.u32 s6, $0x9;
	s25 =	ssub.s32 s25, s28  }
0x5f: {  	[dreg:$0x9] =	wrdreg s3;
	s29 =	smul.u32 $0xFFFE7000, s16;
	s2 =	sand.u32 $0xFFF8, s25  }
0x60: {  	s16 =	sshra.s32 s6, $0x2;
	s6 =	sadd.s32 $0xC900, s26;
	s26 =	ssub.s32 $0xC8, s2  }
0x61: {  	s28 =	sshra.s32 s29, $0x2;
	s29 =	smin.u32 s26, $0x80;
	s26 =	simm.s32 $0xC900  }
0x62: {  	s28 =	sadd.s32 s28, s3;
	v0 =	vld [tilespmem:s26+$0x80]  }
0x63: {  	v1 =	vld [tilespmem:s28+$0xFFFFFF90]  }
0x64: {  	v2 =	vld [tilespmem:s26+$0xFFFFFF80]  }
0x65: {  	v3 =	vld [tilespmem:s28+$0xFFFFFE90]  }
0x66: {  	v4 =	vld [tilespmem:s26+$0x0]  }
0x67: {  	v5 =	vld [tilespmem:s28+$0xFFFFFF10]  }
0x68: {  	v6 =	vld [tilespmem:s26+$0xFFFFFF00];
	v0 =	vadd.f32 v1, v0  }
0x69: {  	v1 =	vld [tilespmem:s28+$0xFFFFFE10]  }
0x6a: {  	[tilespmem:s26+$0x80] =	vst v0;
	v0 =	vld [tilespmem:s26+$0x90]  }
0x6b: {  	v2 =	vadd.f32 v3, v2;
	v3 =	vld [tilespmem:s28+$0xFFFFFFA0]  }
0x6c: {  	v7 =	vld [tilespmem:s26+$0xFFFFFF10]  }
0x6d: {  	[tilespmem:s26+$0xFFFFFF80] =	vst v2;
	v2 =	vadd.f32 v5, v4;
	v4 =	vld [tilespmem:s26+$0xFFFFFF90]  }
0x6e: {  	v5 =	vld [tilespmem:s28+$0xFFFFFEA0];
	v1 =	vadd.f32 v1, v6  }
0x6f: {  	[tilespmem:s26+$0x0] =	vst v2;
	v2 =	vld [tilespmem:s26+$0x10]  }
0x70: {  	v6 =	vld [tilespmem:s28+$0xFFFFFF20];
	[tilespmem:s26+$0xFFFFFF00] =	vst v1;
	v0 =	vadd.f32 v3, v0  }
0x71: {  	v1 =	vld [tilespmem:s28+$0xFFFFFE20]  }
0x72: {  	[tilespmem:s26+$0x90] =	vst v0;
	v0 =	vld [tilespmem:s26+$0xA0]  }
0x73: {  	v3 =	vadd.f32 v5, v4;
	v4 =	vld [tilespmem:s28+$0xFFFFFFB0]  }
0x74: {  	v5 =	vld [tilespmem:s26+$0xFFFFFF20]  }
0x75: {  	[tilespmem:s26+$0xFFFFFF90] =	vst v3;
	v2 =	vadd.f32 v6, v2;
	v3 =	vld [tilespmem:s26+$0xFFFFFFA0]  }
0x76: {  	v6 =	vld [tilespmem:s28+$0xFFFFFEB0];
	v1 =	vadd.f32 v1, v7  }
0x77: {  	[tilespmem:s26+$0x10] =	vst v2;
	v2 =	vld [tilespmem:s26+$0x20]  }
0x78: {  	v7 =	vld [tilespmem:s28+$0xFFFFFF30];
	[tilespmem:s26+$0xFFFFFF10] =	vst v1;
	v0 =	vadd.f32 v4, v0  }
0x79: {  	v1 =	vld [tilespmem:s28+$0xFFFFFE30]  }
0x7a: {  	[tilespmem:s26+$0xA0] =	vst v0;
	v0 =	vld [tilespmem:s26+$0xB0]  }
0x7b: {  	v3 =	vadd.f32 v6, v3;
	v4 =	vld [tilespmem:s28+$0xFFFFFFC0]  }
0x7c: {  	v6 =	vld [tilespmem:s26+$0xFFFFFF30]  }
0x7d: {  	[tilespmem:s26+$0xFFFFFFA0] =	vst v3;
	v2 =	vadd.f32 v7, v2;
	v3 =	vld [tilespmem:s26+$0xFFFFFFB0]  }
0x7e: {  	v7 =	vld [tilespmem:s28+$0xFFFFFEC0];
	v1 =	vadd.f32 v1, v5  }
0x7f: {  	[tilespmem:s26+$0x20] =	vst v2;
	v2 =	vld [tilespmem:s26+$0x30]  }
0x80: {  	v5 =	vld [tilespmem:s28+$0xFFFFFF40];
	[tilespmem:s26+$0xFFFFFF20] =	vst v1;
	v0 =	vadd.f32 v4, v0  }
0x81: {  	v1 =	vld [tilespmem:s28+$0xFFFFFE40]  }
0x82: {  	[tilespmem:s26+$0xB0] =	vst v0;
	v0 =	vld [tilespmem:s26+$0xC0]  }
0x83: {  	v3 =	vadd.f32 v7, v3;
	v4 =	vld [tilespmem:s28+$0xFFFFFFD0]  }
0x84: {  	v7 =	vld [tilespmem:s26+$0xFFFFFF40]  }
0x85: {  	[tilespmem:s26+$0xFFFFFFB0] =	vst v3;
	v2 =	vadd.f32 v5, v2;
	v3 =	vld [tilespmem:s26+$0xFFFFFFC0]  }
0x86: {  	v5 =	vld [tilespmem:s28+$0xFFFFFED0];
	v1 =	vadd.f32 v1, v6  }
0x87: {  	[tilespmem:s26+$0x30] =	vst v2;
	v2 =	vld [tilespmem:s26+$0x40]  }
0x88: {  	v6 =	vld [tilespmem:s28+$0xFFFFFF50];
	[tilespmem:s26+$0xFFFFFF30] =	vst v1;
	v0 =	vadd.f32 v4, v0  }
0x89: {  	v1 =	vld [tilespmem:s28+$0xFFFFFE50]  }
0x8a: {  	[tilespmem:s26+$0xC0] =	vst v0;
	v0 =	vld [tilespmem:s26+$0xD0]  }
0x8b: {  	v3 =	vadd.f32 v5, v3;
	v4 =	vld [tilespmem:s28+$0xFFFFFFE0]  }
0x8c: {  	v5 =	vld [tilespmem:s26+$0xFFFFFF50]  }
0x8d: {  	[tilespmem:s26+$0xFFFFFFC0] =	vst v3;
	v2 =	vadd.f32 v6, v2;
	v3 =	vld [tilespmem:s26+$0xFFFFFFD0]  }
0x8e: {  	v6 =	vld [tilespmem:s28+$0xFFFFFEE0];
	v1 =	vadd.f32 v1, v7  }
0x8f: {  	[tilespmem:s26+$0x40] =	vst v2;
	v2 =	vld [tilespmem:s26+$0x50]  }
0x90: {  	v7 =	vld [tilespmem:s28+$0xFFFFFF60];
	[tilespmem:s26+$0xFFFFFF40] =	vst v1;
	v0 =	vadd.f32 v4, v0  }
0x91: {  	v1 =	vld [tilespmem:s28+$0xFFFFFE60]  }
0x92: {  	[tilespmem:s26+$0xD0] =	vst v0;
	v0 =	vld [tilespmem:s26+$0xE0]  }
0x93: {  	v3 =	vadd.f32 v6, v3;
	v4 =	vld [tilespmem:s28+$0xFFFFFFF0]  }
0x94: {  	v6 =	vld [tilespmem:s26+$0xFFFFFF60]  }
0x95: {  	[tilespmem:s26+$0xFFFFFFD0] =	vst v3;
	v2 =	vadd.f32 v7, v2;
	v3 =	vld [tilespmem:s26+$0xFFFFFFE0]  }
0x96: {  	v7 =	vld [tilespmem:s28+$0xFFFFFEF0];
	v1 =	vadd.f32 v1, v5  }
0x97: {  	[tilespmem:s26+$0x50] =	vst v2;
	v2 =	vld [tilespmem:s26+$0x60]  }
0x98: {  	v5 =	vld [tilespmem:s28+$0xFFFFFF70];
	[tilespmem:s26+$0xFFFFFF50] =	vst v1;
	v0 =	vadd.f32 v4, v0  }
0x99: {  	v4 =	vld [tilespmem:s28+$0xFFFFFE70]  }
0x9a: {  	v8 =	vld [tilespmem:s26+$0xF0];
	[tilespmem:s26+$0xE0] =	vst v0  }
0x9b: {  	v1 =	vadd.f32 v7, v3;
	v7 =	vld [tilespmem:s28+$0x0]  }
0x9c: {  	p1 =	sgt.u32 s29, $0x4;
	v0 =	vld [tilespmem:s26+$0xFFFFFF70]  }
.Ltmp4:
0x9d: {  	[tilespmem:s26+$0xFFFFFFE0] =	vst v1;
	v2 =	vadd.f32 v5, v2;
	v1 =	vld [tilespmem:s26+$0xFFFFFFF0];
	(pc) =	sbr.rel @!p1 .LBB2_4-.Ltmp4, $4  }
0x9e: {  	v3 =	vld [tilespmem:s28+$0xFFFFFF00];
	v4 =	vadd.f32 v4, v6  }
0x9f: {  	[tilespmem:s26+$0x60] =	vst v2;
	v2 =	vld [tilespmem:s26+$0x70]  }
0xa0: {  	[tilespmem:s26+$0xFFFFFF60] =	vst v4;
	v4 =	vld [tilespmem:s28+$0xFFFFFF80];
	v6 =	vadd.f32 v7, v8  }
0xa1: {  	s30 =	simm.s32 $0x4;
	s31 =	simm.s32 $0xCB00;
	v5 =	vld [tilespmem:s28+$0xFFFFFE80]  }
.LBB2_3:
0xa2: {  	v7 =	vld [tilespmem:s31+$0x80];
	[tilespmem:s26+$0xF0] =	vst v6;
	s28 =	sadd.s32 $0x200, s28  }
0xa3: {  	s30 =	sadd.s32 $0x4, s30;
	v6 =	vld [tilespmem:s28+$0xFFFFFF90];
	v1 =	vadd.f32 v3, v1  }
0xa4: {  	p1 =	slt.u32 s30, s29;
	v3 =	vld [tilespmem:s28+$0xFFFFFE10]  }
0xa5: {  	v8 =	vld [tilespmem:s31+$0xFFFFFF80];
	[tilespmem:s26+$0xFFFFFFF0] =	vst v1;
	v1 =	vadd.f32 v4, v2  }
0xa6: {  	v2 =	vld [tilespmem:s28+$0xFFFFFE90];
	v0 =	vadd.f32 v5, v0  }
0xa7: {  	v4 =	vld [tilespmem:s31+$0x0];
	[tilespmem:s26+$0x70] =	vst v1  }
0xa8: {  	v1 =	vld [tilespmem:s28+$0xFFFFFF10];
	v5 =	vadd.f32 v6, v7;
	[tilespmem:s26+$0xFFFFFF70] =	vst v0;
	s26 =	smov.u32 s31  }
0xa9: {  	v0 =	vld [tilespmem:s31+$0xFFFFFF00]  }
0xaa: {  	[tilespmem:s31+$0x80] =	vst v5;
	v5 =	vld [tilespmem:s31+$0x90]  }
0xab: {  	v2 =	vadd.f32 v2, v8;
	v6 =	vld [tilespmem:s28+$0xFFFFFFA0]  }
0xac: {  	v7 =	vld [tilespmem:s31+$0xFFFFFF10]  }
0xad: {  	[tilespmem:s31+$0xFFFFFF80] =	vst v2;
	v2 =	vld [tilespmem:s31+$0xFFFFFF90];
	v1 =	vadd.f32 v1, v4  }
0xae: {  	v0 =	vadd.f32 v3, v0;
	v3 =	vld [tilespmem:s28+$0xFFFFFEA0]  }
0xaf: {  	[tilespmem:s31+$0x0] =	vst v1;
	v1 =	vld [tilespmem:s31+$0x10]  }
0xb0: {  	[tilespmem:s31+$0xFFFFFF00] =	vst v0;
	v0 =	vld [tilespmem:s28+$0xFFFFFF20];
	v4 =	vadd.f32 v6, v5  }
0xb1: {  	v5 =	vld [tilespmem:s28+$0xFFFFFE20]  }
0xb2: {  	[tilespmem:s31+$0x90] =	vst v4;
	v4 =	vld [tilespmem:s31+$0xA0]  }
0xb3: {  	v2 =	vadd.f32 v3, v2;
	v3 =	vld [tilespmem:s28+$0xFFFFFFB0]  }
0xb4: {  	v6 =	vld [tilespmem:s31+$0xFFFFFF20]  }
0xb5: {  	[tilespmem:s31+$0xFFFFFF90] =	vst v2;
	v2 =	vld [tilespmem:s31+$0xFFFFFFA0];
	v0 =	vadd.f32 v0, v1  }
0xb6: {  	v1 =	vadd.f32 v5, v7;
	v5 =	vld [tilespmem:s28+$0xFFFFFEB0]  }
0xb7: {  	[tilespmem:s31+$0x10] =	vst v0;
	v0 =	vld [tilespmem:s31+$0x20]  }
0xb8: {  	[tilespmem:s31+$0xFFFFFF10] =	vst v1;
	v1 =	vld [tilespmem:s28+$0xFFFFFF30];
	v3 =	vadd.f32 v3, v4  }
0xb9: {  	v4 =	vld [tilespmem:s28+$0xFFFFFE30]  }
0xba: {  	[tilespmem:s31+$0xA0] =	vst v3;
	v3 =	vld [tilespmem:s31+$0xB0]  }
0xbb: {  	v2 =	vadd.f32 v5, v2;
	v5 =	vld [tilespmem:s28+$0xFFFFFFC0]  }
0xbc: {  	v7 =	vld [tilespmem:s31+$0xFFFFFF30]  }
0xbd: {  	[tilespmem:s31+$0xFFFFFFA0] =	vst v2;
	v2 =	vld [tilespmem:s31+$0xFFFFFFB0];
	v0 =	vadd.f32 v1, v0  }
0xbe: {  	v1 =	vadd.f32 v4, v6;
	v4 =	vld [tilespmem:s28+$0xFFFFFEC0]  }
0xbf: {  	[tilespmem:s31+$0x20] =	vst v0;
	v0 =	vld [tilespmem:s31+$0x30]  }
0xc0: {  	[tilespmem:s31+$0xFFFFFF20] =	vst v1;
	v1 =	vld [tilespmem:s28+$0xFFFFFF40];
	v3 =	vadd.f32 v5, v3  }
0xc1: {  	v5 =	vld [tilespmem:s28+$0xFFFFFE40]  }
0xc2: {  	[tilespmem:s31+$0xB0] =	vst v3;
	v3 =	vld [tilespmem:s31+$0xC0]  }
0xc3: {  	v2 =	vadd.f32 v4, v2;
	v4 =	vld [tilespmem:s28+$0xFFFFFFD0]  }
0xc4: {  	v6 =	vld [tilespmem:s31+$0xFFFFFF40]  }
0xc5: {  	[tilespmem:s31+$0xFFFFFFB0] =	vst v2;
	v2 =	vld [tilespmem:s31+$0xFFFFFFC0];
	v0 =	vadd.f32 v1, v0  }
0xc6: {  	v1 =	vadd.f32 v5, v7;
	v5 =	vld [tilespmem:s28+$0xFFFFFED0]  }
0xc7: {  	[tilespmem:s31+$0x30] =	vst v0;
	v0 =	vld [tilespmem:s31+$0x40]  }
0xc8: {  	[tilespmem:s31+$0xFFFFFF30] =	vst v1;
	v1 =	vld [tilespmem:s28+$0xFFFFFF50];
	v3 =	vadd.f32 v4, v3  }
0xc9: {  	v4 =	vld [tilespmem:s28+$0xFFFFFE50]  }
0xca: {  	[tilespmem:s31+$0xC0] =	vst v3;
	v3 =	vld [tilespmem:s31+$0xD0]  }
0xcb: {  	v2 =	vadd.f32 v5, v2;
	v5 =	vld [tilespmem:s28+$0xFFFFFFE0]  }
0xcc: {  	v7 =	vld [tilespmem:s31+$0xFFFFFF50]  }
0xcd: {  	[tilespmem:s31+$0xFFFFFFC0] =	vst v2;
	v2 =	vld [tilespmem:s31+$0xFFFFFFD0];
	v0 =	vadd.f32 v1, v0  }
0xce: {  	v1 =	vadd.f32 v4, v6;
	v4 =	vld [tilespmem:s28+$0xFFFFFEE0]  }
0xcf: {  	[tilespmem:s31+$0x40] =	vst v0;
	v0 =	vld [tilespmem:s31+$0x50]  }
0xd0: {  	[tilespmem:s31+$0xFFFFFF40] =	vst v1;
	v1 =	vld [tilespmem:s28+$0xFFFFFF60];
	v3 =	vadd.f32 v5, v3  }
0xd1: {  	v5 =	vld [tilespmem:s28+$0xFFFFFE60]  }
0xd2: {  	[tilespmem:s31+$0xD0] =	vst v3;
	v3 =	vld [tilespmem:s31+$0xE0]  }
0xd3: {  	v2 =	vadd.f32 v4, v2;
	v4 =	vld [tilespmem:s28+$0xFFFFFFF0]  }
0xd4: {  	v6 =	vld [tilespmem:s31+$0xFFFFFF60]  }
0xd5: {  	[tilespmem:s31+$0xFFFFFFD0] =	vst v2;
	v2 =	vld [tilespmem:s31+$0xFFFFFFE0];
	v0 =	vadd.f32 v1, v0  }
0xd6: {  	v1 =	vadd.f32 v5, v7;
	v5 =	vld [tilespmem:s28+$0xFFFFFEF0]  }
0xd7: {  	[tilespmem:s31+$0x50] =	vst v0;
	v7 =	vld [tilespmem:s31+$0x60]  }
0xd8: {  	[tilespmem:s31+$0xFFFFFF50] =	vst v1;
	v8 =	vld [tilespmem:s28+$0xFFFFFF70];
	v0 =	vadd.f32 v4, v3  }
0xd9: {  	v3 =	vld [tilespmem:s28+$0xFFFFFE70]  }
0xda: {  	[tilespmem:s31+$0xE0] =	vst v0;
	v9 =	vld [tilespmem:s31+$0xF0]  }
0xdb: {  	v1 =	vadd.f32 v5, v2;
	v5 =	vld [tilespmem:s28+$0x0]  }
0xdc: {  	v0 =	vld [tilespmem:s31+$0xFFFFFF70]  }
.Ltmp5:
0xdd: {  	[tilespmem:s31+$0xFFFFFFE0] =	vst v1;
	v1 =	vld [tilespmem:s31+$0xFFFFFFF0];
	v2 =	vadd.f32 v8, v7;
	(pc) =	sbr.rel @p1 .LBB2_3-.Ltmp5, $4  }
0xde: {  	v4 =	vadd.f32 v3, v6;
	v3 =	vld [tilespmem:s28+$0xFFFFFF00]  }
0xdf: {  	[tilespmem:s31+$0x60] =	vst v2;
	v2 =	vld [tilespmem:s31+$0x70]  }
0xe0: {  	[tilespmem:s31+$0xFFFFFF60] =	vst v4;
	v4 =	vld [tilespmem:s28+$0xFFFFFF80];
	v6 =	vadd.f32 v5, v9  }
0xe1: {  	s31 =	sadd.s32 $0x200, s31;
	v5 =	vld [tilespmem:s28+$0xFFFFFE80]  }
.LBB2_4:
0xe2: {  	_ = 	snop  }
0xe3: {  	s25 =	sand.u32 $0xFFFF, s25  }
0xe4: {  	v1 =	vadd.f32 v3, v1;
	p1 =	sgt.u32 s25, $0x48  }
.Ltmp6:
0xe5: {  	[tilespmem:s26+$0xF0] =	vst v6;
	v2 =	vadd.f32 v4, v2;
	(pc) =	sbr.rel @!p1 .LBB2_8-.Ltmp6, $4  }
0xe6: {  	[tilespmem:s26+$0xFFFFFFF0] =	vst v1;
	v0 =	vadd.f32 v5, v0  }
0xe7: {  	[tilespmem:s26+$0x70] =	vst v2  }
0xe8: {  	s31 =	smov.u32 s0;
	s3 =	smov.u32 s10;
	[tilespmem:s26+$0xFFFFFF70] =	vst v0  }
0xe9: {  	s2 =	simm.s32 $0x0;
	s30 =	simm.s32 $0x18800;
	s0 =	rddreg [dreg:$0x5]  }
0xea: {  	v0 =	vld [tilespmem:s6+$0x80]  }
0xeb: {  	v1 =	vld [tilespmem:s16+$0x0]  }
0xec: {  	v2 =	vld [tilespmem:s6+$0xFFFFFF80]  }
0xed: {  	v3 =	vld [tilespmem:s16+$0xFFFFFF00]  }
0xee: {  	v4 =	vld [tilespmem:s6+$0x0]  }
0xef: {  	v5 =	vld [tilespmem:s16+$0xFFFFFF80]  }
0xf0: {  	v6 =	vld [tilespmem:s6+$0xFFFFFF00];
	v0 =	vadd.f32 v1, v0  }
0xf1: {  	v1 =	vld [tilespmem:s16+$0xFFFFFE80]  }
0xf2: {  	[tilespmem:s6+$0x80] =	vst v0;
	v0 =	vld [tilespmem:s6+$0x90]  }
0xf3: {  	v2 =	vadd.f32 v3, v2;
	v3 =	vld [tilespmem:s16+$0x10]  }
0xf4: {  	v7 =	vld [tilespmem:s6+$0xFFFFFF10]  }
0xf5: {  	[tilespmem:s6+$0xFFFFFF80] =	vst v2;
	v2 =	vadd.f32 v5, v4;
	v4 =	vld [tilespmem:s6+$0xFFFFFF90]  }
0xf6: {  	v5 =	vld [tilespmem:s16+$0xFFFFFF10];
	v1 =	vadd.f32 v1, v6  }
0xf7: {  	[tilespmem:s6+$0x0] =	vst v2;
	v2 =	vld [tilespmem:s6+$0x10]  }
0xf8: {  	v6 =	vld [tilespmem:s16+$0xFFFFFF90];
	[tilespmem:s6+$0xFFFFFF00] =	vst v1;
	v0 =	vadd.f32 v3, v0  }
0xf9: {  	v1 =	vld [tilespmem:s16+$0xFFFFFE90]  }
0xfa: {  	[tilespmem:s6+$0x90] =	vst v0;
	v0 =	vld [tilespmem:s6+$0xA0]  }
0xfb: {  	v3 =	vadd.f32 v5, v4;
	v4 =	vld [tilespmem:s16+$0x20]  }
0xfc: {  	v5 =	vld [tilespmem:s6+$0xFFFFFF20]  }
0xfd: {  	[tilespmem:s6+$0xFFFFFF90] =	vst v3;
	v2 =	vadd.f32 v6, v2;
	v3 =	vld [tilespmem:s6+$0xFFFFFFA0]  }
0xfe: {  	v6 =	vld [tilespmem:s16+$0xFFFFFF20];
	v1 =	vadd.f32 v1, v7  }
0xff: {  	[tilespmem:s6+$0x10] =	vst v2;
	v2 =	vld [tilespmem:s6+$0x20]  }
0x100: {  	v7 =	vld [tilespmem:s16+$0xFFFFFFA0];
	[tilespmem:s6+$0xFFFFFF10] =	vst v1;
	v0 =	vadd.f32 v4, v0  }
0x101: {  	v1 =	vld [tilespmem:s16+$0xFFFFFEA0]  }
0x102: {  	[tilespmem:s6+$0xA0] =	vst v0;
	v0 =	vld [tilespmem:s6+$0xB0]  }
0x103: {  	v3 =	vadd.f32 v6, v3;
	v4 =	vld [tilespmem:s16+$0x30]  }
0x104: {  	v6 =	vld [tilespmem:s6+$0xFFFFFF30]  }
0x105: {  	[tilespmem:s6+$0xFFFFFFA0] =	vst v3;
	v2 =	vadd.f32 v7, v2;
	v3 =	vld [tilespmem:s6+$0xFFFFFFB0]  }
0x106: {  	v7 =	vld [tilespmem:s16+$0xFFFFFF30];
	v1 =	vadd.f32 v1, v5  }
0x107: {  	[tilespmem:s6+$0x20] =	vst v2;
	v2 =	vld [tilespmem:s6+$0x30]  }
0x108: {  	v5 =	vld [tilespmem:s16+$0xFFFFFFB0];
	[tilespmem:s6+$0xFFFFFF20] =	vst v1;
	v0 =	vadd.f32 v4, v0  }
0x109: {  	v1 =	vld [tilespmem:s16+$0xFFFFFEB0]  }
0x10a: {  	[tilespmem:s6+$0xB0] =	vst v0;
	v0 =	vld [tilespmem:s6+$0xC0]  }
0x10b: {  	v3 =	vadd.f32 v7, v3;
	v4 =	vld [tilespmem:s16+$0x40]  }
0x10c: {  	v7 =	vld [tilespmem:s6+$0xFFFFFF40]  }
0x10d: {  	[tilespmem:s6+$0xFFFFFFB0] =	vst v3;
	v2 =	vadd.f32 v5, v2;
	v3 =	vld [tilespmem:s6+$0xFFFFFFC0]  }
0x10e: {  	v5 =	vld [tilespmem:s16+$0xFFFFFF40];
	v1 =	vadd.f32 v1, v6  }
0x10f: {  	[tilespmem:s6+$0x30] =	vst v2;
	v2 =	vld [tilespmem:s6+$0x40]  }
0x110: {  	v6 =	vld [tilespmem:s16+$0xFFFFFFC0];
	[tilespmem:s6+$0xFFFFFF30] =	vst v1;
	v0 =	vadd.f32 v4, v0  }
0x111: {  	v1 =	vld [tilespmem:s16+$0xFFFFFEC0]  }
0x112: {  	[tilespmem:s6+$0xC0] =	vst v0;
	v0 =	vld [tilespmem:s6+$0xD0]  }
0x113: {  	v3 =	vadd.f32 v5, v3;
	v4 =	vld [tilespmem:s16+$0x50]  }
0x114: {  	v5 =	vld [tilespmem:s6+$0xFFFFFF50]  }
0x115: {  	[tilespmem:s6+$0xFFFFFFC0] =	vst v3;
	v2 =	vadd.f32 v6, v2;
	v3 =	vld [tilespmem:s6+$0xFFFFFFD0]  }
0x116: {  	v6 =	vld [tilespmem:s16+$0xFFFFFF50];
	v1 =	vadd.f32 v1, v7  }
0x117: {  	[tilespmem:s6+$0x40] =	vst v2;
	v2 =	vld [tilespmem:s6+$0x50]  }
0x118: {  	v7 =	vld [tilespmem:s16+$0xFFFFFFD0];
	[tilespmem:s6+$0xFFFFFF40] =	vst v1;
	v0 =	vadd.f32 v4, v0  }
0x119: {  	v1 =	vld [tilespmem:s16+$0xFFFFFED0]  }
0x11a: {  	[tilespmem:s6+$0xD0] =	vst v0;
	v0 =	vld [tilespmem:s6+$0xE0]  }
0x11b: {  	v3 =	vadd.f32 v6, v3;
	v4 =	vld [tilespmem:s16+$0x60]  }
0x11c: {  	v6 =	vld [tilespmem:s6+$0xFFFFFF60]  }
0x11d: {  	[tilespmem:s6+$0xFFFFFFD0] =	vst v3;
	v2 =	vadd.f32 v7, v2;
	v3 =	vld [tilespmem:s6+$0xFFFFFFE0]  }
0x11e: {  	v7 =	vld [tilespmem:s16+$0xFFFFFF60];
	v1 =	vadd.f32 v1, v5  }
0x11f: {  	[tilespmem:s6+$0x50] =	vst v2;
	v2 =	vld [tilespmem:s6+$0x60]  }
0x120: {  	v5 =	vld [tilespmem:s16+$0xFFFFFFE0];
	[tilespmem:s6+$0xFFFFFF50] =	vst v1;
	v0 =	vadd.f32 v4, v0  }
0x121: {  	v4 =	vld [tilespmem:s16+$0xFFFFFEE0]  }
0x122: {  	v8 =	vld [tilespmem:s6+$0xF0];
	[tilespmem:s6+$0xE0] =	vst v0  }
0x123: {  	s13 =	sadd.s32 $0x4, s13;
	v1 =	vadd.f32 v7, v3;
	v7 =	vld [tilespmem:s16+$0x70]  }
0x124: {  	p1 =	slt.u32 s13, $0x7C;
	v0 =	vld [tilespmem:s6+$0xFFFFFF70]  }
.Ltmp7:
0x125: {  	[tilespmem:s6+$0xFFFFFFE0] =	vst v1;
	v2 =	vadd.f32 v5, v2;
	v1 =	vld [tilespmem:s6+$0xFFFFFFF0];
	(pc) =	sbr.rel @!p1 .LBB2_7-.Ltmp7, $4  }
0x126: {  	v3 =	vld [tilespmem:s16+$0xFFFFFF70];
	v4 =	vadd.f32 v4, v6  }
0x127: {  	[tilespmem:s6+$0x60] =	vst v2;
	v2 =	vld [tilespmem:s6+$0x70]  }
0x128: {  	[tilespmem:s6+$0xFFFFFF60] =	vst v4;
	v4 =	vld [tilespmem:s16+$0xFFFFFFF0];
	v6 =	vadd.f32 v7, v8  }
0x129: {  	s25 =	sadd.s32 $0x200, s6;
	v5 =	vld [tilespmem:s16+$0xFFFFFEF0]  }
.LBB2_6:
0x12a: {  	v7 =	vld [tilespmem:s25+$0x80];
	[tilespmem:s6+$0xF0] =	vst v6;
	s16 =	sadd.s32 $0x200, s16  }
0x12b: {  	s13 =	sadd.s32 $0x4, s13;
	v6 =	vld [tilespmem:s16+$0x0];
	v1 =	vadd.f32 v3, v1  }
0x12c: {  	p1 =	slt.u32 s13, $0x7C;
	v3 =	vld [tilespmem:s16+$0xFFFFFE80]  }
0x12d: {  	v8 =	vld [tilespmem:s25+$0xFFFFFF80];
	[tilespmem:s6+$0xFFFFFFF0] =	vst v1;
	v1 =	vadd.f32 v4, v2  }
0x12e: {  	v2 =	vld [tilespmem:s16+$0xFFFFFF00];
	v0 =	vadd.f32 v5, v0  }
0x12f: {  	v4 =	vld [tilespmem:s25+$0x0];
	[tilespmem:s6+$0x70] =	vst v1  }
0x130: {  	v1 =	vld [tilespmem:s16+$0xFFFFFF80];
	v5 =	vadd.f32 v6, v7;
	[tilespmem:s6+$0xFFFFFF70] =	vst v0;
	s6 =	smov.u32 s25  }
0x131: {  	v0 =	vld [tilespmem:s25+$0xFFFFFF00]  }
0x132: {  	[tilespmem:s25+$0x80] =	vst v5;
	v5 =	vld [tilespmem:s25+$0x90]  }
0x133: {  	v2 =	vadd.f32 v2, v8;
	v6 =	vld [tilespmem:s16+$0x10]  }
0x134: {  	v7 =	vld [tilespmem:s25+$0xFFFFFF10]  }
0x135: {  	[tilespmem:s25+$0xFFFFFF80] =	vst v2;
	v2 =	vld [tilespmem:s25+$0xFFFFFF90];
	v1 =	vadd.f32 v1, v4  }
0x136: {  	v0 =	vadd.f32 v3, v0;
	v3 =	vld [tilespmem:s16+$0xFFFFFF10]  }
0x137: {  	[tilespmem:s25+$0x0] =	vst v1;
	v1 =	vld [tilespmem:s25+$0x10]  }
0x138: {  	[tilespmem:s25+$0xFFFFFF00] =	vst v0;
	v0 =	vld [tilespmem:s16+$0xFFFFFF90];
	v4 =	vadd.f32 v6, v5  }
0x139: {  	v5 =	vld [tilespmem:s16+$0xFFFFFE90]  }
0x13a: {  	[tilespmem:s25+$0x90] =	vst v4;
	v4 =	vld [tilespmem:s25+$0xA0]  }
0x13b: {  	v2 =	vadd.f32 v3, v2;
	v3 =	vld [tilespmem:s16+$0x20]  }
0x13c: {  	v6 =	vld [tilespmem:s25+$0xFFFFFF20]  }
0x13d: {  	[tilespmem:s25+$0xFFFFFF90] =	vst v2;
	v2 =	vld [tilespmem:s25+$0xFFFFFFA0];
	v0 =	vadd.f32 v0, v1  }
0x13e: {  	v1 =	vadd.f32 v5, v7;
	v5 =	vld [tilespmem:s16+$0xFFFFFF20]  }
0x13f: {  	[tilespmem:s25+$0x10] =	vst v0;
	v0 =	vld [tilespmem:s25+$0x20]  }
0x140: {  	[tilespmem:s25+$0xFFFFFF10] =	vst v1;
	v1 =	vld [tilespmem:s16+$0xFFFFFFA0];
	v3 =	vadd.f32 v3, v4  }
0x141: {  	v4 =	vld [tilespmem:s16+$0xFFFFFEA0]  }
0x142: {  	[tilespmem:s25+$0xA0] =	vst v3;
	v3 =	vld [tilespmem:s25+$0xB0]  }
0x143: {  	v2 =	vadd.f32 v5, v2;
	v5 =	vld [tilespmem:s16+$0x30]  }
0x144: {  	v7 =	vld [tilespmem:s25+$0xFFFFFF30]  }
0x145: {  	[tilespmem:s25+$0xFFFFFFA0] =	vst v2;
	v2 =	vld [tilespmem:s25+$0xFFFFFFB0];
	v0 =	vadd.f32 v1, v0  }
0x146: {  	v1 =	vadd.f32 v4, v6;
	v4 =	vld [tilespmem:s16+$0xFFFFFF30]  }
0x147: {  	[tilespmem:s25+$0x20] =	vst v0;
	v0 =	vld [tilespmem:s25+$0x30]  }
0x148: {  	[tilespmem:s25+$0xFFFFFF20] =	vst v1;
	v1 =	vld [tilespmem:s16+$0xFFFFFFB0];
	v3 =	vadd.f32 v5, v3  }
0x149: {  	v5 =	vld [tilespmem:s16+$0xFFFFFEB0]  }
0x14a: {  	[tilespmem:s25+$0xB0] =	vst v3;
	v3 =	vld [tilespmem:s25+$0xC0]  }
0x14b: {  	v2 =	vadd.f32 v4, v2;
	v4 =	vld [tilespmem:s16+$0x40]  }
0x14c: {  	v6 =	vld [tilespmem:s25+$0xFFFFFF40]  }
0x14d: {  	[tilespmem:s25+$0xFFFFFFB0] =	vst v2;
	v2 =	vld [tilespmem:s25+$0xFFFFFFC0];
	v0 =	vadd.f32 v1, v0  }
0x14e: {  	v1 =	vadd.f32 v5, v7;
	v5 =	vld [tilespmem:s16+$0xFFFFFF40]  }
0x14f: {  	[tilespmem:s25+$0x30] =	vst v0;
	v0 =	vld [tilespmem:s25+$0x40]  }
0x150: {  	[tilespmem:s25+$0xFFFFFF30] =	vst v1;
	v1 =	vld [tilespmem:s16+$0xFFFFFFC0];
	v3 =	vadd.f32 v4, v3  }
0x151: {  	v4 =	vld [tilespmem:s16+$0xFFFFFEC0]  }
0x152: {  	[tilespmem:s25+$0xC0] =	vst v3;
	v3 =	vld [tilespmem:s25+$0xD0]  }
0x153: {  	v2 =	vadd.f32 v5, v2;
	v5 =	vld [tilespmem:s16+$0x50]  }
0x154: {  	v7 =	vld [tilespmem:s25+$0xFFFFFF50]  }
0x155: {  	[tilespmem:s25+$0xFFFFFFC0] =	vst v2;
	v2 =	vld [tilespmem:s25+$0xFFFFFFD0];
	v0 =	vadd.f32 v1, v0  }
0x156: {  	v1 =	vadd.f32 v4, v6;
	v4 =	vld [tilespmem:s16+$0xFFFFFF50]  }
0x157: {  	[tilespmem:s25+$0x40] =	vst v0;
	v0 =	vld [tilespmem:s25+$0x50]  }
0x158: {  	[tilespmem:s25+$0xFFFFFF40] =	vst v1;
	v1 =	vld [tilespmem:s16+$0xFFFFFFD0];
	v3 =	vadd.f32 v5, v3  }
0x159: {  	v5 =	vld [tilespmem:s16+$0xFFFFFED0]  }
0x15a: {  	[tilespmem:s25+$0xD0] =	vst v3;
	v3 =	vld [tilespmem:s25+$0xE0]  }
0x15b: {  	v2 =	vadd.f32 v4, v2;
	v4 =	vld [tilespmem:s16+$0x60]  }
0x15c: {  	v6 =	vld [tilespmem:s25+$0xFFFFFF60]  }
0x15d: {  	[tilespmem:s25+$0xFFFFFFD0] =	vst v2;
	v2 =	vld [tilespmem:s25+$0xFFFFFFE0];
	v0 =	vadd.f32 v1, v0  }
0x15e: {  	v1 =	vadd.f32 v5, v7;
	v5 =	vld [tilespmem:s16+$0xFFFFFF60]  }
0x15f: {  	[tilespmem:s25+$0x50] =	vst v0;
	v7 =	vld [tilespmem:s25+$0x60]  }
0x160: {  	[tilespmem:s25+$0xFFFFFF50] =	vst v1;
	v8 =	vld [tilespmem:s16+$0xFFFFFFE0];
	v0 =	vadd.f32 v4, v3  }
0x161: {  	v3 =	vld [tilespmem:s16+$0xFFFFFEE0]  }
0x162: {  	[tilespmem:s25+$0xE0] =	vst v0;
	v9 =	vld [tilespmem:s25+$0xF0]  }
0x163: {  	v1 =	vadd.f32 v5, v2;
	v5 =	vld [tilespmem:s16+$0x70]  }
0x164: {  	v0 =	vld [tilespmem:s25+$0xFFFFFF70]  }
.Ltmp8:
0x165: {  	[tilespmem:s25+$0xFFFFFFE0] =	vst v1;
	v1 =	vld [tilespmem:s25+$0xFFFFFFF0];
	v2 =	vadd.f32 v8, v7;
	(pc) =	sbr.rel @p1 .LBB2_6-.Ltmp8, $4  }
0x166: {  	v4 =	vadd.f32 v3, v6;
	v3 =	vld [tilespmem:s16+$0xFFFFFF70]  }
0x167: {  	[tilespmem:s25+$0x60] =	vst v2;
	v2 =	vld [tilespmem:s25+$0x70]  }
0x168: {  	[tilespmem:s25+$0xFFFFFF60] =	vst v4;
	v4 =	vld [tilespmem:s16+$0xFFFFFFF0];
	v6 =	vadd.f32 v5, v9  }
0x169: {  	s25 =	sadd.s32 $0x200, s25;
	v5 =	vld [tilespmem:s16+$0xFFFFFEF0]  }
.LBB2_7:
0x16a: {  	_ =	sdelay $0x1  }
0x16b: {  	v1 =	vadd.f32 v3, v1  }
0x16c: {  	[tilespmem:s6+$0xF0] =	vst v6;
	v2 =	vadd.f32 v4, v2  }
0x16d: {  	[tilespmem:s6+$0xFFFFFFF0] =	vst v1;
	v0 =	vadd.f32 v5, v0  }
0x16e: {  	[tilespmem:s6+$0x70] =	vst v2  }
0x16f: {  	[tilespmem:s6+$0xFFFFFF70] =	vst v0  }
.LBB2_8:
0x170: {  	s6 =	sadd.s32 s0, s1  }
0x171: {  	s6 =	sshll.u32 s6, $0xB  }
0x172: {  	s13 =	simm.s32 $0xC800;
	s16 =	simm.s32 $0x2;
	s6 =	sadd.s32 s31, s6  }
0x173: {  	[hbm4b:s6+s2] =	stream.linear.scatter [tilespmem:s13], [sflag:$0x5], $0x4000, $0x38;
	[tilespmem:$0x1C800] =	vst v63  }
0x174: {  	_ =	swait.ge [sflag:s16], $0x4000  }
0x175: {  	[sflag:s16] =	ssyncset.done $0x0  }
0x176: {  	s25 =	simm.s32 @!p0 $0x8;
	[sflag:s16] =	ssyncadd.s32 $0xFFFFC000  }
0x177: {  	s28 =	simm.s32 $0x80;
	s16 =	sor.u32 $0x3, s1;
	_ =	swait.ge @!p0 [sflag:s25], $0x4000  }
0x178: {  	s6 =	sor.u32 $0x1, s1;
	s1 =	sshll.u32 s16, $0x7;
	[sflag:s25] =	ssyncset.done @!p0 $0x0  }
0x179: {  	s10 =	sand.u32 $0x3FFFFF80, s1;
	[sflag:s25] =	ssyncadd.s32 @!p0 $0xFFFFC000;
	s25 =	simm.s32 $0x10900  }
0x17a: {  	[tilespmem:s30], [sflag:$0x4] =	stream.indirect.gather [hbm4b:s3+s28], $0x80, s10, s28, $0xb8;
	[tilespmem:$0x1C800] =	vst v63  }
0x17b: {  	v0 =	vld [tilespmem:s25+$0x80]  }
0x17c: {  	v1 =	vld [tilespmem:s18+$0xFFFFFF90]  }
0x17d: {  	v2 =	vld [tilespmem:s25+$0xFFFFFF80]  }
0x17e: {  	v3 =	vld [tilespmem:s18+$0xFFFFFE90]  }
0x17f: {  	v4 =	vld [tilespmem:s25+$0x0]  }
0x180: {  	v5 =	vld [tilespmem:s18+$0xFFFFFF10]  }
0x181: {  	v6 =	vld [tilespmem:s25+$0xFFFFFF00];
	v0 =	vadd.f32 v1, v0  }
0x182: {  	v1 =	vld [tilespmem:s18+$0xFFFFFE10]  }
0x183: {  	[tilespmem:s25+$0x80] =	vst v0;
	v0 =	vld [tilespmem:s25+$0x90]  }
0x184: {  	v2 =	vadd.f32 v3, v2;
	v3 =	vld [tilespmem:s18+$0xFFFFFFA0]  }
0x185: {  	v7 =	vld [tilespmem:s25+$0xFFFFFF10]  }
0x186: {  	[tilespmem:s25+$0xFFFFFF80] =	vst v2;
	v2 =	vadd.f32 v5, v4;
	v4 =	vld [tilespmem:s25+$0xFFFFFF90]  }
0x187: {  	v5 =	vld [tilespmem:s18+$0xFFFFFEA0];
	v1 =	vadd.f32 v1, v6  }
0x188: {  	[tilespmem:s25+$0x0] =	vst v2;
	v2 =	vld [tilespmem:s25+$0x10]  }
0x189: {  	v6 =	vld [tilespmem:s18+$0xFFFFFF20];
	[tilespmem:s25+$0xFFFFFF00] =	vst v1;
	v0 =	vadd.f32 v3, v0  }
0x18a: {  	v1 =	vld [tilespmem:s18+$0xFFFFFE20]  }
0x18b: {  	[tilespmem:s25+$0x90] =	vst v0;
	v0 =	vld [tilespmem:s25+$0xA0]  }
0x18c: {  	v3 =	vadd.f32 v5, v4;
	v4 =	vld [tilespmem:s18+$0xFFFFFFB0]  }
0x18d: {  	v5 =	vld [tilespmem:s25+$0xFFFFFF20]  }
0x18e: {  	[tilespmem:s25+$0xFFFFFF90] =	vst v3;
	v2 =	vadd.f32 v6, v2;
	v3 =	vld [tilespmem:s25+$0xFFFFFFA0]  }
0x18f: {  	v6 =	vld [tilespmem:s18+$0xFFFFFEB0];
	v1 =	vadd.f32 v1, v7  }
0x190: {  	[tilespmem:s25+$0x10] =	vst v2;
	v2 =	vld [tilespmem:s25+$0x20]  }
0x191: {  	v7 =	vld [tilespmem:s18+$0xFFFFFF30];
	[tilespmem:s25+$0xFFFFFF10] =	vst v1;
	v0 =	vadd.f32 v4, v0  }
0x192: {  	v1 =	vld [tilespmem:s18+$0xFFFFFE30]  }
0x193: {  	[tilespmem:s25+$0xA0] =	vst v0;
	v0 =	vld [tilespmem:s25+$0xB0]  }
0x194: {  	v3 =	vadd.f32 v6, v3;
	v4 =	vld [tilespmem:s18+$0xFFFFFFC0]  }
0x195: {  	v6 =	vld [tilespmem:s25+$0xFFFFFF30]  }
0x196: {  	[tilespmem:s25+$0xFFFFFFA0] =	vst v3;
	v2 =	vadd.f32 v7, v2;
	v3 =	vld [tilespmem:s25+$0xFFFFFFB0]  }
0x197: {  	v7 =	vld [tilespmem:s18+$0xFFFFFEC0];
	v1 =	vadd.f32 v1, v5  }
0x198: {  	[tilespmem:s25+$0x20] =	vst v2;
	v2 =	vld [tilespmem:s25+$0x30]  }
0x199: {  	v5 =	vld [tilespmem:s18+$0xFFFFFF40];
	[tilespmem:s25+$0xFFFFFF20] =	vst v1;
	v0 =	vadd.f32 v4, v0  }
0x19a: {  	v1 =	vld [tilespmem:s18+$0xFFFFFE40]  }
0x19b: {  	[tilespmem:s25+$0xB0] =	vst v0;
	v0 =	vld [tilespmem:s25+$0xC0]  }
0x19c: {  	v3 =	vadd.f32 v7, v3;
	v4 =	vld [tilespmem:s18+$0xFFFFFFD0]  }
0x19d: {  	v7 =	vld [tilespmem:s25+$0xFFFFFF40]  }
0x19e: {  	[tilespmem:s25+$0xFFFFFFB0] =	vst v3;
	v2 =	vadd.f32 v5, v2;
	v3 =	vld [tilespmem:s25+$0xFFFFFFC0]  }
0x19f: {  	v5 =	vld [tilespmem:s18+$0xFFFFFED0];
	v1 =	vadd.f32 v1, v6  }
0x1a0: {  	[tilespmem:s25+$0x30] =	vst v2;
	v2 =	vld [tilespmem:s25+$0x40]  }
0x1a1: {  	v6 =	vld [tilespmem:s18+$0xFFFFFF50];
	[tilespmem:s25+$0xFFFFFF30] =	vst v1;
	v0 =	vadd.f32 v4, v0  }
0x1a2: {  	v1 =	vld [tilespmem:s18+$0xFFFFFE50]  }
0x1a3: {  	[tilespmem:s25+$0xC0] =	vst v0;
	v0 =	vld [tilespmem:s25+$0xD0]  }
0x1a4: {  	v3 =	vadd.f32 v5, v3;
	v4 =	vld [tilespmem:s18+$0xFFFFFFE0]  }
0x1a5: {  	v5 =	vld [tilespmem:s25+$0xFFFFFF50]  }
0x1a6: {  	[tilespmem:s25+$0xFFFFFFC0] =	vst v3;
	v2 =	vadd.f32 v6, v2;
	v3 =	vld [tilespmem:s25+$0xFFFFFFD0]  }
0x1a7: {  	v6 =	vld [tilespmem:s18+$0xFFFFFEE0];
	v1 =	vadd.f32 v1, v7  }
0x1a8: {  	[tilespmem:s25+$0x40] =	vst v2;
	v2 =	vld [tilespmem:s25+$0x50]  }
0x1a9: {  	v7 =	vld [tilespmem:s18+$0xFFFFFF60];
	[tilespmem:s25+$0xFFFFFF40] =	vst v1;
	v0 =	vadd.f32 v4, v0  }
0x1aa: {  	v1 =	vld [tilespmem:s18+$0xFFFFFE60]  }
0x1ab: {  	[tilespmem:s25+$0xD0] =	vst v0;
	v0 =	vld [tilespmem:s25+$0xE0]  }
0x1ac: {  	s13 =	sshll.u32 s6, $0x7;
	v3 =	vadd.f32 v6, v3;
	v4 =	vld [tilespmem:s18+$0xFFFFFFF0]  }
0x1ad: {  	s26 =	smulhi.u32 $0x51EB851F, s13;
	v6 =	vld [tilespmem:s25+$0xFFFFFF60]  }
0x1ae: {  	[tilespmem:s25+$0xFFFFFFD0] =	vst v3;
	v2 =	vadd.f32 v7, v2;
	v3 =	vld [tilespmem:s25+$0xFFFFFFE0]  }
0x1af: {  	s26 =	sshrl.u32 s26, $0x6;
	v7 =	vld [tilespmem:s18+$0xFFFFFEF0];
	v1 =	vadd.f32 v1, v5  }
0x1b0: {  	s26 =	smul.u32 $0xC8, s26;
	[tilespmem:s25+$0x50] =	vst v2;
	v2 =	vld [tilespmem:s25+$0x60]  }
0x1b1: {  	v5 =	vld [tilespmem:s18+$0xFFFFFF70];
	[tilespmem:s25+$0xFFFFFF50] =	vst v1;
	v0 =	vadd.f32 v4, v0  }
0x1b2: {  	s13 =	ssub.s32 s13, s26;
	v4 =	vld [tilespmem:s18+$0xFFFFFE70]  }
0x1b3: {  	s26 =	ssub.s32 $0xC8, s13;
	v8 =	vld [tilespmem:s25+$0xF0];
	[tilespmem:s25+$0xE0] =	vst v0  }
0x1b4: {  	s26 =	smin.u32 s26, $0x80;
	v1 =	vadd.f32 v7, v3;
	v7 =	vld [tilespmem:s18+$0x0]  }
0x1b5: {  	p0 =	sgt.u32 s26, $0x4;
	v0 =	vld [tilespmem:s25+$0xFFFFFF70]  }
.Ltmp9:
0x1b6: {  	[tilespmem:s25+$0xFFFFFFE0] =	vst v1;
	v2 =	vadd.f32 v5, v2;
	v1 =	vld [tilespmem:s25+$0xFFFFFFF0];
	(pc) =	sbr.rel @!p0 .LBB2_10-.Ltmp9, $4  }
0x1b7: {  	v3 =	vld [tilespmem:s18+$0xFFFFFF00];
	v4 =	vadd.f32 v4, v6  }
0x1b8: {  	[tilespmem:s25+$0x60] =	vst v2;
	v2 =	vld [tilespmem:s25+$0x70]  }
0x1b9: {  	[tilespmem:s25+$0xFFFFFF60] =	vst v4;
	v4 =	vld [tilespmem:s18+$0xFFFFFF80];
	v6 =	vadd.f32 v7, v8  }
0x1ba: {  	s29 =	simm.s32 $0x10B00;
	s28 =	simm.s32 $0x4;
	v5 =	vld [tilespmem:s18+$0xFFFFFE80]  }
.LBB2_9:
0x1bb: {  	v7 =	vld [tilespmem:s29+$0x80];
	[tilespmem:s25+$0xF0] =	vst v6;
	s18 =	sadd.s32 $0x200, s18  }
0x1bc: {  	s28 =	sadd.s32 $0x4, s28;
	v6 =	vld [tilespmem:s18+$0xFFFFFF90];
	v1 =	vadd.f32 v3, v1  }
0x1bd: {  	p0 =	slt.u32 s28, s26;
	v3 =	vld [tilespmem:s18+$0xFFFFFE10]  }
0x1be: {  	v8 =	vld [tilespmem:s29+$0xFFFFFF80];
	[tilespmem:s25+$0xFFFFFFF0] =	vst v1;
	v1 =	vadd.f32 v4, v2  }
0x1bf: {  	v2 =	vld [tilespmem:s18+$0xFFFFFE90];
	v0 =	vadd.f32 v5, v0  }
0x1c0: {  	v4 =	vld [tilespmem:s29+$0x0];
	[tilespmem:s25+$0x70] =	vst v1  }
0x1c1: {  	v1 =	vld [tilespmem:s18+$0xFFFFFF10];
	v5 =	vadd.f32 v6, v7;
	[tilespmem:s25+$0xFFFFFF70] =	vst v0;
	s25 =	smov.u32 s29  }
0x1c2: {  	v0 =	vld [tilespmem:s29+$0xFFFFFF00]  }
0x1c3: {  	[tilespmem:s29+$0x80] =	vst v5;
	v5 =	vld [tilespmem:s29+$0x90]  }
0x1c4: {  	v2 =	vadd.f32 v2, v8;
	v6 =	vld [tilespmem:s18+$0xFFFFFFA0]  }
0x1c5: {  	v7 =	vld [tilespmem:s29+$0xFFFFFF10]  }
0x1c6: {  	[tilespmem:s29+$0xFFFFFF80] =	vst v2;
	v2 =	vld [tilespmem:s29+$0xFFFFFF90];
	v1 =	vadd.f32 v1, v4  }
0x1c7: {  	v0 =	vadd.f32 v3, v0;
	v3 =	vld [tilespmem:s18+$0xFFFFFEA0]  }
0x1c8: {  	[tilespmem:s29+$0x0] =	vst v1;
	v1 =	vld [tilespmem:s29+$0x10]  }
0x1c9: {  	[tilespmem:s29+$0xFFFFFF00] =	vst v0;
	v0 =	vld [tilespmem:s18+$0xFFFFFF20];
	v4 =	vadd.f32 v6, v5  }
0x1ca: {  	v5 =	vld [tilespmem:s18+$0xFFFFFE20]  }
0x1cb: {  	[tilespmem:s29+$0x90] =	vst v4;
	v4 =	vld [tilespmem:s29+$0xA0]  }
0x1cc: {  	v2 =	vadd.f32 v3, v2;
	v3 =	vld [tilespmem:s18+$0xFFFFFFB0]  }
0x1cd: {  	v6 =	vld [tilespmem:s29+$0xFFFFFF20]  }
0x1ce: {  	[tilespmem:s29+$0xFFFFFF90] =	vst v2;
	v2 =	vld [tilespmem:s29+$0xFFFFFFA0];
	v0 =	vadd.f32 v0, v1  }
0x1cf: {  	v1 =	vadd.f32 v5, v7;
	v5 =	vld [tilespmem:s18+$0xFFFFFEB0]  }
0x1d0: {  	[tilespmem:s29+$0x10] =	vst v0;
	v0 =	vld [tilespmem:s29+$0x20]  }
0x1d1: {  	[tilespmem:s29+$0xFFFFFF10] =	vst v1;
	v1 =	vld [tilespmem:s18+$0xFFFFFF30];
	v3 =	vadd.f32 v3, v4  }
0x1d2: {  	v4 =	vld [tilespmem:s18+$0xFFFFFE30]  }
0x1d3: {  	[tilespmem:s29+$0xA0] =	vst v3;
	v3 =	vld [tilespmem:s29+$0xB0]  }
0x1d4: {  	v2 =	vadd.f32 v5, v2;
	v5 =	vld [tilespmem:s18+$0xFFFFFFC0]  }
0x1d5: {  	v7 =	vld [tilespmem:s29+$0xFFFFFF30]  }
0x1d6: {  	[tilespmem:s29+$0xFFFFFFA0] =	vst v2;
	v2 =	vld [tilespmem:s29+$0xFFFFFFB0];
	v0 =	vadd.f32 v1, v0  }
0x1d7: {  	v1 =	vadd.f32 v4, v6;
	v4 =	vld [tilespmem:s18+$0xFFFFFEC0]  }
0x1d8: {  	[tilespmem:s29+$0x20] =	vst v0;
	v0 =	vld [tilespmem:s29+$0x30]  }
0x1d9: {  	[tilespmem:s29+$0xFFFFFF20] =	vst v1;
	v1 =	vld [tilespmem:s18+$0xFFFFFF40];
	v3 =	vadd.f32 v5, v3  }
0x1da: {  	v5 =	vld [tilespmem:s18+$0xFFFFFE40]  }
0x1db: {  	[tilespmem:s29+$0xB0] =	vst v3;
	v3 =	vld [tilespmem:s29+$0xC0]  }
0x1dc: {  	v2 =	vadd.f32 v4, v2;
	v4 =	vld [tilespmem:s18+$0xFFFFFFD0]  }
0x1dd: {  	v6 =	vld [tilespmem:s29+$0xFFFFFF40]  }
0x1de: {  	[tilespmem:s29+$0xFFFFFFB0] =	vst v2;
	v2 =	vld [tilespmem:s29+$0xFFFFFFC0];
	v0 =	vadd.f32 v1, v0  }
0x1df: {  	v1 =	vadd.f32 v5, v7;
	v5 =	vld [tilespmem:s18+$0xFFFFFED0]  }
0x1e0: {  	[tilespmem:s29+$0x30] =	vst v0;
	v0 =	vld [tilespmem:s29+$0x40]  }
0x1e1: {  	[tilespmem:s29+$0xFFFFFF30] =	vst v1;
	v1 =	vld [tilespmem:s18+$0xFFFFFF50];
	v3 =	vadd.f32 v4, v3  }
0x1e2: {  	v4 =	vld [tilespmem:s18+$0xFFFFFE50]  }
0x1e3: {  	[tilespmem:s29+$0xC0] =	vst v3;
	v3 =	vld [tilespmem:s29+$0xD0]  }
0x1e4: {  	v2 =	vadd.f32 v5, v2;
	v5 =	vld [tilespmem:s18+$0xFFFFFFE0]  }
0x1e5: {  	v7 =	vld [tilespmem:s29+$0xFFFFFF50]  }
0x1e6: {  	[tilespmem:s29+$0xFFFFFFC0] =	vst v2;
	v2 =	vld [tilespmem:s29+$0xFFFFFFD0];
	v0 =	vadd.f32 v1, v0  }
0x1e7: {  	v1 =	vadd.f32 v4, v6;
	v4 =	vld [tilespmem:s18+$0xFFFFFEE0]  }
0x1e8: {  	[tilespmem:s29+$0x40] =	vst v0;
	v0 =	vld [tilespmem:s29+$0x50]  }
0x1e9: {  	[tilespmem:s29+$0xFFFFFF40] =	vst v1;
	v1 =	vld [tilespmem:s18+$0xFFFFFF60];
	v3 =	vadd.f32 v5, v3  }
0x1ea: {  	v5 =	vld [tilespmem:s18+$0xFFFFFE60]  }
0x1eb: {  	[tilespmem:s29+$0xD0] =	vst v3;
	v3 =	vld [tilespmem:s29+$0xE0]  }
0x1ec: {  	v2 =	vadd.f32 v4, v2;
	v4 =	vld [tilespmem:s18+$0xFFFFFFF0]  }
0x1ed: {  	v6 =	vld [tilespmem:s29+$0xFFFFFF60]  }
0x1ee: {  	[tilespmem:s29+$0xFFFFFFD0] =	vst v2;
	v2 =	vld [tilespmem:s29+$0xFFFFFFE0];
	v0 =	vadd.f32 v1, v0  }
0x1ef: {  	v1 =	vadd.f32 v5, v7;
	v5 =	vld [tilespmem:s18+$0xFFFFFEF0]  }
0x1f0: {  	[tilespmem:s29+$0x50] =	vst v0;
	v7 =	vld [tilespmem:s29+$0x60]  }
0x1f1: {  	[tilespmem:s29+$0xFFFFFF50] =	vst v1;
	v8 =	vld [tilespmem:s18+$0xFFFFFF70];
	v0 =	vadd.f32 v4, v3  }
0x1f2: {  	v3 =	vld [tilespmem:s18+$0xFFFFFE70]  }
0x1f3: {  	[tilespmem:s29+$0xE0] =	vst v0;
	v9 =	vld [tilespmem:s29+$0xF0]  }
0x1f4: {  	v1 =	vadd.f32 v5, v2;
	v5 =	vld [tilespmem:s18+$0x0]  }
0x1f5: {  	v0 =	vld [tilespmem:s29+$0xFFFFFF70]  }
.Ltmp10:
0x1f6: {  	[tilespmem:s29+$0xFFFFFFE0] =	vst v1;
	v1 =	vld [tilespmem:s29+$0xFFFFFFF0];
	v2 =	vadd.f32 v8, v7;
	(pc) =	sbr.rel @p0 .LBB2_9-.Ltmp10, $4  }
0x1f7: {  	v4 =	vadd.f32 v3, v6;
	v3 =	vld [tilespmem:s18+$0xFFFFFF00]  }
0x1f8: {  	[tilespmem:s29+$0x60] =	vst v2;
	v2 =	vld [tilespmem:s29+$0x70]  }
0x1f9: {  	[tilespmem:s29+$0xFFFFFF60] =	vst v4;
	v4 =	vld [tilespmem:s18+$0xFFFFFF80];
	v6 =	vadd.f32 v5, v9  }
0x1fa: {  	s29 =	sadd.s32 $0x200, s29;
	v5 =	vld [tilespmem:s18+$0xFFFFFE80]  }
.LBB2_10:
0x1fb: {  	_ =	sdelay $0x1  }
0x1fc: {  	v1 =	vadd.f32 v3, v1  }
0x1fd: {  	[tilespmem:s25+$0xF0] =	vst v6;
	p0 =	sgt.u32 s13, $0x48;
	v2 =	vadd.f32 v4, v2  }
.Ltmp11:
0x1fe: {  	[tilespmem:s25+$0xFFFFFFF0] =	vst v1;
	v0 =	vadd.f32 v5, v0;
	(pc) =	sbr.rel @!p0 .LBB2_14-.Ltmp11, $4  }
0x1ff: {  	[tilespmem:s25+$0x70] =	vst v2  }
0x200: {  	[tilespmem:s25+$0xFFFFFF70] =	vst v0  }
0x201: {  	s25 =	rddreg [dreg:$0xb]  }
0x202: {  	s26 =	rddreg [dreg:$0xe]  }
0x203: {  	v0 =	vld [tilespmem:s4+$0x80]  }
0x204: {  	v1 =	vld [tilespmem:s5+$0x0]  }
0x205: {  	v2 =	vld [tilespmem:s4+$0xFFFFFF80]  }
0x206: {  	v3 =	vld [tilespmem:s5+$0xFFFFFF00]  }
0x207: {  	v4 =	vld [tilespmem:s4+$0x0]  }
0x208: {  	v5 =	vld [tilespmem:s5+$0xFFFFFF80];
	_ =	sdelay $0x1  }
0x209: {  	v6 =	vld [tilespmem:s4+$0xFFFFFF00];
	v0 =	vadd.f32 v1, v0  }
0x20a: {  	v1 =	vld [tilespmem:s5+$0xFFFFFE80];
	v2 =	vadd.f32 v3, v2  }
0x20b: {  	[tilespmem:s4+$0x80] =	vst v0;
	v0 =	vld [tilespmem:s4+$0x90]  }
0x20c: {  	[tilespmem:s4+$0xFFFFFF80] =	vst v2;
	v2 =	vadd.f32 v5, v4;
	v4 =	vld [tilespmem:s4+$0xFFFFFF90]  }
0x20d: {  	v3 =	vld [tilespmem:s5+$0x10]  }
0x20e: {  	v5 =	vld [tilespmem:s5+$0xFFFFFF10];
	_ =	sdelay $0x1  }
0x20f: {  	v7 =	vld [tilespmem:s4+$0xFFFFFF10];
	v1 =	vadd.f32 v1, v6  }
0x210: {  	[tilespmem:s4+$0x0] =	vst v2;
	v2 =	vld [tilespmem:s4+$0x10]  }
0x211: {  	v6 =	vld [tilespmem:s5+$0xFFFFFF90];
	[tilespmem:s4+$0xFFFFFF00] =	vst v1;
	v0 =	vadd.f32 v3, v0  }
0x212: {  	v1 =	vld [tilespmem:s5+$0xFFFFFE90];
	v3 =	vadd.f32 v5, v4  }
0x213: {  	[tilespmem:s4+$0x90] =	vst v0;
	v0 =	vld [tilespmem:s4+$0xA0]  }
0x214: {  	[tilespmem:s4+$0xFFFFFF90] =	vst v3;
	v3 =	vld [tilespmem:s4+$0xFFFFFFA0]  }
0x215: {  	v4 =	vld [tilespmem:s5+$0x20]  }
0x216: {  	v2 =	vadd.f32 v6, v2;
	v6 =	vld [tilespmem:s5+$0xFFFFFF20];
	_ =	sdelay $0x1  }
0x217: {  	v5 =	vld [tilespmem:s4+$0xFFFFFF20];
	v1 =	vadd.f32 v1, v7  }
0x218: {  	[tilespmem:s4+$0x10] =	vst v2;
	v2 =	vld [tilespmem:s4+$0x20]  }
0x219: {  	v7 =	vld [tilespmem:s5+$0xFFFFFFA0];
	[tilespmem:s4+$0xFFFFFF10] =	vst v1;
	v0 =	vadd.f32 v4, v0  }
0x21a: {  	v1 =	vld [tilespmem:s5+$0xFFFFFEA0];
	v3 =	vadd.f32 v6, v3  }
0x21b: {  	[tilespmem:s4+$0xA0] =	vst v0;
	v0 =	vld [tilespmem:s4+$0xB0]  }
0x21c: {  	[tilespmem:s4+$0xFFFFFFA0] =	vst v3;
	v3 =	vld [tilespmem:s4+$0xFFFFFFB0]  }
0x21d: {  	v4 =	vld [tilespmem:s5+$0x30]  }
0x21e: {  	v2 =	vadd.f32 v7, v2;
	v7 =	vld [tilespmem:s5+$0xFFFFFF30];
	_ =	sdelay $0x1  }
0x21f: {  	v6 =	vld [tilespmem:s4+$0xFFFFFF30];
	v1 =	vadd.f32 v1, v5  }
0x220: {  	[tilespmem:s4+$0x20] =	vst v2;
	v2 =	vld [tilespmem:s4+$0x30]  }
0x221: {  	v5 =	vld [tilespmem:s5+$0xFFFFFFB0];
	[tilespmem:s4+$0xFFFFFF20] =	vst v1;
	v0 =	vadd.f32 v4, v0  }
0x222: {  	v1 =	vld [tilespmem:s5+$0xFFFFFEB0];
	v3 =	vadd.f32 v7, v3  }
0x223: {  	[tilespmem:s4+$0xB0] =	vst v0;
	v0 =	vld [tilespmem:s4+$0xC0]  }
0x224: {  	[tilespmem:s4+$0xFFFFFFB0] =	vst v3;
	v3 =	vld [tilespmem:s4+$0xFFFFFFC0]  }
0x225: {  	v4 =	vld [tilespmem:s5+$0x40]  }
0x226: {  	v2 =	vadd.f32 v5, v2;
	v5 =	vld [tilespmem:s5+$0xFFFFFF40];
	_ =	sdelay $0x1  }
0x227: {  	v7 =	vld [tilespmem:s4+$0xFFFFFF40];
	v1 =	vadd.f32 v1, v6  }
0x228: {  	[tilespmem:s4+$0x30] =	vst v2;
	v2 =	vld [tilespmem:s4+$0x40]  }
0x229: {  	v6 =	vld [tilespmem:s5+$0xFFFFFFC0];
	[tilespmem:s4+$0xFFFFFF30] =	vst v1;
	v0 =	vadd.f32 v4, v0  }
0x22a: {  	v1 =	vld [tilespmem:s5+$0xFFFFFEC0];
	v3 =	vadd.f32 v5, v3  }
0x22b: {  	[tilespmem:s4+$0xC0] =	vst v0;
	v0 =	vld [tilespmem:s4+$0xD0]  }
0x22c: {  	[tilespmem:s4+$0xFFFFFFC0] =	vst v3;
	v3 =	vld [tilespmem:s4+$0xFFFFFFD0]  }
0x22d: {  	v4 =	vld [tilespmem:s5+$0x50]  }
0x22e: {  	v2 =	vadd.f32 v6, v2;
	v6 =	vld [tilespmem:s5+$0xFFFFFF50];
	_ =	sdelay $0x1  }
0x22f: {  	[tilespmem:s4+$0x40] =	vst v2;
	v2 =	vld [tilespmem:s4+$0x50];
	v1 =	vadd.f32 v1, v7  }
0x230: {  	v7 =	vld [tilespmem:s5+$0xFFFFFFD0]  }
0x231: {  	v5 =	vld [tilespmem:s4+$0xFFFFFF50];
	[tilespmem:s4+$0xFFFFFF40] =	vst v1;
	v0 =	vadd.f32 v4, v0  }
0x232: {  	v1 =	vld [tilespmem:s5+$0xFFFFFED0];
	v3 =	vadd.f32 v6, v3  }
0x233: {  	[tilespmem:s4+$0xD0] =	vst v0;
	v0 =	vld [tilespmem:s4+$0xE0]  }
0x234: {  	[tilespmem:s4+$0xFFFFFFD0] =	vst v3;
	v3 =	vld [tilespmem:s4+$0xFFFFFFE0]  }
0x235: {  	v2 =	vadd.f32 v7, v2;
	v4 =	vld [tilespmem:s5+$0x60]  }
0x236: {  	v7 =	vld [tilespmem:s5+$0xFFFFFF60]  }
0x237: {  	[tilespmem:s4+$0x50] =	vst v2;
	v2 =	vld [tilespmem:s4+$0x60]  }
0x238: {  	v1 =	vadd.f32 v1, v5;
	v5 =	vld [tilespmem:s5+$0xFFFFFFE0];
	_ =	sdelay $0x2  }
0x239: {  	v0 =	vadd.f32 v4, v0  }
0x23a: {  	[tilespmem:s4+$0xFFFFFF50] =	vst v1;
	v1 =	vadd.f32 v7, v3  }
0x23b: {  	[tilespmem:s4+$0xE0] =	vst v0;
	v2 =	vadd.f32 v5, v2  }
0x23c: {  	v6 =	vld [tilespmem:s4+$0xFFFFFF60];
	[tilespmem:s4+$0xFFFFFFE0] =	vst v1  }
0x23d: {  	v4 =	vld [tilespmem:s5+$0xFFFFFEE0];
	[tilespmem:s4+$0x60] =	vst v2  }
0x23e: {  	v8 =	vld [tilespmem:s4+$0xF0];
	s10 =	rddreg [dreg:$0x16]  }
0x23f: {  	v7 =	vld [tilespmem:s5+$0x70];
	s13 =	sadd.s32 $0x4, s10  }
0x240: {  	v0 =	vld [tilespmem:s4+$0xFFFFFF70];
	p0 =	slt.u32 s13, $0x7C  }
.Ltmp12:
0x241: {  	v1 =	vld [tilespmem:s4+$0xFFFFFFF0];
	(pc) =	sbr.rel @!p0 .LBB2_13-.Ltmp12, $4  }
0x242: {  	v3 =	vld [tilespmem:s5+$0xFFFFFF70];
	v4 =	vadd.f32 v4, v6  }
0x243: {  	v2 =	vld [tilespmem:s4+$0x70]  }
0x244: {  	[tilespmem:s4+$0xFFFFFF60] =	vst v4;
	v4 =	vld [tilespmem:s5+$0xFFFFFFF0];
	v6 =	vadd.f32 v7, v8  }
0x245: {  	s18 =	sadd.s32 $0x200, s4;
	v5 =	vld [tilespmem:s5+$0xFFFFFEF0]  }
.LBB2_12:
0x246: {  	v7 =	vld [tilespmem:s18+$0x80];
	[tilespmem:s4+$0xF0] =	vst v6;
	s5 =	sadd.s32 $0x200, s5  }
0x247: {  	s13 =	sadd.s32 $0x4, s13;
	v6 =	vld [tilespmem:s5+$0x0];
	v1 =	vadd.f32 v3, v1  }
0x248: {  	p0 =	slt.u32 s13, $0x7C;
	v3 =	vld [tilespmem:s5+$0xFFFFFE80]  }
0x249: {  	v8 =	vld [tilespmem:s18+$0xFFFFFF80];
	[tilespmem:s4+$0xFFFFFFF0] =	vst v1;
	v1 =	vadd.f32 v4, v2  }
0x24a: {  	v2 =	vld [tilespmem:s5+$0xFFFFFF00];
	v0 =	vadd.f32 v5, v0  }
0x24b: {  	v4 =	vld [tilespmem:s18+$0x0];
	[tilespmem:s4+$0x70] =	vst v1  }
0x24c: {  	v1 =	vld [tilespmem:s5+$0xFFFFFF80];
	v5 =	vadd.f32 v6, v7;
	[tilespmem:s4+$0xFFFFFF70] =	vst v0;
	s4 =	smov.u32 s18  }
0x24d: {  	v0 =	vld [tilespmem:s18+$0xFFFFFF00]  }
0x24e: {  	[tilespmem:s18+$0x80] =	vst v5;
	v5 =	vld [tilespmem:s18+$0x90]  }
0x24f: {  	v2 =	vadd.f32 v2, v8;
	v6 =	vld [tilespmem:s5+$0x10]  }
0x250: {  	v7 =	vld [tilespmem:s18+$0xFFFFFF10]  }
0x251: {  	[tilespmem:s18+$0xFFFFFF80] =	vst v2;
	v2 =	vld [tilespmem:s18+$0xFFFFFF90];
	v1 =	vadd.f32 v1, v4  }
0x252: {  	v0 =	vadd.f32 v3, v0;
	v3 =	vld [tilespmem:s5+$0xFFFFFF10]  }
0x253: {  	[tilespmem:s18+$0x0] =	vst v1;
	v1 =	vld [tilespmem:s18+$0x10]  }
0x254: {  	[tilespmem:s18+$0xFFFFFF00] =	vst v0;
	v0 =	vld [tilespmem:s5+$0xFFFFFF90];
	v4 =	vadd.f32 v6, v5  }
0x255: {  	v5 =	vld [tilespmem:s5+$0xFFFFFE90]  }
0x256: {  	[tilespmem:s18+$0x90] =	vst v4;
	v4 =	vld [tilespmem:s18+$0xA0]  }
0x257: {  	v2 =	vadd.f32 v3, v2;
	v3 =	vld [tilespmem:s5+$0x20]  }
0x258: {  	v6 =	vld [tilespmem:s18+$0xFFFFFF20]  }
0x259: {  	[tilespmem:s18+$0xFFFFFF90] =	vst v2;
	v2 =	vld [tilespmem:s18+$0xFFFFFFA0];
	v0 =	vadd.f32 v0, v1  }
0x25a: {  	v1 =	vadd.f32 v5, v7;
	v5 =	vld [tilespmem:s5+$0xFFFFFF20]  }
0x25b: {  	[tilespmem:s18+$0x10] =	vst v0;
	v0 =	vld [tilespmem:s18+$0x20]  }
0x25c: {  	[tilespmem:s18+$0xFFFFFF10] =	vst v1;
	v1 =	vld [tilespmem:s5+$0xFFFFFFA0];
	v3 =	vadd.f32 v3, v4  }
0x25d: {  	v4 =	vld [tilespmem:s5+$0xFFFFFEA0]  }
0x25e: {  	[tilespmem:s18+$0xA0] =	vst v3;
	v3 =	vld [tilespmem:s18+$0xB0]  }
0x25f: {  	v2 =	vadd.f32 v5, v2;
	v5 =	vld [tilespmem:s5+$0x30]  }
0x260: {  	v7 =	vld [tilespmem:s18+$0xFFFFFF30]  }
0x261: {  	[tilespmem:s18+$0xFFFFFFA0] =	vst v2;
	v2 =	vld [tilespmem:s18+$0xFFFFFFB0];
	v0 =	vadd.f32 v1, v0  }
0x262: {  	v1 =	vadd.f32 v4, v6;
	v4 =	vld [tilespmem:s5+$0xFFFFFF30]  }
0x263: {  	[tilespmem:s18+$0x20] =	vst v0;
	v0 =	vld [tilespmem:s18+$0x30]  }
0x264: {  	[tilespmem:s18+$0xFFFFFF20] =	vst v1;
	v1 =	vld [tilespmem:s5+$0xFFFFFFB0];
	v3 =	vadd.f32 v5, v3  }
0x265: {  	v5 =	vld [tilespmem:s5+$0xFFFFFEB0]  }
0x266: {  	[tilespmem:s18+$0xB0] =	vst v3;
	v3 =	vld [tilespmem:s18+$0xC0]  }
0x267: {  	v2 =	vadd.f32 v4, v2;
	v4 =	vld [tilespmem:s5+$0x40]  }
0x268: {  	v6 =	vld [tilespmem:s18+$0xFFFFFF40]  }
0x269: {  	[tilespmem:s18+$0xFFFFFFB0] =	vst v2;
	v2 =	vld [tilespmem:s18+$0xFFFFFFC0];
	v0 =	vadd.f32 v1, v0  }
0x26a: {  	v1 =	vadd.f32 v5, v7;
	v5 =	vld [tilespmem:s5+$0xFFFFFF40]  }
0x26b: {  	[tilespmem:s18+$0x30] =	vst v0;
	v0 =	vld [tilespmem:s18+$0x40]  }
0x26c: {  	[tilespmem:s18+$0xFFFFFF30] =	vst v1;
	v1 =	vld [tilespmem:s5+$0xFFFFFFC0];
	v3 =	vadd.f32 v4, v3  }
0x26d: {  	v4 =	vld [tilespmem:s5+$0xFFFFFEC0]  }
0x26e: {  	[tilespmem:s18+$0xC0] =	vst v3;
	v3 =	vld [tilespmem:s18+$0xD0]  }
0x26f: {  	v2 =	vadd.f32 v5, v2;
	v5 =	vld [tilespmem:s5+$0x50]  }
0x270: {  	v7 =	vld [tilespmem:s18+$0xFFFFFF50]  }
0x271: {  	[tilespmem:s18+$0xFFFFFFC0] =	vst v2;
	v2 =	vld [tilespmem:s18+$0xFFFFFFD0];
	v0 =	vadd.f32 v1, v0  }
0x272: {  	v1 =	vadd.f32 v4, v6;
	v4 =	vld [tilespmem:s5+$0xFFFFFF50]  }
0x273: {  	[tilespmem:s18+$0x40] =	vst v0;
	v0 =	vld [tilespmem:s18+$0x50]  }
0x274: {  	[tilespmem:s18+$0xFFFFFF40] =	vst v1;
	v1 =	vld [tilespmem:s5+$0xFFFFFFD0];
	v3 =	vadd.f32 v5, v3  }
0x275: {  	v5 =	vld [tilespmem:s5+$0xFFFFFED0]  }
0x276: {  	[tilespmem:s18+$0xD0] =	vst v3;
	v3 =	vld [tilespmem:s18+$0xE0]  }
0x277: {  	v2 =	vadd.f32 v4, v2;
	v4 =	vld [tilespmem:s5+$0x60]  }
0x278: {  	v6 =	vld [tilespmem:s18+$0xFFFFFF60]  }
0x279: {  	[tilespmem:s18+$0xFFFFFFD0] =	vst v2;
	v2 =	vld [tilespmem:s18+$0xFFFFFFE0];
	v0 =	vadd.f32 v1, v0  }
0x27a: {  	v1 =	vadd.f32 v5, v7;
	v5 =	vld [tilespmem:s5+$0xFFFFFF60]  }
0x27b: {  	[tilespmem:s18+$0x50] =	vst v0;
	v7 =	vld [tilespmem:s18+$0x60]  }
0x27c: {  	[tilespmem:s18+$0xFFFFFF50] =	vst v1;
	v8 =	vld [tilespmem:s5+$0xFFFFFFE0];
	v0 =	vadd.f32 v4, v3  }
0x27d: {  	v3 =	vld [tilespmem:s5+$0xFFFFFEE0]  }
0x27e: {  	[tilespmem:s18+$0xE0] =	vst v0;
	v9 =	vld [tilespmem:s18+$0xF0]  }
0x27f: {  	v1 =	vadd.f32 v5, v2;
	v5 =	vld [tilespmem:s5+$0x70]  }
0x280: {  	v0 =	vld [tilespmem:s18+$0xFFFFFF70]  }
.Ltmp13:
0x281: {  	[tilespmem:s18+$0xFFFFFFE0] =	vst v1;
	v1 =	vld [tilespmem:s18+$0xFFFFFFF0];
	v2 =	vadd.f32 v8, v7;
	(pc) =	sbr.rel @p0 .LBB2_12-.Ltmp13, $4  }
0x282: {  	v4 =	vadd.f32 v3, v6;
	v3 =	vld [tilespmem:s5+$0xFFFFFF70]  }
0x283: {  	[tilespmem:s18+$0x60] =	vst v2;
	v2 =	vld [tilespmem:s18+$0x70]  }
0x284: {  	[tilespmem:s18+$0xFFFFFF60] =	vst v4;
	v4 =	vld [tilespmem:s5+$0xFFFFFFF0];
	v6 =	vadd.f32 v5, v9  }
0x285: {  	s18 =	sadd.s32 $0x200, s18;
	v5 =	vld [tilespmem:s5+$0xFFFFFEF0]  }
.LBB2_13:
0x286: {  	_ =	sdelay $0x1  }
0x287: {  	v1 =	vadd.f32 v3, v1  }
0x288: {  	[tilespmem:s4+$0xF0] =	vst v6;
	v2 =	vadd.f32 v4, v2  }
0x289: {  	[tilespmem:s4+$0xFFFFFFF0] =	vst v1;
	v0 =	vadd.f32 v5, v0  }
0x28a: {  	[tilespmem:s4+$0x70] =	vst v2  }
0x28b: {  	[tilespmem:s4+$0xFFFFFF70] =	vst v0  }
.LBB2_14:
0x28c: {  	s4 =	sadd.s32 s0, s6  }
0x28d: {  	s4 =	sshll.u32 s4, $0xB  }
0x28e: {  	s4 =	sand.u32 $0x1FFFE800, s4  }
0x28f: {  	s5 =	simm.s32 $0x10800;
	s28 =	simm.s32 $0x3;
	s4 =	sadd.s32 s31, s4  }
0x290: {  	[hbm4b:s4+s2] =	stream.linear.scatter [tilespmem:s5], [sflag:$0x6], $0x4000, $0x38;
	[tilespmem:$0x1C800] =	vst v63  }
0x291: {  	_ =	swait.ge [sflag:s28], $0x4000  }
0x292: {  	p0 =	seq.s32 s9, $0x31;
	s29 =	smulhi.u32 $0x51EB851F, s12;
	[sflag:s28] =	ssyncset.done $0x0  }
0x293: {  	s13 =	simm.s32 @!p0 $0x80;
	s5 =	simm.s32 @!p0 $0x5;
	[sflag:s28] =	ssyncadd.s32 $0xFFFFC000  }
0x294: {  	s18 =	simm.s32 @!p0 $0xC800;
	s4 =	sshll.u32 @!p0 s9, $0x9;
	_ =	swait.ge @!p0 [sflag:s5], $0x4000  }
0x295: {  	s6 =	sshrl.u32 s29, $0x6;
	s4 =	sand.u32 @!p0 $0x3FFFFE00, s4;
	[sflag:s5] =	ssyncset.done @!p0 $0x0  }
0x296: {  	s6 =	smul.u32 $0xC8, s6;
	[sflag:s5] =	ssyncadd.s32 @!p0 $0xFFFFC000;
	s5 =	sadd.s32 @!p0 $0x200, s4  }
0x297: {  	[tilespmem:s18], [sflag:$0x1] =	stream.indirect.gather @!p0 [hbm4b:s3+s13], $0x80, s5, s13, $0xb8;
	[tilespmem:$0x1C800] =	vst v63  }
0x298: {  	s5 =	ssub.s32 s12, s6  }
0x299: {  	s6 =	ssub.s32 $0xC8, s5  }
0x29a: {  	v1 =	vld [tilespmem:s19+$0xFFFFFF90];
	s12 =	smin.u32 s6, $0x80;
	s6 =	simm.s32 $0x14900  }
0x29b: {  	v0 =	vld [tilespmem:s6+$0x80]  }
0x29c: {  	v3 =	vld [tilespmem:s19+$0xFFFFFE90]  }
0x29d: {  	v5 =	vld [tilespmem:s19+$0xFFFFFF10]  }
0x29e: {  	v2 =	vld [tilespmem:s6+$0xFFFFFF80]  }
0x29f: {  	v4 =	vld [tilespmem:s6+$0x0]  }
0x2a0: {  	v6 =	vld [tilespmem:s6+$0xFFFFFF00];
	v0 =	vadd.f32 v1, v0  }
0x2a1: {  	v1 =	vld [tilespmem:s19+$0xFFFFFE10]  }
0x2a2: {  	[tilespmem:s6+$0x80] =	vst v0;
	v0 =	vld [tilespmem:s6+$0x90]  }
0x2a3: {  	v2 =	vadd.f32 v3, v2;
	v3 =	vld [tilespmem:s19+$0xFFFFFFA0]  }
0x2a4: {  	v7 =	vld [tilespmem:s6+$0xFFFFFF10]  }
0x2a5: {  	[tilespmem:s6+$0xFFFFFF80] =	vst v2;
	v2 =	vadd.f32 v5, v4;
	v4 =	vld [tilespmem:s6+$0xFFFFFF90]  }
0x2a6: {  	v5 =	vld [tilespmem:s19+$0xFFFFFEA0];
	v1 =	vadd.f32 v1, v6  }
0x2a7: {  	[tilespmem:s6+$0x0] =	vst v2;
	v2 =	vld [tilespmem:s6+$0x10]  }
0x2a8: {  	v6 =	vld [tilespmem:s19+$0xFFFFFF20];
	[tilespmem:s6+$0xFFFFFF00] =	vst v1;
	v0 =	vadd.f32 v3, v0  }
0x2a9: {  	v1 =	vld [tilespmem:s19+$0xFFFFFE20]  }
0x2aa: {  	[tilespmem:s6+$0x90] =	vst v0;
	v0 =	vld [tilespmem:s6+$0xA0]  }
0x2ab: {  	v3 =	vadd.f32 v5, v4;
	v4 =	vld [tilespmem:s19+$0xFFFFFFB0]  }
0x2ac: {  	v5 =	vld [tilespmem:s6+$0xFFFFFF20]  }
0x2ad: {  	[tilespmem:s6+$0xFFFFFF90] =	vst v3;
	v2 =	vadd.f32 v6, v2;
	v3 =	vld [tilespmem:s6+$0xFFFFFFA0]  }
0x2ae: {  	v6 =	vld [tilespmem:s19+$0xFFFFFEB0];
	v1 =	vadd.f32 v1, v7  }
0x2af: {  	[tilespmem:s6+$0x10] =	vst v2;
	v2 =	vld [tilespmem:s6+$0x20]  }
0x2b0: {  	v7 =	vld [tilespmem:s19+$0xFFFFFF30];
	[tilespmem:s6+$0xFFFFFF10] =	vst v1;
	v0 =	vadd.f32 v4, v0  }
0x2b1: {  	v1 =	vld [tilespmem:s19+$0xFFFFFE30]  }
0x2b2: {  	[tilespmem:s6+$0xA0] =	vst v0;
	v0 =	vld [tilespmem:s6+$0xB0]  }
0x2b3: {  	v3 =	vadd.f32 v6, v3;
	v4 =	vld [tilespmem:s19+$0xFFFFFFC0]  }
0x2b4: {  	v6 =	vld [tilespmem:s6+$0xFFFFFF30]  }
0x2b5: {  	[tilespmem:s6+$0xFFFFFFA0] =	vst v3;
	v2 =	vadd.f32 v7, v2;
	v3 =	vld [tilespmem:s6+$0xFFFFFFB0]  }
0x2b6: {  	v7 =	vld [tilespmem:s19+$0xFFFFFEC0];
	v1 =	vadd.f32 v1, v5  }
0x2b7: {  	[tilespmem:s6+$0x20] =	vst v2;
	v2 =	vld [tilespmem:s6+$0x30]  }
0x2b8: {  	v5 =	vld [tilespmem:s19+$0xFFFFFF40];
	[tilespmem:s6+$0xFFFFFF20] =	vst v1;
	v0 =	vadd.f32 v4, v0  }
0x2b9: {  	v1 =	vld [tilespmem:s19+$0xFFFFFE40]  }
0x2ba: {  	[tilespmem:s6+$0xB0] =	vst v0;
	v0 =	vld [tilespmem:s6+$0xC0]  }
0x2bb: {  	v3 =	vadd.f32 v7, v3;
	v4 =	vld [tilespmem:s19+$0xFFFFFFD0]  }
0x2bc: {  	v7 =	vld [tilespmem:s6+$0xFFFFFF40]  }
0x2bd: {  	[tilespmem:s6+$0xFFFFFFB0] =	vst v3;
	v2 =	vadd.f32 v5, v2;
	v3 =	vld [tilespmem:s6+$0xFFFFFFC0]  }
0x2be: {  	v5 =	vld [tilespmem:s19+$0xFFFFFED0];
	v1 =	vadd.f32 v1, v6  }
0x2bf: {  	[tilespmem:s6+$0x30] =	vst v2;
	v2 =	vld [tilespmem:s6+$0x40]  }
0x2c0: {  	v6 =	vld [tilespmem:s19+$0xFFFFFF50];
	[tilespmem:s6+$0xFFFFFF30] =	vst v1;
	v0 =	vadd.f32 v4, v0  }
0x2c1: {  	v1 =	vld [tilespmem:s19+$0xFFFFFE50]  }
0x2c2: {  	[tilespmem:s6+$0xC0] =	vst v0;
	v0 =	vld [tilespmem:s6+$0xD0]  }
0x2c3: {  	v3 =	vadd.f32 v5, v3;
	v4 =	vld [tilespmem:s19+$0xFFFFFFE0]  }
0x2c4: {  	v5 =	vld [tilespmem:s6+$0xFFFFFF50]  }
0x2c5: {  	[tilespmem:s6+$0xFFFFFFC0] =	vst v3;
	v2 =	vadd.f32 v6, v2;
	v3 =	vld [tilespmem:s6+$0xFFFFFFD0]  }
0x2c6: {  	v6 =	vld [tilespmem:s19+$0xFFFFFEE0];
	v1 =	vadd.f32 v1, v7  }
0x2c7: {  	[tilespmem:s6+$0x40] =	vst v2;
	v2 =	vld [tilespmem:s6+$0x50]  }
0x2c8: {  	v7 =	vld [tilespmem:s19+$0xFFFFFF60];
	[tilespmem:s6+$0xFFFFFF40] =	vst v1;
	v0 =	vadd.f32 v4, v0  }
0x2c9: {  	v1 =	vld [tilespmem:s19+$0xFFFFFE60]  }
0x2ca: {  	[tilespmem:s6+$0xD0] =	vst v0;
	v0 =	vld [tilespmem:s6+$0xE0]  }
0x2cb: {  	v3 =	vadd.f32 v6, v3;
	v4 =	vld [tilespmem:s19+$0xFFFFFFF0]  }
0x2cc: {  	v6 =	vld [tilespmem:s6+$0xFFFFFF60]  }
0x2cd: {  	[tilespmem:s6+$0xFFFFFFD0] =	vst v3;
	v2 =	vadd.f32 v7, v2;
	v3 =	vld [tilespmem:s6+$0xFFFFFFE0]  }
0x2ce: {  	v7 =	vld [tilespmem:s19+$0xFFFFFEF0];
	v1 =	vadd.f32 v1, v5  }
0x2cf: {  	[tilespmem:s6+$0x50] =	vst v2;
	v2 =	vld [tilespmem:s6+$0x60]  }
0x2d0: {  	v5 =	vld [tilespmem:s19+$0xFFFFFF70];
	[tilespmem:s6+$0xFFFFFF50] =	vst v1;
	v0 =	vadd.f32 v4, v0  }
0x2d1: {  	v4 =	vld [tilespmem:s19+$0xFFFFFE70]  }
0x2d2: {  	v8 =	vld [tilespmem:s6+$0xF0];
	[tilespmem:s6+$0xE0] =	vst v0  }
0x2d3: {  	v1 =	vadd.f32 v7, v3;
	v7 =	vld [tilespmem:s19+$0x0]  }
0x2d4: {  	p1 =	sgt.u32 s12, $0x4;
	v0 =	vld [tilespmem:s6+$0xFFFFFF70]  }
.Ltmp14:
0x2d5: {  	[tilespmem:s6+$0xFFFFFFE0] =	vst v1;
	v2 =	vadd.f32 v5, v2;
	v1 =	vld [tilespmem:s6+$0xFFFFFFF0];
	(pc) =	sbr.rel @!p1 .LBB2_16-.Ltmp14, $4  }
0x2d6: {  	v3 =	vld [tilespmem:s19+$0xFFFFFF00];
	v4 =	vadd.f32 v4, v6  }
0x2d7: {  	[tilespmem:s6+$0x60] =	vst v2;
	v2 =	vld [tilespmem:s6+$0x70]  }
0x2d8: {  	[tilespmem:s6+$0xFFFFFF60] =	vst v4;
	v4 =	vld [tilespmem:s19+$0xFFFFFF80];
	v6 =	vadd.f32 v7, v8  }
0x2d9: {  	s13 =	simm.s32 $0x4;
	s18 =	simm.s32 $0x14B00;
	v5 =	vld [tilespmem:s19+$0xFFFFFE80]  }
.LBB2_15:
0x2da: {  	v7 =	vld [tilespmem:s18+$0x80];
	[tilespmem:s6+$0xF0] =	vst v6;
	s19 =	sadd.s32 $0x200, s19  }
0x2db: {  	s13 =	sadd.s32 $0x4, s13;
	v6 =	vld [tilespmem:s19+$0xFFFFFF90];
	v1 =	vadd.f32 v3, v1  }
0x2dc: {  	p1 =	slt.u32 s13, s12;
	v3 =	vld [tilespmem:s19+$0xFFFFFE10]  }
0x2dd: {  	v8 =	vld [tilespmem:s18+$0xFFFFFF80];
	[tilespmem:s6+$0xFFFFFFF0] =	vst v1;
	v1 =	vadd.f32 v4, v2  }
0x2de: {  	v2 =	vld [tilespmem:s19+$0xFFFFFE90];
	v0 =	vadd.f32 v5, v0  }
0x2df: {  	v4 =	vld [tilespmem:s18+$0x0];
	[tilespmem:s6+$0x70] =	vst v1  }
0x2e0: {  	v1 =	vld [tilespmem:s19+$0xFFFFFF10];
	v5 =	vadd.f32 v6, v7;
	[tilespmem:s6+$0xFFFFFF70] =	vst v0;
	s6 =	smov.u32 s18  }
0x2e1: {  	v0 =	vld [tilespmem:s18+$0xFFFFFF00]  }
0x2e2: {  	[tilespmem:s18+$0x80] =	vst v5;
	v5 =	vld [tilespmem:s18+$0x90]  }
0x2e3: {  	v2 =	vadd.f32 v2, v8;
	v6 =	vld [tilespmem:s19+$0xFFFFFFA0]  }
0x2e4: {  	v7 =	vld [tilespmem:s18+$0xFFFFFF10]  }
0x2e5: {  	[tilespmem:s18+$0xFFFFFF80] =	vst v2;
	v2 =	vld [tilespmem:s18+$0xFFFFFF90];
	v1 =	vadd.f32 v1, v4  }
0x2e6: {  	v0 =	vadd.f32 v3, v0;
	v3 =	vld [tilespmem:s19+$0xFFFFFEA0]  }
0x2e7: {  	[tilespmem:s18+$0x0] =	vst v1;
	v1 =	vld [tilespmem:s18+$0x10]  }
0x2e8: {  	[tilespmem:s18+$0xFFFFFF00] =	vst v0;
	v0 =	vld [tilespmem:s19+$0xFFFFFF20];
	v4 =	vadd.f32 v6, v5  }
0x2e9: {  	v5 =	vld [tilespmem:s19+$0xFFFFFE20]  }
0x2ea: {  	[tilespmem:s18+$0x90] =	vst v4;
	v4 =	vld [tilespmem:s18+$0xA0]  }
0x2eb: {  	v2 =	vadd.f32 v3, v2;
	v3 =	vld [tilespmem:s19+$0xFFFFFFB0]  }
0x2ec: {  	v6 =	vld [tilespmem:s18+$0xFFFFFF20]  }
0x2ed: {  	[tilespmem:s18+$0xFFFFFF90] =	vst v2;
	v2 =	vld [tilespmem:s18+$0xFFFFFFA0];
	v0 =	vadd.f32 v0, v1  }
0x2ee: {  	v1 =	vadd.f32 v5, v7;
	v5 =	vld [tilespmem:s19+$0xFFFFFEB0]  }
0x2ef: {  	[tilespmem:s18+$0x10] =	vst v0;
	v0 =	vld [tilespmem:s18+$0x20]  }
0x2f0: {  	[tilespmem:s18+$0xFFFFFF10] =	vst v1;
	v1 =	vld [tilespmem:s19+$0xFFFFFF30];
	v3 =	vadd.f32 v3, v4  }
0x2f1: {  	v4 =	vld [tilespmem:s19+$0xFFFFFE30]  }
0x2f2: {  	[tilespmem:s18+$0xA0] =	vst v3;
	v3 =	vld [tilespmem:s18+$0xB0]  }
0x2f3: {  	v2 =	vadd.f32 v5, v2;
	v5 =	vld [tilespmem:s19+$0xFFFFFFC0]  }
0x2f4: {  	v7 =	vld [tilespmem:s18+$0xFFFFFF30]  }
0x2f5: {  	[tilespmem:s18+$0xFFFFFFA0] =	vst v2;
	v2 =	vld [tilespmem:s18+$0xFFFFFFB0];
	v0 =	vadd.f32 v1, v0  }
0x2f6: {  	v1 =	vadd.f32 v4, v6;
	v4 =	vld [tilespmem:s19+$0xFFFFFEC0]  }
0x2f7: {  	[tilespmem:s18+$0x20] =	vst v0;
	v0 =	vld [tilespmem:s18+$0x30]  }
0x2f8: {  	[tilespmem:s18+$0xFFFFFF20] =	vst v1;
	v1 =	vld [tilespmem:s19+$0xFFFFFF40];
	v3 =	vadd.f32 v5, v3  }
0x2f9: {  	v5 =	vld [tilespmem:s19+$0xFFFFFE40]  }
0x2fa: {  	[tilespmem:s18+$0xB0] =	vst v3;
	v3 =	vld [tilespmem:s18+$0xC0]  }
0x2fb: {  	v2 =	vadd.f32 v4, v2;
	v4 =	vld [tilespmem:s19+$0xFFFFFFD0]  }
0x2fc: {  	v6 =	vld [tilespmem:s18+$0xFFFFFF40]  }
0x2fd: {  	[tilespmem:s18+$0xFFFFFFB0] =	vst v2;
	v2 =	vld [tilespmem:s18+$0xFFFFFFC0];
	v0 =	vadd.f32 v1, v0  }
0x2fe: {  	v1 =	vadd.f32 v5, v7;
	v5 =	vld [tilespmem:s19+$0xFFFFFED0]  }
0x2ff: {  	[tilespmem:s18+$0x30] =	vst v0;
	v0 =	vld [tilespmem:s18+$0x40]  }
0x300: {  	[tilespmem:s18+$0xFFFFFF30] =	vst v1;
	v1 =	vld [tilespmem:s19+$0xFFFFFF50];
	v3 =	vadd.f32 v4, v3  }
0x301: {  	v4 =	vld [tilespmem:s19+$0xFFFFFE50]  }
0x302: {  	[tilespmem:s18+$0xC0] =	vst v3;
	v3 =	vld [tilespmem:s18+$0xD0]  }
0x303: {  	v2 =	vadd.f32 v5, v2;
	v5 =	vld [tilespmem:s19+$0xFFFFFFE0]  }
0x304: {  	v7 =	vld [tilespmem:s18+$0xFFFFFF50]  }
0x305: {  	[tilespmem:s18+$0xFFFFFFC0] =	vst v2;
	v2 =	vld [tilespmem:s18+$0xFFFFFFD0];
	v0 =	vadd.f32 v1, v0  }
0x306: {  	v1 =	vadd.f32 v4, v6;
	v4 =	vld [tilespmem:s19+$0xFFFFFEE0]  }
0x307: {  	[tilespmem:s18+$0x40] =	vst v0;
	v0 =	vld [tilespmem:s18+$0x50]  }
0x308: {  	[tilespmem:s18+$0xFFFFFF40] =	vst v1;
	v1 =	vld [tilespmem:s19+$0xFFFFFF60];
	v3 =	vadd.f32 v5, v3  }
0x309: {  	v5 =	vld [tilespmem:s19+$0xFFFFFE60]  }
0x30a: {  	[tilespmem:s18+$0xD0] =	vst v3;
	v3 =	vld [tilespmem:s18+$0xE0]  }
0x30b: {  	v2 =	vadd.f32 v4, v2;
	v4 =	vld [tilespmem:s19+$0xFFFFFFF0]  }
0x30c: {  	v6 =	vld [tilespmem:s18+$0xFFFFFF60]  }
0x30d: {  	[tilespmem:s18+$0xFFFFFFD0] =	vst v2;
	v2 =	vld [tilespmem:s18+$0xFFFFFFE0];
	v0 =	vadd.f32 v1, v0  }
0x30e: {  	v1 =	vadd.f32 v5, v7;
	v5 =	vld [tilespmem:s19+$0xFFFFFEF0]  }
0x30f: {  	[tilespmem:s18+$0x50] =	vst v0;
	v7 =	vld [tilespmem:s18+$0x60]  }
0x310: {  	[tilespmem:s18+$0xFFFFFF50] =	vst v1;
	v8 =	vld [tilespmem:s19+$0xFFFFFF70];
	v0 =	vadd.f32 v4, v3  }
0x311: {  	v3 =	vld [tilespmem:s19+$0xFFFFFE70]  }
0x312: {  	[tilespmem:s18+$0xE0] =	vst v0;
	v9 =	vld [tilespmem:s18+$0xF0]  }
0x313: {  	v1 =	vadd.f32 v5, v2;
	v5 =	vld [tilespmem:s19+$0x0]  }
0x314: {  	v0 =	vld [tilespmem:s18+$0xFFFFFF70]  }
.Ltmp15:
0x315: {  	[tilespmem:s18+$0xFFFFFFE0] =	vst v1;
	v1 =	vld [tilespmem:s18+$0xFFFFFFF0];
	v2 =	vadd.f32 v8, v7;
	(pc) =	sbr.rel @p1 .LBB2_15-.Ltmp15, $4  }
0x316: {  	v4 =	vadd.f32 v3, v6;
	v3 =	vld [tilespmem:s19+$0xFFFFFF00]  }
0x317: {  	[tilespmem:s18+$0x60] =	vst v2;
	v2 =	vld [tilespmem:s18+$0x70]  }
0x318: {  	[tilespmem:s18+$0xFFFFFF60] =	vst v4;
	v4 =	vld [tilespmem:s19+$0xFFFFFF80];
	v6 =	vadd.f32 v5, v9  }
0x319: {  	s18 =	sadd.s32 $0x200, s18;
	v5 =	vld [tilespmem:s19+$0xFFFFFE80]  }
.LBB2_16:
0x31a: {  	_ =	sdelay $0x1  }
0x31b: {  	v1 =	vadd.f32 v3, v1  }
0x31c: {  	[tilespmem:s6+$0xF0] =	vst v6;
	v2 =	vadd.f32 v4, v2  }
0x31d: {  	p1 =	sgt.u32 s5, $0x48;
	[tilespmem:s6+$0xFFFFFFF0] =	vst v1;
	v0 =	vadd.f32 v5, v0  }
.Ltmp16:
0x31e: {  	[tilespmem:s6+$0x70] =	vst v2;
	(pc) =	sbr.rel @!p1 .LBB2_20-.Ltmp16, $4  }
0x31f: {  	[tilespmem:s6+$0xFFFFFF70] =	vst v0  }
0x320: {  	s18 =	rddreg [dreg:$0xa]  }
0x321: {  	s19 =	rddreg [dreg:$0xd]  }
0x322: {  	s13 =	rddreg [dreg:$0x10]  }
0x323: {  	v0 =	vld [tilespmem:s17+$0x80]  }
0x324: {  	v1 =	vld [tilespmem:s14+$0x0]  }
0x325: {  	v2 =	vld [tilespmem:s17+$0xFFFFFF80]  }
0x326: {  	v3 =	vld [tilespmem:s14+$0xFFFFFF00]  }
0x327: {  	v4 =	vld [tilespmem:s17+$0x0]  }
0x328: {  	v5 =	vld [tilespmem:s14+$0xFFFFFF80];
	_ =	sdelay $0x1  }
0x329: {  	v6 =	vld [tilespmem:s17+$0xFFFFFF00];
	v0 =	vadd.f32 v1, v0  }
0x32a: {  	v1 =	vld [tilespmem:s14+$0xFFFFFE80];
	v2 =	vadd.f32 v3, v2  }
0x32b: {  	[tilespmem:s17+$0x80] =	vst v0;
	v0 =	vld [tilespmem:s17+$0x90]  }
0x32c: {  	[tilespmem:s17+$0xFFFFFF80] =	vst v2;
	v2 =	vadd.f32 v5, v4;
	v4 =	vld [tilespmem:s17+$0xFFFFFF90]  }
0x32d: {  	v3 =	vld [tilespmem:s14+$0x10]  }
0x32e: {  	v5 =	vld [tilespmem:s14+$0xFFFFFF10];
	_ =	sdelay $0x1  }
0x32f: {  	v7 =	vld [tilespmem:s17+$0xFFFFFF10];
	v1 =	vadd.f32 v1, v6  }
0x330: {  	[tilespmem:s17+$0x0] =	vst v2;
	v2 =	vld [tilespmem:s17+$0x10]  }
0x331: {  	v6 =	vld [tilespmem:s14+$0xFFFFFF90];
	[tilespmem:s17+$0xFFFFFF00] =	vst v1;
	v0 =	vadd.f32 v3, v0  }
0x332: {  	v1 =	vld [tilespmem:s14+$0xFFFFFE90];
	v3 =	vadd.f32 v5, v4  }
0x333: {  	[tilespmem:s17+$0x90] =	vst v0;
	v0 =	vld [tilespmem:s17+$0xA0]  }
0x334: {  	[tilespmem:s17+$0xFFFFFF90] =	vst v3;
	v3 =	vld [tilespmem:s17+$0xFFFFFFA0]  }
0x335: {  	v4 =	vld [tilespmem:s14+$0x20]  }
0x336: {  	v2 =	vadd.f32 v6, v2;
	v6 =	vld [tilespmem:s14+$0xFFFFFF20];
	_ =	sdelay $0x1  }
0x337: {  	v5 =	vld [tilespmem:s17+$0xFFFFFF20];
	v1 =	vadd.f32 v1, v7  }
0x338: {  	[tilespmem:s17+$0x10] =	vst v2;
	v2 =	vld [tilespmem:s17+$0x20]  }
0x339: {  	v7 =	vld [tilespmem:s14+$0xFFFFFFA0];
	[tilespmem:s17+$0xFFFFFF10] =	vst v1;
	v0 =	vadd.f32 v4, v0  }
0x33a: {  	v1 =	vld [tilespmem:s14+$0xFFFFFEA0];
	v3 =	vadd.f32 v6, v3  }
0x33b: {  	[tilespmem:s17+$0xA0] =	vst v0;
	v0 =	vld [tilespmem:s17+$0xB0]  }
0x33c: {  	[tilespmem:s17+$0xFFFFFFA0] =	vst v3;
	v3 =	vld [tilespmem:s17+$0xFFFFFFB0]  }
0x33d: {  	v4 =	vld [tilespmem:s14+$0x30]  }
0x33e: {  	v2 =	vadd.f32 v7, v2;
	v7 =	vld [tilespmem:s14+$0xFFFFFF30];
	_ =	sdelay $0x1  }
0x33f: {  	v6 =	vld [tilespmem:s17+$0xFFFFFF30];
	v1 =	vadd.f32 v1, v5  }
0x340: {  	[tilespmem:s17+$0x20] =	vst v2;
	v2 =	vld [tilespmem:s17+$0x30]  }
0x341: {  	v5 =	vld [tilespmem:s14+$0xFFFFFFB0];
	[tilespmem:s17+$0xFFFFFF20] =	vst v1;
	v0 =	vadd.f32 v4, v0  }
0x342: {  	v1 =	vld [tilespmem:s14+$0xFFFFFEB0];
	v3 =	vadd.f32 v7, v3  }
0x343: {  	[tilespmem:s17+$0xB0] =	vst v0;
	v0 =	vld [tilespmem:s17+$0xC0]  }
0x344: {  	[tilespmem:s17+$0xFFFFFFB0] =	vst v3;
	v3 =	vld [tilespmem:s17+$0xFFFFFFC0]  }
0x345: {  	v4 =	vld [tilespmem:s14+$0x40]  }
0x346: {  	v2 =	vadd.f32 v5, v2;
	v5 =	vld [tilespmem:s14+$0xFFFFFF40];
	_ =	sdelay $0x1  }
0x347: {  	v7 =	vld [tilespmem:s17+$0xFFFFFF40];
	v1 =	vadd.f32 v1, v6  }
0x348: {  	[tilespmem:s17+$0x30] =	vst v2;
	v2 =	vld [tilespmem:s17+$0x40]  }
0x349: {  	v6 =	vld [tilespmem:s14+$0xFFFFFFC0];
	[tilespmem:s17+$0xFFFFFF30] =	vst v1;
	v0 =	vadd.f32 v4, v0  }
0x34a: {  	v1 =	vld [tilespmem:s14+$0xFFFFFEC0];
	v3 =	vadd.f32 v5, v3  }
0x34b: {  	[tilespmem:s17+$0xC0] =	vst v0;
	v0 =	vld [tilespmem:s17+$0xD0]  }
0x34c: {  	[tilespmem:s17+$0xFFFFFFC0] =	vst v3;
	v3 =	vld [tilespmem:s17+$0xFFFFFFD0]  }
0x34d: {  	v4 =	vld [tilespmem:s14+$0x50]  }
0x34e: {  	v2 =	vadd.f32 v6, v2;
	v6 =	vld [tilespmem:s14+$0xFFFFFF50];
	_ =	sdelay $0x1  }
0x34f: {  	[tilespmem:s17+$0x40] =	vst v2;
	v2 =	vld [tilespmem:s17+$0x50];
	v1 =	vadd.f32 v1, v7  }
0x350: {  	v7 =	vld [tilespmem:s14+$0xFFFFFFD0]  }
0x351: {  	v5 =	vld [tilespmem:s17+$0xFFFFFF50];
	[tilespmem:s17+$0xFFFFFF40] =	vst v1;
	v0 =	vadd.f32 v4, v0  }
0x352: {  	v1 =	vld [tilespmem:s14+$0xFFFFFED0];
	v3 =	vadd.f32 v6, v3  }
0x353: {  	[tilespmem:s17+$0xD0] =	vst v0;
	v0 =	vld [tilespmem:s17+$0xE0]  }
0x354: {  	[tilespmem:s17+$0xFFFFFFD0] =	vst v3;
	v3 =	vld [tilespmem:s17+$0xFFFFFFE0]  }
0x355: {  	v2 =	vadd.f32 v7, v2;
	v4 =	vld [tilespmem:s14+$0x60]  }
0x356: {  	v7 =	vld [tilespmem:s14+$0xFFFFFF60]  }
0x357: {  	[tilespmem:s17+$0x50] =	vst v2;
	v2 =	vld [tilespmem:s17+$0x60]  }
0x358: {  	v1 =	vadd.f32 v1, v5;
	v5 =	vld [tilespmem:s14+$0xFFFFFFE0];
	_ =	sdelay $0x2  }
0x359: {  	v0 =	vadd.f32 v4, v0  }
0x35a: {  	[tilespmem:s17+$0xFFFFFF50] =	vst v1;
	v1 =	vadd.f32 v7, v3  }
0x35b: {  	[tilespmem:s17+$0xE0] =	vst v0;
	v2 =	vadd.f32 v5, v2  }
0x35c: {  	v6 =	vld [tilespmem:s17+$0xFFFFFF60];
	[tilespmem:s17+$0xFFFFFFE0] =	vst v1  }
0x35d: {  	v4 =	vld [tilespmem:s14+$0xFFFFFEE0];
	[tilespmem:s17+$0x60] =	vst v2  }
0x35e: {  	v8 =	vld [tilespmem:s17+$0xF0];
	s5 =	rddreg [dreg:$0x15]  }
0x35f: {  	v7 =	vld [tilespmem:s14+$0x70];
	s5 =	sadd.s32 $0x4, s5  }
0x360: {  	v0 =	vld [tilespmem:s17+$0xFFFFFF70];
	p1 =	slt.u32 s5, $0x7C  }
.Ltmp17:
0x361: {  	v1 =	vld [tilespmem:s17+$0xFFFFFFF0];
	(pc) =	sbr.rel @!p1 .LBB2_19-.Ltmp17, $4  }
0x362: {  	v3 =	vld [tilespmem:s14+$0xFFFFFF70];
	v4 =	vadd.f32 v4, v6  }
0x363: {  	v2 =	vld [tilespmem:s17+$0x70]  }
0x364: {  	[tilespmem:s17+$0xFFFFFF60] =	vst v4;
	v4 =	vld [tilespmem:s14+$0xFFFFFFF0];
	v6 =	vadd.f32 v7, v8  }
0x365: {  	s6 =	sadd.s32 $0x200, s17;
	v5 =	vld [tilespmem:s14+$0xFFFFFEF0]  }
.LBB2_18:
0x366: {  	v7 =	vld [tilespmem:s6+$0x80];
	[tilespmem:s17+$0xF0] =	vst v6;
	s14 =	sadd.s32 $0x200, s14  }
0x367: {  	s5 =	sadd.s32 $0x4, s5;
	v6 =	vld [tilespmem:s14+$0x0];
	v1 =	vadd.f32 v3, v1  }
0x368: {  	p1 =	slt.u32 s5, $0x7C;
	v3 =	vld [tilespmem:s14+$0xFFFFFE80]  }
0x369: {  	v8 =	vld [tilespmem:s6+$0xFFFFFF80];
	[tilespmem:s17+$0xFFFFFFF0] =	vst v1;
	v1 =	vadd.f32 v4, v2  }
0x36a: {  	v2 =	vld [tilespmem:s14+$0xFFFFFF00];
	v0 =	vadd.f32 v5, v0  }
0x36b: {  	v4 =	vld [tilespmem:s6+$0x0];
	[tilespmem:s17+$0x70] =	vst v1  }
0x36c: {  	v1 =	vld [tilespmem:s14+$0xFFFFFF80];
	v5 =	vadd.f32 v6, v7;
	[tilespmem:s17+$0xFFFFFF70] =	vst v0;
	s17 =	smov.u32 s6  }
0x36d: {  	v0 =	vld [tilespmem:s6+$0xFFFFFF00]  }
0x36e: {  	[tilespmem:s6+$0x80] =	vst v5;
	v5 =	vld [tilespmem:s6+$0x90]  }
0x36f: {  	v2 =	vadd.f32 v2, v8;
	v6 =	vld [tilespmem:s14+$0x10]  }
0x370: {  	v7 =	vld [tilespmem:s6+$0xFFFFFF10]  }
0x371: {  	[tilespmem:s6+$0xFFFFFF80] =	vst v2;
	v2 =	vld [tilespmem:s6+$0xFFFFFF90];
	v1 =	vadd.f32 v1, v4  }
0x372: {  	v0 =	vadd.f32 v3, v0;
	v3 =	vld [tilespmem:s14+$0xFFFFFF10]  }
0x373: {  	[tilespmem:s6+$0x0] =	vst v1;
	v1 =	vld [tilespmem:s6+$0x10]  }
0x374: {  	[tilespmem:s6+$0xFFFFFF00] =	vst v0;
	v0 =	vld [tilespmem:s14+$0xFFFFFF90];
	v4 =	vadd.f32 v6, v5  }
0x375: {  	v5 =	vld [tilespmem:s14+$0xFFFFFE90]  }
0x376: {  	[tilespmem:s6+$0x90] =	vst v4;
	v4 =	vld [tilespmem:s6+$0xA0]  }
0x377: {  	v2 =	vadd.f32 v3, v2;
	v3 =	vld [tilespmem:s14+$0x20]  }
0x378: {  	v6 =	vld [tilespmem:s6+$0xFFFFFF20]  }
0x379: {  	[tilespmem:s6+$0xFFFFFF90] =	vst v2;
	v2 =	vld [tilespmem:s6+$0xFFFFFFA0];
	v0 =	vadd.f32 v0, v1  }
0x37a: {  	v1 =	vadd.f32 v5, v7;
	v5 =	vld [tilespmem:s14+$0xFFFFFF20]  }
0x37b: {  	[tilespmem:s6+$0x10] =	vst v0;
	v0 =	vld [tilespmem:s6+$0x20]  }
0x37c: {  	[tilespmem:s6+$0xFFFFFF10] =	vst v1;
	v1 =	vld [tilespmem:s14+$0xFFFFFFA0];
	v3 =	vadd.f32 v3, v4  }
0x37d: {  	v4 =	vld [tilespmem:s14+$0xFFFFFEA0]  }
0x37e: {  	[tilespmem:s6+$0xA0] =	vst v3;
	v3 =	vld [tilespmem:s6+$0xB0]  }
0x37f: {  	v2 =	vadd.f32 v5, v2;
	v5 =	vld [tilespmem:s14+$0x30]  }
0x380: {  	v7 =	vld [tilespmem:s6+$0xFFFFFF30]  }
0x381: {  	[tilespmem:s6+$0xFFFFFFA0] =	vst v2;
	v2 =	vld [tilespmem:s6+$0xFFFFFFB0];
	v0 =	vadd.f32 v1, v0  }
0x382: {  	v1 =	vadd.f32 v4, v6;
	v4 =	vld [tilespmem:s14+$0xFFFFFF30]  }
0x383: {  	[tilespmem:s6+$0x20] =	vst v0;
	v0 =	vld [tilespmem:s6+$0x30]  }
0x384: {  	[tilespmem:s6+$0xFFFFFF20] =	vst v1;
	v1 =	vld [tilespmem:s14+$0xFFFFFFB0];
	v3 =	vadd.f32 v5, v3  }
0x385: {  	v5 =	vld [tilespmem:s14+$0xFFFFFEB0]  }
0x386: {  	[tilespmem:s6+$0xB0] =	vst v3;
	v3 =	vld [tilespmem:s6+$0xC0]  }
0x387: {  	v2 =	vadd.f32 v4, v2;
	v4 =	vld [tilespmem:s14+$0x40]  }
0x388: {  	v6 =	vld [tilespmem:s6+$0xFFFFFF40]  }
0x389: {  	[tilespmem:s6+$0xFFFFFFB0] =	vst v2;
	v2 =	vld [tilespmem:s6+$0xFFFFFFC0];
	v0 =	vadd.f32 v1, v0  }
0x38a: {  	v1 =	vadd.f32 v5, v7;
	v5 =	vld [tilespmem:s14+$0xFFFFFF40]  }
0x38b: {  	[tilespmem:s6+$0x30] =	vst v0;
	v0 =	vld [tilespmem:s6+$0x40]  }
0x38c: {  	[tilespmem:s6+$0xFFFFFF30] =	vst v1;
	v1 =	vld [tilespmem:s14+$0xFFFFFFC0];
	v3 =	vadd.f32 v4, v3  }
0x38d: {  	v4 =	vld [tilespmem:s14+$0xFFFFFEC0]  }
0x38e: {  	[tilespmem:s6+$0xC0] =	vst v3;
	v3 =	vld [tilespmem:s6+$0xD0]  }
0x38f: {  	v2 =	vadd.f32 v5, v2;
	v5 =	vld [tilespmem:s14+$0x50]  }
0x390: {  	v7 =	vld [tilespmem:s6+$0xFFFFFF50]  }
0x391: {  	[tilespmem:s6+$0xFFFFFFC0] =	vst v2;
	v2 =	vld [tilespmem:s6+$0xFFFFFFD0];
	v0 =	vadd.f32 v1, v0  }
0x392: {  	v1 =	vadd.f32 v4, v6;
	v4 =	vld [tilespmem:s14+$0xFFFFFF50]  }
0x393: {  	[tilespmem:s6+$0x40] =	vst v0;
	v0 =	vld [tilespmem:s6+$0x50]  }
0x394: {  	[tilespmem:s6+$0xFFFFFF40] =	vst v1;
	v1 =	vld [tilespmem:s14+$0xFFFFFFD0];
	v3 =	vadd.f32 v5, v3  }
0x395: {  	v5 =	vld [tilespmem:s14+$0xFFFFFED0]  }
0x396: {  	[tilespmem:s6+$0xD0] =	vst v3;
	v3 =	vld [tilespmem:s6+$0xE0]  }
0x397: {  	v2 =	vadd.f32 v4, v2;
	v4 =	vld [tilespmem:s14+$0x60]  }
0x398: {  	v6 =	vld [tilespmem:s6+$0xFFFFFF60]  }
0x399: {  	[tilespmem:s6+$0xFFFFFFD0] =	vst v2;
	v2 =	vld [tilespmem:s6+$0xFFFFFFE0];
	v0 =	vadd.f32 v1, v0  }
0x39a: {  	v1 =	vadd.f32 v5, v7;
	v5 =	vld [tilespmem:s14+$0xFFFFFF60]  }
0x39b: {  	[tilespmem:s6+$0x50] =	vst v0;
	v7 =	vld [tilespmem:s6+$0x60]  }
0x39c: {  	[tilespmem:s6+$0xFFFFFF50] =	vst v1;
	v8 =	vld [tilespmem:s14+$0xFFFFFFE0];
	v0 =	vadd.f32 v4, v3  }
0x39d: {  	v3 =	vld [tilespmem:s14+$0xFFFFFEE0]  }
0x39e: {  	[tilespmem:s6+$0xE0] =	vst v0;
	v9 =	vld [tilespmem:s6+$0xF0]  }
0x39f: {  	v1 =	vadd.f32 v5, v2;
	v5 =	vld [tilespmem:s14+$0x70]  }
0x3a0: {  	v0 =	vld [tilespmem:s6+$0xFFFFFF70]  }
.Ltmp18:
0x3a1: {  	[tilespmem:s6+$0xFFFFFFE0] =	vst v1;
	v1 =	vld [tilespmem:s6+$0xFFFFFFF0];
	v2 =	vadd.f32 v8, v7;
	(pc) =	sbr.rel @p1 .LBB2_18-.Ltmp18, $4  }
0x3a2: {  	v4 =	vadd.f32 v3, v6;
	v3 =	vld [tilespmem:s14+$0xFFFFFF70]  }
0x3a3: {  	[tilespmem:s6+$0x60] =	vst v2;
	v2 =	vld [tilespmem:s6+$0x70]  }
0x3a4: {  	[tilespmem:s6+$0xFFFFFF60] =	vst v4;
	v4 =	vld [tilespmem:s14+$0xFFFFFFF0];
	v6 =	vadd.f32 v5, v9  }
0x3a5: {  	s6 =	sadd.s32 $0x200, s6;
	v5 =	vld [tilespmem:s14+$0xFFFFFEF0]  }
.LBB2_19:
0x3a6: {  	_ =	sdelay $0x1  }
0x3a7: {  	v1 =	vadd.f32 v3, v1  }
0x3a8: {  	[tilespmem:s17+$0xF0] =	vst v6;
	v2 =	vadd.f32 v4, v2  }
0x3a9: {  	[tilespmem:s17+$0xFFFFFFF0] =	vst v1;
	v0 =	vadd.f32 v5, v0  }
0x3aa: {  	[tilespmem:s17+$0x70] =	vst v2  }
0x3ab: {  	[tilespmem:s17+$0xFFFFFF70] =	vst v0  }
.LBB2_20:
0x3ac: {  	s5 =	rddreg [dreg:$0x14]  }
0x3ad: {  	s5 =	sadd.s32 s0, s5  }
0x3ae: {  	s5 =	sshll.u32 s5, $0xB  }
0x3af: {  	s5 =	sand.u32 $0x1FFFF000, s5  }
0x3b0: {  	s6 =	simm.s32 $0x14800;
	s14 =	simm.s32 $0x4;
	s5 =	sadd.s32 s31, s5  }
0x3b1: {  	[hbm4b:s5+s2] =	stream.linear.scatter [tilespmem:s6], [sflag:$0x7], $0x4000, $0x38;
	[tilespmem:$0x1C800] =	vst v63  }
0x3b2: {  	_ =	swait.ge [sflag:s14], $0x4000  }
0x3b3: {  	[sflag:s14] =	ssyncset.done $0x0  }
0x3b4: {  	s5 =	simm.s32 @!p0 $0x6;
	[sflag:s14] =	ssyncadd.s32 $0xFFFFC000  }
0x3b5: {  	_ =	swait.ge @!p0 [sflag:s5], $0x4000  }
0x3b6: {  	s4 =	sadd.s32 @!p0 $0x280, s4;
	[sflag:s5] =	ssyncset.done @!p0 $0x0  }
0x3b7: {  	s12 =	simm.s32 @!p0 $0x10800;
	s6 =	simm.s32 @!p0 $0x80;
	[sflag:s5] =	ssyncadd.s32 @!p0 $0xFFFFC000  }
0x3b8: {  	[tilespmem:s12], [sflag:$0x2] =	stream.indirect.gather @!p0 [hbm4b:s3+s6], $0x80, s4, s6, $0xb8;
	[tilespmem:$0x1C800] =	vst v63  }
0x3b9: {  	s4 =	simm.s32 $0x18900  }
0x3ba: {  	v0 =	vld [tilespmem:s4+$0x80]  }
0x3bb: {  	v1 =	vld [tilespmem:s15+$0xFFFFFF90]  }
0x3bc: {  	v2 =	vld [tilespmem:s4+$0xFFFFFF80]  }
0x3bd: {  	v3 =	vld [tilespmem:s15+$0xFFFFFE90]  }
0x3be: {  	v4 =	vld [tilespmem:s4+$0x0]  }
0x3bf: {  	v5 =	vld [tilespmem:s15+$0xFFFFFF10]  }
0x3c0: {  	v6 =	vld [tilespmem:s4+$0xFFFFFF00];
	v0 =	vadd.f32 v1, v0  }
0x3c1: {  	v1 =	vld [tilespmem:s15+$0xFFFFFE10]  }
0x3c2: {  	[tilespmem:s4+$0x80] =	vst v0;
	v0 =	vld [tilespmem:s4+$0x90]  }
0x3c3: {  	v2 =	vadd.f32 v3, v2;
	v3 =	vld [tilespmem:s15+$0xFFFFFFA0]  }
0x3c4: {  	v7 =	vld [tilespmem:s4+$0xFFFFFF10]  }
0x3c5: {  	[tilespmem:s4+$0xFFFFFF80] =	vst v2;
	v2 =	vadd.f32 v5, v4;
	v4 =	vld [tilespmem:s4+$0xFFFFFF90]  }
0x3c6: {  	v5 =	vld [tilespmem:s15+$0xFFFFFEA0];
	v1 =	vadd.f32 v1, v6  }
0x3c7: {  	[tilespmem:s4+$0x0] =	vst v2;
	v2 =	vld [tilespmem:s4+$0x10]  }
0x3c8: {  	v6 =	vld [tilespmem:s15+$0xFFFFFF20];
	[tilespmem:s4+$0xFFFFFF00] =	vst v1;
	v0 =	vadd.f32 v3, v0  }
0x3c9: {  	v1 =	vld [tilespmem:s15+$0xFFFFFE20]  }
0x3ca: {  	[tilespmem:s4+$0x90] =	vst v0;
	v0 =	vld [tilespmem:s4+$0xA0]  }
0x3cb: {  	v3 =	vadd.f32 v5, v4;
	v4 =	vld [tilespmem:s15+$0xFFFFFFB0]  }
0x3cc: {  	v5 =	vld [tilespmem:s4+$0xFFFFFF20]  }
0x3cd: {  	[tilespmem:s4+$0xFFFFFF90] =	vst v3;
	v2 =	vadd.f32 v6, v2;
	v3 =	vld [tilespmem:s4+$0xFFFFFFA0]  }
0x3ce: {  	v6 =	vld [tilespmem:s15+$0xFFFFFEB0];
	v1 =	vadd.f32 v1, v7  }
0x3cf: {  	[tilespmem:s4+$0x10] =	vst v2;
	v2 =	vld [tilespmem:s4+$0x20]  }
0x3d0: {  	v7 =	vld [tilespmem:s15+$0xFFFFFF30];
	[tilespmem:s4+$0xFFFFFF10] =	vst v1;
	v0 =	vadd.f32 v4, v0  }
0x3d1: {  	v1 =	vld [tilespmem:s15+$0xFFFFFE30]  }
0x3d2: {  	[tilespmem:s4+$0xA0] =	vst v0;
	v0 =	vld [tilespmem:s4+$0xB0]  }
0x3d3: {  	v3 =	vadd.f32 v6, v3;
	v4 =	vld [tilespmem:s15+$0xFFFFFFC0]  }
0x3d4: {  	v6 =	vld [tilespmem:s4+$0xFFFFFF30]  }
0x3d5: {  	[tilespmem:s4+$0xFFFFFFA0] =	vst v3;
	v2 =	vadd.f32 v7, v2;
	v3 =	vld [tilespmem:s4+$0xFFFFFFB0]  }
0x3d6: {  	v7 =	vld [tilespmem:s15+$0xFFFFFEC0];
	v1 =	vadd.f32 v1, v5  }
0x3d7: {  	[tilespmem:s4+$0x20] =	vst v2;
	v2 =	vld [tilespmem:s4+$0x30]  }
0x3d8: {  	v5 =	vld [tilespmem:s15+$0xFFFFFF40];
	[tilespmem:s4+$0xFFFFFF20] =	vst v1;
	v0 =	vadd.f32 v4, v0  }
0x3d9: {  	v1 =	vld [tilespmem:s15+$0xFFFFFE40]  }
0x3da: {  	[tilespmem:s4+$0xB0] =	vst v0;
	v0 =	vld [tilespmem:s4+$0xC0]  }
0x3db: {  	v3 =	vadd.f32 v7, v3;
	v4 =	vld [tilespmem:s15+$0xFFFFFFD0]  }
0x3dc: {  	v7 =	vld [tilespmem:s4+$0xFFFFFF40]  }
0x3dd: {  	[tilespmem:s4+$0xFFFFFFB0] =	vst v3;
	v2 =	vadd.f32 v5, v2;
	v3 =	vld [tilespmem:s4+$0xFFFFFFC0]  }
0x3de: {  	v5 =	vld [tilespmem:s15+$0xFFFFFED0];
	v1 =	vadd.f32 v1, v6  }
0x3df: {  	[tilespmem:s4+$0x30] =	vst v2;
	v2 =	vld [tilespmem:s4+$0x40]  }
0x3e0: {  	v6 =	vld [tilespmem:s15+$0xFFFFFF50];
	[tilespmem:s4+$0xFFFFFF30] =	vst v1;
	v0 =	vadd.f32 v4, v0  }
0x3e1: {  	v1 =	vld [tilespmem:s15+$0xFFFFFE50]  }
0x3e2: {  	[tilespmem:s4+$0xC0] =	vst v0;
	v0 =	vld [tilespmem:s4+$0xD0]  }
0x3e3: {  	v3 =	vadd.f32 v5, v3;
	v4 =	vld [tilespmem:s15+$0xFFFFFFE0]  }
0x3e4: {  	v5 =	vld [tilespmem:s4+$0xFFFFFF50]  }
0x3e5: {  	[tilespmem:s4+$0xFFFFFFC0] =	vst v3;
	v2 =	vadd.f32 v6, v2;
	v3 =	vld [tilespmem:s4+$0xFFFFFFD0]  }
0x3e6: {  	v6 =	vld [tilespmem:s15+$0xFFFFFEE0];
	v1 =	vadd.f32 v1, v7  }
0x3e7: {  	[tilespmem:s4+$0x40] =	vst v2;
	v2 =	vld [tilespmem:s4+$0x50]  }
0x3e8: {  	v7 =	vld [tilespmem:s15+$0xFFFFFF60];
	[tilespmem:s4+$0xFFFFFF40] =	vst v1;
	v0 =	vadd.f32 v4, v0  }
0x3e9: {  	v1 =	vld [tilespmem:s15+$0xFFFFFE60]  }
0x3ea: {  	[tilespmem:s4+$0xD0] =	vst v0;
	v0 =	vld [tilespmem:s4+$0xE0]  }
0x3eb: {  	v3 =	vadd.f32 v6, v3;
	v4 =	vld [tilespmem:s15+$0xFFFFFFF0]  }
0x3ec: {  	s17 =	smulhi.u32 $0x51EB851F, s1;
	v6 =	vld [tilespmem:s4+$0xFFFFFF60]  }
0x3ed: {  	[tilespmem:s4+$0xFFFFFFD0] =	vst v3;
	v2 =	vadd.f32 v7, v2;
	v3 =	vld [tilespmem:s4+$0xFFFFFFE0]  }
0x3ee: {  	s28 =	sshrl.u32 s17, $0x6;
	v7 =	vld [tilespmem:s15+$0xFFFFFEF0];
	v1 =	vadd.f32 v1, v5  }
0x3ef: {  	s5 =	smul.u32 $0xC8, s28;
	[tilespmem:s4+$0x50] =	vst v2;
	v2 =	vld [tilespmem:s4+$0x60]  }
0x3f0: {  	v5 =	vld [tilespmem:s15+$0xFFFFFF70];
	[tilespmem:s4+$0xFFFFFF50] =	vst v1;
	v0 =	vadd.f32 v4, v0  }
0x3f1: {  	s1 =	ssub.s32 s1, s5;
	v4 =	vld [tilespmem:s15+$0xFFFFFE70]  }
0x3f2: {  	v8 =	vld [tilespmem:s4+$0xF0];
	s29 =	ssub.s32 $0xC8, s1;
	[tilespmem:s4+$0xE0] =	vst v0  }
0x3f3: {  	s5 =	smin.u32 s29, $0x80;
	v1 =	vadd.f32 v7, v3;
	v7 =	vld [tilespmem:s15+$0x0]  }
0x3f4: {  	p0 =	sgt.u32 s5, $0x4;
	v0 =	vld [tilespmem:s4+$0xFFFFFF70]  }
.Ltmp19:
0x3f5: {  	[tilespmem:s4+$0xFFFFFFE0] =	vst v1;
	v2 =	vadd.f32 v5, v2;
	v1 =	vld [tilespmem:s4+$0xFFFFFFF0];
	(pc) =	sbr.rel @!p0 .LBB2_22-.Ltmp19, $4  }
0x3f6: {  	v3 =	vld [tilespmem:s15+$0xFFFFFF00];
	v4 =	vadd.f32 v4, v6  }
0x3f7: {  	[tilespmem:s4+$0x60] =	vst v2;
	v2 =	vld [tilespmem:s4+$0x70]  }
0x3f8: {  	[tilespmem:s4+$0xFFFFFF60] =	vst v4;
	v4 =	vld [tilespmem:s15+$0xFFFFFF80];
	v6 =	vadd.f32 v7, v8  }
0x3f9: {  	s6 =	simm.s32 $0x4;
	s12 =	simm.s32 $0x18B00;
	v5 =	vld [tilespmem:s15+$0xFFFFFE80];
	s17 =	rddreg [dreg:$0x13]  }
.LBB2_21:
0x3fa: {  	v7 =	vld [tilespmem:s12+$0x80];
	[tilespmem:s4+$0xF0] =	vst v6;
	s15 =	sadd.s32 $0x200, s15  }
0x3fb: {  	s6 =	sadd.s32 $0x4, s6;
	v6 =	vld [tilespmem:s15+$0xFFFFFF90];
	v1 =	vadd.f32 v3, v1  }
0x3fc: {  	p0 =	slt.u32 s6, s5;
	v3 =	vld [tilespmem:s15+$0xFFFFFE10]  }
0x3fd: {  	v8 =	vld [tilespmem:s12+$0xFFFFFF80];
	[tilespmem:s4+$0xFFFFFFF0] =	vst v1;
	v1 =	vadd.f32 v4, v2  }
0x3fe: {  	v2 =	vld [tilespmem:s15+$0xFFFFFE90];
	v0 =	vadd.f32 v5, v0  }
0x3ff: {  	v4 =	vld [tilespmem:s12+$0x0];
	[tilespmem:s4+$0x70] =	vst v1  }
0x400: {  	v1 =	vld [tilespmem:s15+$0xFFFFFF10];
	v5 =	vadd.f32 v6, v7;
	[tilespmem:s4+$0xFFFFFF70] =	vst v0;
	s4 =	smov.u32 s12  }
0x401: {  	v0 =	vld [tilespmem:s12+$0xFFFFFF00]  }
0x402: {  	[tilespmem:s12+$0x80] =	vst v5;
	v5 =	vld [tilespmem:s12+$0x90]  }
0x403: {  	v2 =	vadd.f32 v2, v8;
	v6 =	vld [tilespmem:s15+$0xFFFFFFA0]  }
0x404: {  	v7 =	vld [tilespmem:s12+$0xFFFFFF10]  }
0x405: {  	[tilespmem:s12+$0xFFFFFF80] =	vst v2;
	v2 =	vld [tilespmem:s12+$0xFFFFFF90];
	v1 =	vadd.f32 v1, v4  }
0x406: {  	v0 =	vadd.f32 v3, v0;
	v3 =	vld [tilespmem:s15+$0xFFFFFEA0]  }
0x407: {  	[tilespmem:s12+$0x0] =	vst v1;
	v1 =	vld [tilespmem:s12+$0x10]  }
0x408: {  	[tilespmem:s12+$0xFFFFFF00] =	vst v0;
	v0 =	vld [tilespmem:s15+$0xFFFFFF20];
	v4 =	vadd.f32 v6, v5  }
0x409: {  	v5 =	vld [tilespmem:s15+$0xFFFFFE20]  }
0x40a: {  	[tilespmem:s12+$0x90] =	vst v4;
	v4 =	vld [tilespmem:s12+$0xA0]  }
0x40b: {  	v2 =	vadd.f32 v3, v2;
	v3 =	vld [tilespmem:s15+$0xFFFFFFB0]  }
0x40c: {  	v6 =	vld [tilespmem:s12+$0xFFFFFF20]  }
0x40d: {  	[tilespmem:s12+$0xFFFFFF90] =	vst v2;
	v2 =	vld [tilespmem:s12+$0xFFFFFFA0];
	v0 =	vadd.f32 v0, v1  }
0x40e: {  	v1 =	vadd.f32 v5, v7;
	v5 =	vld [tilespmem:s15+$0xFFFFFEB0]  }
0x40f: {  	[tilespmem:s12+$0x10] =	vst v0;
	v0 =	vld [tilespmem:s12+$0x20]  }
0x410: {  	[tilespmem:s12+$0xFFFFFF10] =	vst v1;
	v1 =	vld [tilespmem:s15+$0xFFFFFF30];
	v3 =	vadd.f32 v3, v4  }
0x411: {  	v4 =	vld [tilespmem:s15+$0xFFFFFE30]  }
0x412: {  	[tilespmem:s12+$0xA0] =	vst v3;
	v3 =	vld [tilespmem:s12+$0xB0]  }
0x413: {  	v2 =	vadd.f32 v5, v2;
	v5 =	vld [tilespmem:s15+$0xFFFFFFC0]  }
0x414: {  	v7 =	vld [tilespmem:s12+$0xFFFFFF30]  }
0x415: {  	[tilespmem:s12+$0xFFFFFFA0] =	vst v2;
	v2 =	vld [tilespmem:s12+$0xFFFFFFB0];
	v0 =	vadd.f32 v1, v0  }
0x416: {  	v1 =	vadd.f32 v4, v6;
	v4 =	vld [tilespmem:s15+$0xFFFFFEC0]  }
0x417: {  	[tilespmem:s12+$0x20] =	vst v0;
	v0 =	vld [tilespmem:s12+$0x30]  }
0x418: {  	[tilespmem:s12+$0xFFFFFF20] =	vst v1;
	v1 =	vld [tilespmem:s15+$0xFFFFFF40];
	v3 =	vadd.f32 v5, v3  }
0x419: {  	v5 =	vld [tilespmem:s15+$0xFFFFFE40]  }
0x41a: {  	[tilespmem:s12+$0xB0] =	vst v3;
	v3 =	vld [tilespmem:s12+$0xC0]  }
0x41b: {  	v2 =	vadd.f32 v4, v2;
	v4 =	vld [tilespmem:s15+$0xFFFFFFD0]  }
0x41c: {  	v6 =	vld [tilespmem:s12+$0xFFFFFF40]  }
0x41d: {  	[tilespmem:s12+$0xFFFFFFB0] =	vst v2;
	v2 =	vld [tilespmem:s12+$0xFFFFFFC0];
	v0 =	vadd.f32 v1, v0  }
0x41e: {  	v1 =	vadd.f32 v5, v7;
	v5 =	vld [tilespmem:s15+$0xFFFFFED0]  }
0x41f: {  	[tilespmem:s12+$0x30] =	vst v0;
	v0 =	vld [tilespmem:s12+$0x40]  }
0x420: {  	[tilespmem:s12+$0xFFFFFF30] =	vst v1;
	v1 =	vld [tilespmem:s15+$0xFFFFFF50];
	v3 =	vadd.f32 v4, v3  }
0x421: {  	v4 =	vld [tilespmem:s15+$0xFFFFFE50]  }
0x422: {  	[tilespmem:s12+$0xC0] =	vst v3;
	v3 =	vld [tilespmem:s12+$0xD0]  }
0x423: {  	v2 =	vadd.f32 v5, v2;
	v5 =	vld [tilespmem:s15+$0xFFFFFFE0]  }
0x424: {  	v7 =	vld [tilespmem:s12+$0xFFFFFF50]  }
0x425: {  	[tilespmem:s12+$0xFFFFFFC0] =	vst v2;
	v2 =	vld [tilespmem:s12+$0xFFFFFFD0];
	v0 =	vadd.f32 v1, v0  }
0x426: {  	v1 =	vadd.f32 v4, v6;
	v4 =	vld [tilespmem:s15+$0xFFFFFEE0]  }
0x427: {  	[tilespmem:s12+$0x40] =	vst v0;
	v0 =	vld [tilespmem:s12+$0x50]  }
0x428: {  	[tilespmem:s12+$0xFFFFFF40] =	vst v1;
	v1 =	vld [tilespmem:s15+$0xFFFFFF60];
	v3 =	vadd.f32 v5, v3  }
0x429: {  	v5 =	vld [tilespmem:s15+$0xFFFFFE60]  }
0x42a: {  	[tilespmem:s12+$0xD0] =	vst v3;
	v3 =	vld [tilespmem:s12+$0xE0]  }
0x42b: {  	v2 =	vadd.f32 v4, v2;
	v4 =	vld [tilespmem:s15+$0xFFFFFFF0]  }
0x42c: {  	v6 =	vld [tilespmem:s12+$0xFFFFFF60]  }
0x42d: {  	[tilespmem:s12+$0xFFFFFFD0] =	vst v2;
	v2 =	vld [tilespmem:s12+$0xFFFFFFE0];
	v0 =	vadd.f32 v1, v0  }
0x42e: {  	v1 =	vadd.f32 v5, v7;
	v5 =	vld [tilespmem:s15+$0xFFFFFEF0]  }
0x42f: {  	[tilespmem:s12+$0x50] =	vst v0;
	v7 =	vld [tilespmem:s12+$0x60]  }
0x430: {  	[tilespmem:s12+$0xFFFFFF50] =	vst v1;
	v8 =	vld [tilespmem:s15+$0xFFFFFF70];
	v0 =	vadd.f32 v4, v3  }
0x431: {  	v3 =	vld [tilespmem:s15+$0xFFFFFE70]  }
0x432: {  	[tilespmem:s12+$0xE0] =	vst v0;
	v9 =	vld [tilespmem:s12+$0xF0]  }
0x433: {  	v1 =	vadd.f32 v5, v2;
	v5 =	vld [tilespmem:s15+$0x0]  }
0x434: {  	v0 =	vld [tilespmem:s12+$0xFFFFFF70]  }
.Ltmp20:
0x435: {  	[tilespmem:s12+$0xFFFFFFE0] =	vst v1;
	v1 =	vld [tilespmem:s12+$0xFFFFFFF0];
	v2 =	vadd.f32 v8, v7;
	(pc) =	sbr.rel @p0 .LBB2_21-.Ltmp20, $4  }
0x436: {  	v4 =	vadd.f32 v3, v6;
	v3 =	vld [tilespmem:s15+$0xFFFFFF00]  }
0x437: {  	[tilespmem:s12+$0x60] =	vst v2;
	v2 =	vld [tilespmem:s12+$0x70]  }
0x438: {  	[tilespmem:s12+$0xFFFFFF60] =	vst v4;
	v4 =	vld [tilespmem:s15+$0xFFFFFF80];
	v6 =	vadd.f32 v5, v9  }
0x439: {  	s12 =	sadd.s32 $0x200, s12;
	v5 =	vld [tilespmem:s15+$0xFFFFFE80]  }
.LBB2_22:
0x43a: {  	_ =	sdelay $0x1  }
0x43b: {  	v1 =	vadd.f32 v3, v1  }
0x43c: {  	[tilespmem:s4+$0xF0] =	vst v6;
	p0 =	sgt.u32 s1, $0x48;
	v2 =	vadd.f32 v4, v2  }
.Ltmp21:
0x43d: {  	[tilespmem:s4+$0xFFFFFFF0] =	vst v1;
	v0 =	vadd.f32 v5, v0;
	(pc) =	sbr.rel @!p0 .LBB2_26-.Ltmp21, $4  }
0x43e: {  	[tilespmem:s4+$0x70] =	vst v2  }
0x43f: {  	[tilespmem:s4+$0xFFFFFF70] =	vst v0  }
0x440: {  	s6 =	rddreg [dreg:$0xf]  }
0x441: {  	s15 =	rddreg [dreg:$0x11]  }
0x442: {  	v0 =	vld [tilespmem:s24+$0x80]  }
0x443: {  	v1 =	vld [tilespmem:s11+$0x0]  }
0x444: {  	v2 =	vld [tilespmem:s24+$0xFFFFFF80]  }
0x445: {  	v3 =	vld [tilespmem:s11+$0xFFFFFF00]  }
0x446: {  	v4 =	vld [tilespmem:s24+$0x0]  }
0x447: {  	v5 =	vld [tilespmem:s11+$0xFFFFFF80];
	_ =	sdelay $0x1  }
0x448: {  	v6 =	vld [tilespmem:s24+$0xFFFFFF00];
	v0 =	vadd.f32 v1, v0  }
0x449: {  	v1 =	vld [tilespmem:s11+$0xFFFFFE80];
	v2 =	vadd.f32 v3, v2  }
0x44a: {  	[tilespmem:s24+$0x80] =	vst v0;
	v0 =	vld [tilespmem:s24+$0x90]  }
0x44b: {  	[tilespmem:s24+$0xFFFFFF80] =	vst v2;
	v2 =	vadd.f32 v5, v4;
	v4 =	vld [tilespmem:s24+$0xFFFFFF90]  }
0x44c: {  	v3 =	vld [tilespmem:s11+$0x10]  }
0x44d: {  	v5 =	vld [tilespmem:s11+$0xFFFFFF10];
	_ =	sdelay $0x1  }
0x44e: {  	v7 =	vld [tilespmem:s24+$0xFFFFFF10];
	v1 =	vadd.f32 v1, v6  }
0x44f: {  	[tilespmem:s24+$0x0] =	vst v2;
	v2 =	vld [tilespmem:s24+$0x10]  }
0x450: {  	v6 =	vld [tilespmem:s11+$0xFFFFFF90];
	[tilespmem:s24+$0xFFFFFF00] =	vst v1;
	v0 =	vadd.f32 v3, v0  }
0x451: {  	v1 =	vld [tilespmem:s11+$0xFFFFFE90];
	v3 =	vadd.f32 v5, v4  }
0x452: {  	[tilespmem:s24+$0x90] =	vst v0;
	v0 =	vld [tilespmem:s24+$0xA0]  }
0x453: {  	[tilespmem:s24+$0xFFFFFF90] =	vst v3;
	v3 =	vld [tilespmem:s24+$0xFFFFFFA0]  }
0x454: {  	v4 =	vld [tilespmem:s11+$0x20]  }
0x455: {  	v2 =	vadd.f32 v6, v2;
	v6 =	vld [tilespmem:s11+$0xFFFFFF20];
	_ =	sdelay $0x1  }
0x456: {  	v5 =	vld [tilespmem:s24+$0xFFFFFF20];
	v1 =	vadd.f32 v1, v7  }
0x457: {  	[tilespmem:s24+$0x10] =	vst v2;
	v2 =	vld [tilespmem:s24+$0x20]  }
0x458: {  	v7 =	vld [tilespmem:s11+$0xFFFFFFA0];
	[tilespmem:s24+$0xFFFFFF10] =	vst v1;
	v0 =	vadd.f32 v4, v0  }
0x459: {  	v1 =	vld [tilespmem:s11+$0xFFFFFEA0];
	v3 =	vadd.f32 v6, v3  }
0x45a: {  	[tilespmem:s24+$0xA0] =	vst v0;
	v0 =	vld [tilespmem:s24+$0xB0]  }
0x45b: {  	[tilespmem:s24+$0xFFFFFFA0] =	vst v3;
	v3 =	vld [tilespmem:s24+$0xFFFFFFB0]  }
0x45c: {  	v4 =	vld [tilespmem:s11+$0x30]  }
0x45d: {  	v2 =	vadd.f32 v7, v2;
	v7 =	vld [tilespmem:s11+$0xFFFFFF30];
	_ =	sdelay $0x1  }
0x45e: {  	v6 =	vld [tilespmem:s24+$0xFFFFFF30];
	v1 =	vadd.f32 v1, v5  }
0x45f: {  	[tilespmem:s24+$0x20] =	vst v2;
	v2 =	vld [tilespmem:s24+$0x30]  }
0x460: {  	v5 =	vld [tilespmem:s11+$0xFFFFFFB0];
	[tilespmem:s24+$0xFFFFFF20] =	vst v1;
	v0 =	vadd.f32 v4, v0  }
0x461: {  	v1 =	vld [tilespmem:s11+$0xFFFFFEB0];
	v3 =	vadd.f32 v7, v3  }
0x462: {  	[tilespmem:s24+$0xB0] =	vst v0;
	v0 =	vld [tilespmem:s24+$0xC0]  }
0x463: {  	[tilespmem:s24+$0xFFFFFFB0] =	vst v3;
	v3 =	vld [tilespmem:s24+$0xFFFFFFC0]  }
0x464: {  	v4 =	vld [tilespmem:s11+$0x40]  }
0x465: {  	v2 =	vadd.f32 v5, v2;
	v5 =	vld [tilespmem:s11+$0xFFFFFF40];
	_ =	sdelay $0x1  }
0x466: {  	v7 =	vld [tilespmem:s24+$0xFFFFFF40];
	v1 =	vadd.f32 v1, v6  }
0x467: {  	[tilespmem:s24+$0x30] =	vst v2;
	v2 =	vld [tilespmem:s24+$0x40]  }
0x468: {  	v6 =	vld [tilespmem:s11+$0xFFFFFFC0];
	[tilespmem:s24+$0xFFFFFF30] =	vst v1;
	v0 =	vadd.f32 v4, v0  }
0x469: {  	v1 =	vld [tilespmem:s11+$0xFFFFFEC0];
	v3 =	vadd.f32 v5, v3  }
0x46a: {  	[tilespmem:s24+$0xC0] =	vst v0;
	v0 =	vld [tilespmem:s24+$0xD0]  }
0x46b: {  	[tilespmem:s24+$0xFFFFFFC0] =	vst v3;
	v3 =	vld [tilespmem:s24+$0xFFFFFFD0]  }
0x46c: {  	v4 =	vld [tilespmem:s11+$0x50]  }
0x46d: {  	v2 =	vadd.f32 v6, v2;
	v6 =	vld [tilespmem:s11+$0xFFFFFF50];
	_ =	sdelay $0x1  }
0x46e: {  	[tilespmem:s24+$0x40] =	vst v2;
	v2 =	vld [tilespmem:s24+$0x50];
	v1 =	vadd.f32 v1, v7  }
0x46f: {  	v7 =	vld [tilespmem:s11+$0xFFFFFFD0]  }
0x470: {  	v5 =	vld [tilespmem:s24+$0xFFFFFF50];
	[tilespmem:s24+$0xFFFFFF40] =	vst v1;
	v0 =	vadd.f32 v4, v0  }
0x471: {  	v1 =	vld [tilespmem:s11+$0xFFFFFED0];
	v3 =	vadd.f32 v6, v3  }
0x472: {  	[tilespmem:s24+$0xD0] =	vst v0;
	v0 =	vld [tilespmem:s24+$0xE0]  }
0x473: {  	[tilespmem:s24+$0xFFFFFFD0] =	vst v3;
	v3 =	vld [tilespmem:s24+$0xFFFFFFE0]  }
0x474: {  	v2 =	vadd.f32 v7, v2;
	v4 =	vld [tilespmem:s11+$0x60]  }
0x475: {  	v7 =	vld [tilespmem:s11+$0xFFFFFF60]  }
0x476: {  	[tilespmem:s24+$0x50] =	vst v2;
	v2 =	vld [tilespmem:s24+$0x60]  }
0x477: {  	v1 =	vadd.f32 v1, v5;
	v5 =	vld [tilespmem:s11+$0xFFFFFFE0];
	_ =	sdelay $0x2  }
0x478: {  	v0 =	vadd.f32 v4, v0  }
0x479: {  	v6 =	vld [tilespmem:s24+$0xFFFFFF60];
	[tilespmem:s24+$0xFFFFFF50] =	vst v1;
	v1 =	vadd.f32 v7, v3  }
0x47a: {  	v4 =	vld [tilespmem:s11+$0xFFFFFEE0];
	[tilespmem:s24+$0xE0] =	vst v0;
	v2 =	vadd.f32 v5, v2  }
0x47b: {  	v8 =	vld [tilespmem:s24+$0xF0];
	[tilespmem:s24+$0xFFFFFFE0] =	vst v1  }
0x47c: {  	v0 =	vld [tilespmem:s24+$0xFFFFFF70];
	[tilespmem:s24+$0x60] =	vst v2  }
0x47d: {  	v1 =	vld [tilespmem:s24+$0xFFFFFFF0];
	s1 =	rddreg [dreg:$0x12]  }
0x47e: {  	v7 =	vld [tilespmem:s11+$0x70];
	s1 =	sadd.s32 $0x4, s1  }
0x47f: {  	v3 =	vld [tilespmem:s11+$0xFFFFFF70];
	v4 =	vadd.f32 v4, v6;
	p0 =	slt.u32 s1, $0x7C  }
.Ltmp22:
0x480: {  	v2 =	vld [tilespmem:s24+$0x70];
	(pc) =	sbr.rel @!p0 .LBB2_25-.Ltmp22, $4  }
0x481: {  	[tilespmem:s24+$0xFFFFFF60] =	vst v4;
	v4 =	vld [tilespmem:s11+$0xFFFFFFF0]  }
0x482: {  	v5 =	vld [tilespmem:s11+$0xFFFFFEF0]  }
0x483: {  	v6 =	vadd.f32 v7, v8  }
0x484: {  	s4 =	sadd.s32 $0x200, s24  }
.LBB2_24:
0x485: {  	v7 =	vld [tilespmem:s4+$0x80];
	[tilespmem:s24+$0xF0] =	vst v6;
	s11 =	sadd.s32 $0x200, s11  }
0x486: {  	s1 =	sadd.s32 $0x4, s1;
	v1 =	vadd.f32 v3, v1;
	v6 =	vld [tilespmem:s11+$0x0]  }
0x487: {  	p0 =	slt.u32 s1, $0x7C;
	v3 =	vld [tilespmem:s11+$0xFFFFFE80]  }
0x488: {  	v8 =	vld [tilespmem:s4+$0xFFFFFF80];
	[tilespmem:s24+$0xFFFFFFF0] =	vst v1;
	v1 =	vadd.f32 v4, v2  }
0x489: {  	v0 =	vadd.f32 v5, v0;
	v2 =	vld [tilespmem:s11+$0xFFFFFF00]  }
0x48a: {  	v4 =	vld [tilespmem:s4+$0x0];
	[tilespmem:s24+$0x70] =	vst v1  }
0x48b: {  	v1 =	vld [tilespmem:s11+$0xFFFFFF80];
	v5 =	vadd.f32 v6, v7;
	[tilespmem:s24+$0xFFFFFF70] =	vst v0;
	s24 =	smov.u32 s4  }
0x48c: {  	v0 =	vld [tilespmem:s4+$0xFFFFFF00]  }
0x48d: {  	[tilespmem:s4+$0x80] =	vst v5;
	v5 =	vld [tilespmem:s4+$0x90]  }
0x48e: {  	v2 =	vadd.f32 v2, v8;
	v6 =	vld [tilespmem:s11+$0x10]  }
0x48f: {  	v7 =	vld [tilespmem:s4+$0xFFFFFF10]  }
0x490: {  	[tilespmem:s4+$0xFFFFFF80] =	vst v2;
	v2 =	vld [tilespmem:s4+$0xFFFFFF90];
	v1 =	vadd.f32 v1, v4  }
0x491: {  	v0 =	vadd.f32 v3, v0;
	v3 =	vld [tilespmem:s11+$0xFFFFFF10]  }
0x492: {  	[tilespmem:s4+$0x0] =	vst v1;
	v1 =	vld [tilespmem:s4+$0x10]  }
0x493: {  	[tilespmem:s4+$0xFFFFFF00] =	vst v0;
	v0 =	vld [tilespmem:s11+$0xFFFFFF90];
	v4 =	vadd.f32 v6, v5  }
0x494: {  	v5 =	vld [tilespmem:s11+$0xFFFFFE90]  }
0x495: {  	[tilespmem:s4+$0x90] =	vst v4;
	v4 =	vld [tilespmem:s4+$0xA0]  }
0x496: {  	v2 =	vadd.f32 v3, v2;
	v3 =	vld [tilespmem:s11+$0x20]  }
0x497: {  	v6 =	vld [tilespmem:s4+$0xFFFFFF20]  }
0x498: {  	[tilespmem:s4+$0xFFFFFF90] =	vst v2;
	v2 =	vld [tilespmem:s4+$0xFFFFFFA0];
	v0 =	vadd.f32 v0, v1  }
0x499: {  	v1 =	vadd.f32 v5, v7;
	v5 =	vld [tilespmem:s11+$0xFFFFFF20]  }
0x49a: {  	[tilespmem:s4+$0x10] =	vst v0;
	v0 =	vld [tilespmem:s4+$0x20]  }
0x49b: {  	[tilespmem:s4+$0xFFFFFF10] =	vst v1;
	v1 =	vld [tilespmem:s11+$0xFFFFFFA0];
	v3 =	vadd.f32 v3, v4  }
0x49c: {  	v4 =	vld [tilespmem:s11+$0xFFFFFEA0]  }
0x49d: {  	[tilespmem:s4+$0xA0] =	vst v3;
	v3 =	vld [tilespmem:s4+$0xB0]  }
0x49e: {  	v2 =	vadd.f32 v5, v2;
	v5 =	vld [tilespmem:s11+$0x30]  }
0x49f: {  	v7 =	vld [tilespmem:s4+$0xFFFFFF30]  }
0x4a0: {  	[tilespmem:s4+$0xFFFFFFA0] =	vst v2;
	v2 =	vld [tilespmem:s4+$0xFFFFFFB0];
	v0 =	vadd.f32 v1, v0  }
0x4a1: {  	v1 =	vadd.f32 v4, v6;
	v4 =	vld [tilespmem:s11+$0xFFFFFF30]  }
0x4a2: {  	[tilespmem:s4+$0x20] =	vst v0;
	v0 =	vld [tilespmem:s4+$0x30]  }
0x4a3: {  	[tilespmem:s4+$0xFFFFFF20] =	vst v1;
	v1 =	vld [tilespmem:s11+$0xFFFFFFB0];
	v3 =	vadd.f32 v5, v3  }
0x4a4: {  	v5 =	vld [tilespmem:s11+$0xFFFFFEB0]  }
0x4a5: {  	[tilespmem:s4+$0xB0] =	vst v3;
	v3 =	vld [tilespmem:s4+$0xC0]  }
0x4a6: {  	v2 =	vadd.f32 v4, v2;
	v4 =	vld [tilespmem:s11+$0x40]  }
0x4a7: {  	v6 =	vld [tilespmem:s4+$0xFFFFFF40]  }
0x4a8: {  	[tilespmem:s4+$0xFFFFFFB0] =	vst v2;
	v2 =	vld [tilespmem:s4+$0xFFFFFFC0];
	v0 =	vadd.f32 v1, v0  }
0x4a9: {  	v1 =	vadd.f32 v5, v7;
	v5 =	vld [tilespmem:s11+$0xFFFFFF40]  }
0x4aa: {  	[tilespmem:s4+$0x30] =	vst v0;
	v0 =	vld [tilespmem:s4+$0x40]  }
0x4ab: {  	[tilespmem:s4+$0xFFFFFF30] =	vst v1;
	v1 =	vld [tilespmem:s11+$0xFFFFFFC0];
	v3 =	vadd.f32 v4, v3  }
0x4ac: {  	v4 =	vld [tilespmem:s11+$0xFFFFFEC0]  }
0x4ad: {  	[tilespmem:s4+$0xC0] =	vst v3;
	v3 =	vld [tilespmem:s4+$0xD0]  }
0x4ae: {  	v2 =	vadd.f32 v5, v2;
	v5 =	vld [tilespmem:s11+$0x50]  }
0x4af: {  	v7 =	vld [tilespmem:s4+$0xFFFFFF50]  }
0x4b0: {  	[tilespmem:s4+$0xFFFFFFC0] =	vst v2;
	v2 =	vld [tilespmem:s4+$0xFFFFFFD0];
	v0 =	vadd.f32 v1, v0  }
0x4b1: {  	v1 =	vadd.f32 v4, v6;
	v4 =	vld [tilespmem:s11+$0xFFFFFF50]  }
0x4b2: {  	[tilespmem:s4+$0x40] =	vst v0;
	v0 =	vld [tilespmem:s4+$0x50]  }
0x4b3: {  	[tilespmem:s4+$0xFFFFFF40] =	vst v1;
	v1 =	vld [tilespmem:s11+$0xFFFFFFD0];
	v3 =	vadd.f32 v5, v3  }
0x4b4: {  	v5 =	vld [tilespmem:s11+$0xFFFFFED0]  }
0x4b5: {  	[tilespmem:s4+$0xD0] =	vst v3;
	v3 =	vld [tilespmem:s4+$0xE0]  }
0x4b6: {  	v2 =	vadd.f32 v4, v2;
	v4 =	vld [tilespmem:s11+$0x60]  }
0x4b7: {  	v6 =	vld [tilespmem:s4+$0xFFFFFF60]  }
0x4b8: {  	[tilespmem:s4+$0xFFFFFFD0] =	vst v2;
	v2 =	vld [tilespmem:s4+$0xFFFFFFE0];
	v0 =	vadd.f32 v1, v0  }
0x4b9: {  	v1 =	vadd.f32 v5, v7;
	v5 =	vld [tilespmem:s11+$0xFFFFFF60]  }
0x4ba: {  	[tilespmem:s4+$0x50] =	vst v0;
	v7 =	vld [tilespmem:s4+$0x60]  }
0x4bb: {  	[tilespmem:s4+$0xFFFFFF50] =	vst v1;
	v8 =	vld [tilespmem:s11+$0xFFFFFFE0];
	v0 =	vadd.f32 v4, v3  }
0x4bc: {  	v3 =	vld [tilespmem:s11+$0xFFFFFEE0]  }
0x4bd: {  	[tilespmem:s4+$0xE0] =	vst v0;
	v9 =	vld [tilespmem:s4+$0xF0]  }
0x4be: {  	v1 =	vadd.f32 v5, v2;
	v5 =	vld [tilespmem:s11+$0x70]  }
0x4bf: {  	v0 =	vld [tilespmem:s4+$0xFFFFFF70]  }
.Ltmp23:
0x4c0: {  	[tilespmem:s4+$0xFFFFFFE0] =	vst v1;
	v1 =	vld [tilespmem:s4+$0xFFFFFFF0];
	v2 =	vadd.f32 v8, v7;
	(pc) =	sbr.rel @p0 .LBB2_24-.Ltmp23, $4  }
0x4c1: {  	v4 =	vadd.f32 v3, v6;
	v3 =	vld [tilespmem:s11+$0xFFFFFF70]  }
0x4c2: {  	[tilespmem:s4+$0x60] =	vst v2;
	v2 =	vld [tilespmem:s4+$0x70]  }
0x4c3: {  	[tilespmem:s4+$0xFFFFFF60] =	vst v4;
	v4 =	vld [tilespmem:s11+$0xFFFFFFF0];
	v6 =	vadd.f32 v5, v9  }
0x4c4: {  	s4 =	sadd.s32 $0x200, s4;
	v5 =	vld [tilespmem:s11+$0xFFFFFEF0]  }
.Ltmp24:
0x4c5: {  	_ = 	snop;
	(pc) =	sbr.rel .LBB2_25-.Ltmp24, $1  }
0x4c6: {  	_ =	sdelay $0x3  }
.LBB2_28:
0x4c7: {  	_ =	sfence.sel $0x180000  }
0x4c8: {  	[bflag:$0x0] =	sbarrier.arrive $0xFFFF  }
0x4c9: {  	_ =	strace $0x90000047  }
0x4ca: {  	s0 =	stileid.u32;
	[bflag:$0x2] =	sbarrier.arrive $0xFFFF  }
0x4cb: {  	p0 =	sne.s32 s0, $0x0;
	s0 =	rddreg [dreg:$0x4]  }
0x4cc: {  	s0 =	sadd.s32 @!p0 $0x100000, s0  }
0x4cd: {  	[sflag:s0] =	ssyncadd.tile.s32 @!p0 $0x1;
	_ =	shalt  }
.Lfunc_end2:
_tile_overlayer_lowered:
.L_overlay_start_2:
0x4ce: {  	(tag) =	ssettag $0x2  }
0x4cf: {  	s0 =	rddreg [dreg:$0x0];
	s2 =	stileid.u32  }
0x4d0: {  	s1 =	rddreg [dreg:$0x1];
	p0 =	sne.s32 s2, $0x0  }
0x4d1: {  	s3 =	rddreg [dreg:$0x2];
	[bflag:$0x3] =	sbarrier.arrive $0xFFFF;
	s2 =	simm.s32 @!p0 $0x1C09  }
0x4d2: {  	[timem:s3], [sflag:s2] =	dma.local @!p0 [hbm:s0], s1  }
0x4d3: {  	s0 =	simm.s32 @!p0 $0x9  }
0x4d4: {  	_ =	swait.ge @!p0 [sflag:s0], s1  }
0x4d5: {  	s1 =	ssub.s32 @!p0 $0x0, s1;
	[sflag:s0] =	ssyncset.done @!p0 $0x0  }
0x4d6: {  	[sflag:s0] =	ssyncadd.s32 @!p0 s1  }
0x4d7: {  	[bflag:$0x3] =	sbarrier.arrive $0xFFFF  }
0x4d8: {  	_ =	shalt  }

</sc_bundles>
